<compile_context>
chip_gen: v7x
topology: tpu7x:2x2x1
jax: 0.10.2.dev20260603
libtpu: 0.0.44.dev20260713+nightly
codegen_flags: <defaults>
</compile_context>

<pallas_src>
import functools

import jax
import jax.numpy as jnp
from jax import lax
from jax.experimental import pallas as pl
from jax.experimental.pallas import tpu as pltpu
from jax.experimental.pallas import tpu_sc as plsc

_ROWS = 100000


_BC = 4096


def _tc_softmax_t_body(r_ref, ro_ref):
    r = r_ref[...]
    m = jnp.max(r, axis=0, keepdims=True)
    e = jnp.exp(r - m)
    ro_ref[...] = e / jnp.sum(e, axis=0, keepdims=True)


def _tc_softmax(response):
    rt = response.T
    d, n = rt.shape
    out = pl.pallas_call(
        _tc_softmax_t_body,
        grid=(pl.cdiv(n, _BC),),
        in_specs=[pl.BlockSpec((d, _BC), lambda i: (0, i))],
        out_specs=pl.BlockSpec((d, _BC), lambda i: (0, i)),
        out_shape=jax.ShapeDtypeStruct(rt.shape, rt.dtype),
        compiler_params=pltpu.CompilerParams(
            dimension_semantics=("parallel",),
        ),
    )(rt)
    return out.T



_NC = 2
_NS = 16
_NW = _NC * _NS
_CH = 80
_NCH = _ROWS // _CH
_NBUF = 4
_TPW = 40
_LANES = 128
_MAGIC = 8388608.0


def _sc_discretize(query):
    mesh = plsc.VectorSubcoreMesh(core_axis_name="c", subcore_axis_name="s")

    @functools.partial(
        pl.kernel,
        mesh=mesh,
        out_type=jax.ShapeDtypeStruct(query.shape, query.dtype),
        scratch_types=(
            [pltpu.VMEM((_CH, _LANES), jnp.float32)] * (2 * _NBUF)
            + [pltpu.SemaphoreType.DMA] * (2 * _NBUF)
        ),
    )
    def k(q_hbm, out_hbm, *bufs_sems):
        wid = lax.axis_index("s") * _NC + lax.axis_index("c")
        ibufs = bufs_sems[0:_NBUF]
        obufs = bufs_sems[_NBUF:2 * _NBUF]
        isems = bufs_sems[2 * _NBUF:3 * _NBUF]
        osems = bufs_sems[3 * _NBUF:4 * _NBUF]

        def chunk(t):
            return wid + t * _NW

        def src(t):
            return q_hbm.at[pl.ds(chunk(t) * _CH, _CH), :]

        def dst(t):
            return out_hbm.at[pl.ds(chunk(t) * _CH, _CH), :]

        def start_in(t, b):
            @pl.when(chunk(t) < _NCH)
            def _():
                pltpu.async_copy(src(t), ibufs[b], isems[b])

        def compute(ib, ob):
            def row_body(i2, _):
                for r in range(2):
                    i = i2 * 2 + r
                    for j in range(_LANES // 16):
                        x = ib[i, pl.ds(j * 16, 16)]
                        y = jnp.minimum(jnp.maximum(x, 0.0), 1.0) * 255.0
                        y = (y + _MAGIC) - _MAGIC
                        ob[i, pl.ds(j * 16, 16)] = y * (1.0 / 255.0)
                return 0

            lax.fori_loop(0, _CH // 2, row_body, 0)

        for b in range(_NBUF - 1):
            start_in(b, b)

        @pl.loop(0, _TPW, step=_NBUF)
        def _(tt):
            for b in range(_NBUF):
                t = tt + b

                @pl.when(chunk(t) < _NCH)
                def _(t=t, b=b):
                    start_in(t + _NBUF - 1, (b + _NBUF - 1) % _NBUF)
                    pltpu.make_async_copy(src(t), ibufs[b], isems[b]).wait()

                    @pl.when(t >= _NBUF)
                    def _():
                        pltpu.make_async_copy(
                            obufs[b], dst(t - _NBUF), osems[b]
                        ).wait()

                    compute(ibufs[b], obufs[b])
                    pltpu.async_copy(obufs[b], dst(t), osems[b])

        for b in range(_NBUF):
            pltpu.make_async_copy(obufs[b], dst(0), osems[b]).wait()

    return k(query)


def kernel(query, response):
    qo = _sc_discretize(query)
    ro = _tc_softmax(response)
    return (qo, ro)

# --- scband reference (transcript-rebuilt; emitter-appended) ---
"""Pipeline reference for scband-learnable-response-static-query-12945031430368 (READ-ONLY COPY).

The authoritative reference and input builder live on the scoring server;
editing this copy changes nothing except your own understanding.
"""

import jax, jax.numpy as jnp
import numpy as np

QUERY_SIZE = (100000, 128)
RESPONSE_SIZE = (100000,)
QUERY_SCALE = 256
RESPONSE_SCALE = 100


def setup_inputs(seed: int = 0) -> dict:
    key = jax.random.key(seed)
    k1, k2 = jax.random.split(key)
    # buffer: query = randint(0, query_scale, query_size).float() / 255
    query = jax.random.randint(k1, QUERY_SIZE, 0, QUERY_SCALE).astype(jnp.float32) / 255.0
    # parameter: response = randn(*response_size, response_scale)
    response = jax.random.normal(k2, (*RESPONSE_SIZE, RESPONSE_SCALE), dtype=jnp.float32)
    return {"query": query, "response": response}


def _project(x):
    return jnp.clip(x, 0.0, 1.0)


def _discretize(x):
    return jnp.round(x * 255.0) / 255.0


def reference(query, response):
    # eval-mode forward with discretize=True, orig_return=False
    resp = jax.nn.softmax(response, axis=-1)
    q = _discretize(_project(query))
    return (q, resp)

if __name__ == "__main__":
    import jax
    _d = setup_inputs()
    print(jax.jit(kernel)(*tuple(_d.values())))

</pallas_src>

<mosaic_0001>
#map = affine_map<(d0, d1) -> (0, 0)>
module attributes {stable_mosaic.version = 14 : i64} {
  func.func @k(%arg0: i32, %arg1: i32, %arg2: memref<100000x128xf32, #tpu.memory_space<hbm>>, %arg3: memref<100000x128xf32, #tpu.memory_space<hbm>>, %arg4: memref<80x128xf32, #tpu.memory_space<vmem>>, %arg5: memref<80x128xf32, #tpu.memory_space<vmem>>, %arg6: memref<80x128xf32, #tpu.memory_space<vmem>>, %arg7: memref<80x128xf32, #tpu.memory_space<vmem>>, %arg8: memref<80x128xf32, #tpu.memory_space<vmem>>, %arg9: memref<80x128xf32, #tpu.memory_space<vmem>>, %arg10: memref<80x128xf32, #tpu.memory_space<vmem>>, %arg11: memref<80x128xf32, #tpu.memory_space<vmem>>, %arg12: memref<!tpu.dma_semaphore, #tpu.memory_space<semaphore_mem>>, %arg13: memref<!tpu.dma_semaphore, #tpu.memory_space<semaphore_mem>>, %arg14: memref<!tpu.dma_semaphore, #tpu.memory_space<semaphore_mem>>, %arg15: memref<!tpu.dma_semaphore, #tpu.memory_space<semaphore_mem>>, %arg16: memref<!tpu.dma_semaphore, #tpu.memory_space<semaphore_mem>>, %arg17: memref<!tpu.dma_semaphore, #tpu.memory_space<semaphore_mem>>, %arg18: memref<!tpu.dma_semaphore, #tpu.memory_space<semaphore_mem>>, %arg19: memref<!tpu.dma_semaphore, #tpu.memory_space<semaphore_mem>>) attributes {dimension_semantics = [#tpu.dimension_semantics<core_parallel>, #tpu.dimension_semantics<subcore_parallel>], iteration_bounds = array<i64: 2, 16>, scalar_prefetch = 0 : i64, scratch_operands = 16 : i64, tpu.core_type = #tpu.core_type<sc_vector_subcore>, window_params = [{transform_indices = #map}, {transform_indices = #map}]} {
    %mul3A = arith.constant 2 : i32
    %mul3A_0 = arith.muli %arg1, %mul3A : i32
    %add3A = arith.addi %mul3A_0, %arg0 : i32
    %add3A_1 = arith.constant 0 : i32
    %add3A_2 = arith.addi %add3A, %add3A_1 : i32
    %lt3A = arith.constant 1250 : i32
    %lt3A_3 = arith.cmpi slt, %add3A_2, %lt3A : i32
    %convert_element_type3A = arith.extui %lt3A_3 : i1 to i32
    %cond3A = arith.constant 0 : i32
    %cond3A_4 = arith.cmpi ne, %convert_element_type3A, %cond3A : i32
    scf.if %cond3A_4 {
      %add3A_54 = arith.constant 0 : i32
      %add3A_55 = arith.addi %add3A, %add3A_54 : i32
      %mul3A_56 = arith.constant 80 : i32
      %mul3A_57 = arith.muli %add3A_55, %mul3A_56 : i32
      %dma_start3A = arith.constant 0 : i32
      %dma_start3A_58 = tpu.memref_slice %arg2[%mul3A_57, %dma_start3A] : memref<100000x128xf32, #tpu.memory_space<hbm>> -> memref<80x128xf32, #tpu.memory_space<hbm>>
      %dma_start3A_59 = arith.constant 0 : i32
      %dma_start3A_60 = tpu.memref_slice %arg2[%mul3A_57, %dma_start3A_59] : memref<100000x128xf32, #tpu.memory_space<hbm>> -> memref<80x128xf32, #tpu.memory_space<hbm>>
      tpu.enqueue_dma source(%dma_start3A_60 : memref<80x128xf32, #tpu.memory_space<hbm>>) target(%arg4 : memref<80x128xf32, #tpu.memory_space<vmem>>) target_semaphore(%arg12 : memref<!tpu.dma_semaphore, #tpu.memory_space<semaphore_mem>>)
    } else {
    }
    %add3A_5 = arith.constant 32 : i32
    %add3A_6 = arith.addi %add3A, %add3A_5 : i32
    %lt3A_7 = arith.constant 1250 : i32
    %lt3A_8 = arith.cmpi slt, %add3A_6, %lt3A_7 : i32
    %convert_element_type3A_9 = arith.extui %lt3A_8 : i1 to i32
    %cond3A_10 = arith.constant 0 : i32
    %cond3A_11 = arith.cmpi ne, %convert_element_type3A_9, %cond3A_10 : i32
    scf.if %cond3A_11 {
      %add3A_54 = arith.constant 32 : i32
      %add3A_55 = arith.addi %add3A, %add3A_54 : i32
      %mul3A_56 = arith.constant 80 : i32
      %mul3A_57 = arith.muli %add3A_55, %mul3A_56 : i32
      %dma_start3A = arith.constant 0 : i32
      %dma_start3A_58 = tpu.memref_slice %arg2[%mul3A_57, %dma_start3A] : memref<100000x128xf32, #tpu.memory_space<hbm>> -> memref<80x128xf32, #tpu.memory_space<hbm>>
      %dma_start3A_59 = arith.constant 0 : i32
      %dma_start3A_60 = tpu.memref_slice %arg2[%mul3A_57, %dma_start3A_59] : memref<100000x128xf32, #tpu.memory_space<hbm>> -> memref<80x128xf32, #tpu.memory_space<hbm>>
      tpu.enqueue_dma source(%dma_start3A_60 : memref<80x128xf32, #tpu.memory_space<hbm>>) target(%arg5 : memref<80x128xf32, #tpu.memory_space<vmem>>) target_semaphore(%arg13 : memref<!tpu.dma_semaphore, #tpu.memory_space<semaphore_mem>>)
    } else {
    }
    %add3A_12 = arith.constant 64 : i32
    %add3A_13 = arith.addi %add3A, %add3A_12 : i32
    %lt3A_14 = arith.constant 1250 : i32
    %lt3A_15 = arith.cmpi slt, %add3A_13, %lt3A_14 : i32
    %convert_element_type3A_16 = arith.extui %lt3A_15 : i1 to i32
    %cond3A_17 = arith.constant 0 : i32
    %cond3A_18 = arith.cmpi ne, %convert_element_type3A_16, %cond3A_17 : i32
    scf.if %cond3A_18 {
      %add3A_54 = arith.constant 64 : i32
      %add3A_55 = arith.addi %add3A, %add3A_54 : i32
      %mul3A_56 = arith.constant 80 : i32
      %mul3A_57 = arith.muli %add3A_55, %mul3A_56 : i32
      %dma_start3A = arith.constant 0 : i32
      %dma_start3A_58 = tpu.memref_slice %arg2[%mul3A_57, %dma_start3A] : memref<100000x128xf32, #tpu.memory_space<hbm>> -> memref<80x128xf32, #tpu.memory_space<hbm>>
      %dma_start3A_59 = arith.constant 0 : i32
      %dma_start3A_60 = tpu.memref_slice %arg2[%mul3A_57, %dma_start3A_59] : memref<100000x128xf32, #tpu.memory_space<hbm>> -> memref<80x128xf32, #tpu.memory_space<hbm>>
      tpu.enqueue_dma source(%dma_start3A_60 : memref<80x128xf32, #tpu.memory_space<hbm>>) target(%arg6 : memref<80x128xf32, #tpu.memory_space<vmem>>) target_semaphore(%arg14 : memref<!tpu.dma_semaphore, #tpu.memory_space<semaphore_mem>>)
    } else {
    }
    %scan3A = arith.constant 0 : i32
    %scan3A_19 = arith.constant 10 : i32
    %scan3A_20 = arith.addi %scan3A, %scan3A_19 : i32
    %scan3A_21 = arith.constant 1 : i32
    scf.for %scan3A_54 = %scan3A to %scan3A_20 step %scan3A_21  : i32 {
      %mul3A_55 = arith.constant 4 : i32
      %mul3A_56 = arith.muli %scan3A_54, %mul3A_55 : i32
      %add3A_57 = arith.constant 0 : i32
      %add3A_58 = arith.addi %add3A_57, %mul3A_56 : i32
      %add3A_59 = arith.constant 0 : i32
      %add3A_60 = arith.addi %add3A_58, %add3A_59 : i32
      %mul3A_61 = arith.constant 32 : i32
      %mul3A_62 = arith.muli %add3A_60, %mul3A_61 : i32
      %add3A_63 = arith.addi %add3A, %mul3A_62 : i32
      %lt3A_64 = arith.constant 1250 : i32
      %lt3A_65 = arith.cmpi slt, %add3A_63, %lt3A_64 : i32
      %convert_element_type3A_66 = arith.extui %lt3A_65 : i1 to i32
      %cond3A_67 = arith.constant 0 : i32
      %cond3A_68 = arith.cmpi ne, %convert_element_type3A_66, %cond3A_67 : i32
      scf.if %cond3A_68 {
        %add3A_99 = arith.constant 4 : i32
        %add3A_100 = arith.addi %add3A_60, %add3A_99 : i32
        %sub3A = arith.constant 1 : i32
        %sub3A_101 = arith.subi %add3A_100, %sub3A : i32
        %mul3A_102 = arith.constant 32 : i32
        %mul3A_103 = arith.muli %sub3A_101, %mul3A_102 : i32
        %add3A_104 = arith.addi %add3A, %mul3A_103 : i32
        %lt3A_105 = arith.constant 1250 : i32
        %lt3A_106 = arith.cmpi slt, %add3A_104, %lt3A_105 : i32
        %convert_element_type3A_107 = arith.extui %lt3A_106 : i1 to i32
        %cond3A_108 = arith.constant 0 : i32
        %cond3A_109 = arith.cmpi ne, %convert_element_type3A_107, %cond3A_108 : i32
        scf.if %cond3A_109 {
          %mul3A_138 = arith.constant 32 : i32
          %mul3A_139 = arith.muli %sub3A_101, %mul3A_138 : i32
          %add3A_140 = arith.addi %add3A, %mul3A_139 : i32
          %mul3A_141 = arith.constant 80 : i32
          %mul3A_142 = arith.muli %add3A_140, %mul3A_141 : i32
          %dma_start3A_143 = arith.constant 0 : i32
          %dma_start3A_144 = tpu.memref_slice %arg2[%mul3A_142, %dma_start3A_143] : memref<100000x128xf32, #tpu.memory_space<hbm>> -> memref<80x128xf32, #tpu.memory_space<hbm>>
          %dma_start3A_145 = arith.constant 0 : i32
          %dma_start3A_146 = tpu.memref_slice %arg2[%mul3A_142, %dma_start3A_145] : memref<100000x128xf32, #tpu.memory_space<hbm>> -> memref<80x128xf32, #tpu.memory_space<hbm>>
          tpu.enqueue_dma source(%dma_start3A_146 : memref<80x128xf32, #tpu.memory_space<hbm>>) target(%arg7 : memref<80x128xf32, #tpu.memory_space<vmem>>) target_semaphore(%arg15 : memref<!tpu.dma_semaphore, #tpu.memory_space<semaphore_mem>>)
        } else {
        }
        %mul3A_110 = arith.constant 32 : i32
        %mul3A_111 = arith.muli %add3A_60, %mul3A_110 : i32
        %add3A_112 = arith.addi %add3A, %mul3A_111 : i32
        %mul3A_113 = arith.constant 80 : i32
        %mul3A_114 = arith.muli %add3A_112, %mul3A_113 : i32
        %dma_wait3A_115 = arith.constant 0 : i32
        %dma_wait3A_116 = tpu.memref_slice %arg2[%mul3A_114, %dma_wait3A_115] : memref<100000x128xf32, #tpu.memory_space<hbm>> -> memref<80x128xf32, #tpu.memory_space<hbm>>
        %dma_wait3A_117 = arith.constant 0 : i32
        %dma_wait3A_118 = tpu.memref_slice %arg2[%mul3A_114, %dma_wait3A_117] : memref<100000x128xf32, #tpu.memory_space<hbm>> -> memref<80x128xf32, #tpu.memory_space<hbm>>
        tpu.wait_dma2 semaphore(%arg12 : memref<!tpu.dma_semaphore, #tpu.memory_space<semaphore_mem>>) src(%dma_wait3A_118 : memref<80x128xf32, #tpu.memory_space<hbm>>) dst(%arg4 : memref<80x128xf32, #tpu.memory_space<vmem>>)
        %ge3A = arith.constant 4 : i32
        %ge3A_119 = arith.cmpi sge, %add3A_60, %ge3A : i32
        %convert_element_type3A_120 = arith.extui %ge3A_119 : i1 to i32
        %cond3A_121 = arith.constant 0 : i32
        %cond3A_122 = arith.cmpi ne, %convert_element_type3A_120, %cond3A_121 : i32
        scf.if %cond3A_122 {
          %sub3A_138 = arith.constant 4 : i32
          %sub3A_139 = arith.subi %add3A_60, %sub3A_138 : i32
          %mul3A_140 = arith.constant 32 : i32
          %mul3A_141 = arith.muli %sub3A_139, %mul3A_140 : i32
          %add3A_142 = arith.addi %add3A, %mul3A_141 : i32
          %mul3A_143 = arith.constant 80 : i32
          %mul3A_144 = arith.muli %add3A_142, %mul3A_143 : i32
          %dma_wait3A_145 = arith.constant 0 : i32
          %dma_wait3A_146 = tpu.memref_slice %arg3[%mul3A_144, %dma_wait3A_145] : memref<100000x128xf32, #tpu.memory_space<hbm>> -> memref<80x128xf32, #tpu.memory_space<hbm>>
          %dma_wait3A_147 = arith.constant 0 : i32
          %dma_wait3A_148 = tpu.memref_slice %arg3[%mul3A_144, %dma_wait3A_147] : memref<100000x128xf32, #tpu.memory_space<hbm>> -> memref<80x128xf32, #tpu.memory_space<hbm>>
          tpu.wait_dma2 semaphore(%arg16 : memref<!tpu.dma_semaphore, #tpu.memory_space<semaphore_mem>>) src(%arg8 : memref<80x128xf32, #tpu.memory_space<vmem>>) dst(%dma_wait3A_148 : memref<80x128xf32, #tpu.memory_space<hbm>>)
        } else {
        }
        %scan3A_123 = arith.constant 0 : i32
        %scan3A_124 = arith.constant 0 : i32
        %scan3A_125 = arith.constant 40 : i32
        %scan3A_126 = arith.addi %scan3A_124, %scan3A_125 : i32
        %scan3A_127 = arith.constant 1 : i32
        %scan3A_128 = scf.for %scan3A_138 = %scan3A_124 to %scan3A_126 step %scan3A_127 iter_args(%scan3A_139 = %scan3A_123) -> (i32)  : i32 {
          %mul3A_140 = arith.constant 2 : i32
          %mul3A_141 = arith.muli %scan3A_138, %mul3A_140 : i32
          %add3A_142 = arith.constant 0 : i32
          %add3A_143 = arith.addi %mul3A_141, %add3A_142 : i32
          %get3A = arith.index_cast %add3A_143 : i32 to index
          %get3A_144 = arith.constant 0 : index
          %get3A_145 = tpu.vector_load %arg4[%get3A, %get3A_144] {strides = array<i32>} : memref<80x128xf32, #tpu.memory_space<vmem>>, vector<1x16xf32>,
          %get3A_146 = vector.shape_cast %get3A_145 : vector<1x16xf32> to vector<16xf32>
          %max3A = arith.constant 0.000000e+00 : f32
          %max3A_147 = vector.broadcast %max3A : f32 to vector<16xf32>
          %max3A_148 = arith.maximumf %get3A_146, %max3A_147 : vector<16xf32>
          %min3A = arith.constant 1.000000e+00 : f32
          %min3A_149 = vector.broadcast %min3A : f32 to vector<16xf32>
          %min3A_150 = arith.minimumf %max3A_148, %min3A_149 : vector<16xf32>
          %mul3A_151 = arith.constant 2.550000e+02 : f32
          %mul3A_152 = vector.broadcast %mul3A_151 : f32 to vector<16xf32>
          %mul3A_153 = arith.mulf %min3A_150, %mul3A_152 : vector<16xf32>
          %add3A_154 = arith.constant 0x4B000000 : f32
          %add3A_155 = vector.broadcast %add3A_154 : f32 to vector<16xf32>
          %add3A_156 = arith.addf %mul3A_153, %add3A_155 : vector<16xf32>
          %sub3A_157 = arith.constant 0x4B000000 : f32
          %sub3A_158 = vector.broadcast %sub3A_157 : f32 to vector<16xf32>
          %sub3A_159 = arith.subf %add3A_156, %sub3A_158 : vector<16xf32>
          %mul3A_160 = arith.constant 0.00392156886 : f32
          %mul3A_161 = vector.broadcast %mul3A_160 : f32 to vector<16xf32>
          %mul3A_162 = arith.mulf %sub3A_159, %mul3A_161 : vector<16xf32>
          %swap3A = arith.index_cast %add3A_143 : i32 to index
          %swap3A_163 = arith.constant 0 : index
          %swap3A_164 = tpu.vector_load %arg8[%swap3A, %swap3A_163] {strides = array<i32>} : memref<80x128xf32, #tpu.memory_space<vmem>>, vector<1x16xf32>,
          %swap3A_165 = vector.shape_cast %swap3A_164 : vector<1x16xf32> to vector<16xf32>
          %swap3A_166 = vector.shape_cast %mul3A_162 : vector<16xf32> to vector<1x16xf32>
          tpu.vector_store %arg8[%swap3A, %swap3A_163], %swap3A_166 {strides = array<i32>} : memref<80x128xf32, #tpu.memory_space<vmem>>, vector<1x16xf32>,
          %get3A_167 = arith.index_cast %add3A_143 : i32 to index
          %get3A_168 = arith.constant 16 : index
          %get3A_169 = tpu.vector_load %arg4[%get3A_167, %get3A_168] {strides = array<i32>} : memref<80x128xf32, #tpu.memory_space<vmem>>, vector<1x16xf32>,
          %get3A_170 = vector.shape_cast %get3A_169 : vector<1x16xf32> to vector<16xf32>
          %max3A_171 = arith.constant 0.000000e+00 : f32
          %max3A_172 = vector.broadcast %max3A_171 : f32 to vector<16xf32>
          %max3A_173 = arith.maximumf %get3A_170, %max3A_172 : vector<16xf32>
          %min3A_174 = arith.constant 1.000000e+00 : f32
          %min3A_175 = vector.broadcast %min3A_174 : f32 to vector<16xf32>
          %min3A_176 = arith.minimumf %max3A_173, %min3A_175 : vector<16xf32>
          %mul3A_177 = arith.constant 2.550000e+02 : f32
          %mul3A_178 = vector.broadcast %mul3A_177 : f32 to vector<16xf32>
          %mul3A_179 = arith.mulf %min3A_176, %mul3A_178 : vector<16xf32>
          %add3A_180 = arith.constant 0x4B000000 : f32
          %add3A_181 = vector.broadcast %add3A_180 : f32 to vector<16xf32>
          %add3A_182 = arith.addf %mul3A_179, %add3A_181 : vector<16xf32>
          %sub3A_183 = arith.constant 0x4B000000 : f32
          %sub3A_184 = vector.broadcast %sub3A_183 : f32 to vector<16xf32>
          %sub3A_185 = arith.subf %add3A_182, %sub3A_184 : vector<16xf32>
          %mul3A_186 = arith.constant 0.00392156886 : f32
          %mul3A_187 = vector.broadcast %mul3A_186 : f32 to vector<16xf32>
          %mul3A_188 = arith.mulf %sub3A_185, %mul3A_187 : vector<16xf32>
          %swap3A_189 = arith.index_cast %add3A_143 : i32 to index
          %swap3A_190 = arith.constant 16 : index
          %swap3A_191 = tpu.vector_load %arg8[%swap3A_189, %swap3A_190] {strides = array<i32>} : memref<80x128xf32, #tpu.memory_space<vmem>>, vector<1x16xf32>,
          %swap3A_192 = vector.shape_cast %swap3A_191 : vector<1x16xf32> to vector<16xf32>
          %swap3A_193 = vector.shape_cast %mul3A_188 : vector<16xf32> to vector<1x16xf32>
          tpu.vector_store %arg8[%swap3A_189, %swap3A_190], %swap3A_193 {strides = array<i32>} : memref<80x128xf32, #tpu.memory_space<vmem>>, vector<1x16xf32>,
          %get3A_194 = arith.index_cast %add3A_143 : i32 to index
          %get3A_195 = arith.constant 32 : index
          %get3A_196 = tpu.vector_load %arg4[%get3A_194, %get3A_195] {strides = array<i32>} : memref<80x128xf32, #tpu.memory_space<vmem>>, vector<1x16xf32>,
          %get3A_197 = vector.shape_cast %get3A_196 : vector<1x16xf32> to vector<16xf32>
          %max3A_198 = arith.constant 0.000000e+00 : f32
          %max3A_199 = vector.broadcast %max3A_198 : f32 to vector<16xf32>
          %max3A_200 = arith.maximumf %get3A_197, %max3A_199 : vector<16xf32>
          %min3A_201 = arith.constant 1.000000e+00 : f32
          %min3A_202 = vector.broadcast %min3A_201 : f32 to vector<16xf32>
          %min3A_203 = arith.minimumf %max3A_200, %min3A_202 : vector<16xf32>
          %mul3A_204 = arith.constant 2.550000e+02 : f32
          %mul3A_205 = vector.broadcast %mul3A_204 : f32 to vector<16xf32>
          %mul3A_206 = arith.mulf %min3A_203, %mul3A_205 : vector<16xf32>
          %add3A_207 = arith.constant 0x4B000000 : f32
          %add3A_208 = vector.broadcast %add3A_207 : f32 to vector<16xf32>
          %add3A_209 = arith.addf %mul3A_206, %add3A_208 : vector<16xf32>
          %sub3A_210 = arith.constant 0x4B000000 : f32
          %sub3A_211 = vector.broadcast %sub3A_210 : f32 to vector<16xf32>
          %sub3A_212 = arith.subf %add3A_209, %sub3A_211 : vector<16xf32>
          %mul3A_213 = arith.constant 0.00392156886 : f32
          %mul3A_214 = vector.broadcast %mul3A_213 : f32 to vector<16xf32>
          %mul3A_215 = arith.mulf %sub3A_212, %mul3A_214 : vector<16xf32>
          %swap3A_216 = arith.index_cast %add3A_143 : i32 to index
          %swap3A_217 = arith.constant 32 : index
          %swap3A_218 = tpu.vector_load %arg8[%swap3A_216, %swap3A_217] {strides = array<i32>} : memref<80x128xf32, #tpu.memory_space<vmem>>, vector<1x16xf32>,
          %swap3A_219 = vector.shape_cast %swap3A_218 : vector<1x16xf32> to vector<16xf32>
          %swap3A_220 = vector.shape_cast %mul3A_215 : vector<16xf32> to vector<1x16xf32>
          tpu.vector_store %arg8[%swap3A_216, %swap3A_217], %swap3A_220 {strides = array<i32>} : memref<80x128xf32, #tpu.memory_space<vmem>>, vector<1x16xf32>,
          %get3A_221 = arith.index_cast %add3A_143 : i32 to index
          %get3A_222 = arith.constant 48 : index
          %get3A_223 = tpu.vector_load %arg4[%get3A_221, %get3A_222] {strides = array<i32>} : memref<80x128xf32, #tpu.memory_space<vmem>>, vector<1x16xf32>,
          %get3A_224 = vector.shape_cast %get3A_223 : vector<1x16xf32> to vector<16xf32>
          %max3A_225 = arith.constant 0.000000e+00 : f32
          %max3A_226 = vector.broadcast %max3A_225 : f32 to vector<16xf32>
          %max3A_227 = arith.maximumf %get3A_224, %max3A_226 : vector<16xf32>
          %min3A_228 = arith.constant 1.000000e+00 : f32
          %min3A_229 = vector.broadcast %min3A_228 : f32 to vector<16xf32>
          %min3A_230 = arith.minimumf %max3A_227, %min3A_229 : vector<16xf32>
          %mul3A_231 = arith.constant 2.550000e+02 : f32
          %mul3A_232 = vector.broadcast %mul3A_231 : f32 to vector<16xf32>
          %mul3A_233 = arith.mulf %min3A_230, %mul3A_232 : vector<16xf32>
          %add3A_234 = arith.constant 0x4B000000 : f32
          %add3A_235 = vector.broadcast %add3A_234 : f32 to vector<16xf32>
          %add3A_236 = arith.addf %mul3A_233, %add3A_235 : vector<16xf32>
          %sub3A_237 = arith.constant 0x4B000000 : f32
          %sub3A_238 = vector.broadcast %sub3A_237 : f32 to vector<16xf32>
          %sub3A_239 = arith.subf %add3A_236, %sub3A_238 : vector<16xf32>
          %mul3A_240 = arith.constant 0.00392156886 : f32
          %mul3A_241 = vector.broadcast %mul3A_240 : f32 to vector<16xf32>
          %mul3A_242 = arith.mulf %sub3A_239, %mul3A_241 : vector<16xf32>
          %swap3A_243 = arith.index_cast %add3A_143 : i32 to index
          %swap3A_244 = arith.constant 48 : index
          %swap3A_245 = tpu.vector_load %arg8[%swap3A_243, %swap3A_244] {strides = array<i32>} : memref<80x128xf32, #tpu.memory_space<vmem>>, vector<1x16xf32>,
          %swap3A_246 = vector.shape_cast %swap3A_245 : vector<1x16xf32> to vector<16xf32>
          %swap3A_247 = vector.shape_cast %mul3A_242 : vector<16xf32> to vector<1x16xf32>
          tpu.vector_store %arg8[%swap3A_243, %swap3A_244], %swap3A_247 {strides = array<i32>} : memref<80x128xf32, #tpu.memory_space<vmem>>, vector<1x16xf32>,
          %get3A_248 = arith.index_cast %add3A_143 : i32 to index
          %get3A_249 = arith.constant 64 : index
          %get3A_250 = tpu.vector_load %arg4[%get3A_248, %get3A_249] {strides = array<i32>} : memref<80x128xf32, #tpu.memory_space<vmem>>, vector<1x16xf32>,
          %get3A_251 = vector.shape_cast %get3A_250 : vector<1x16xf32> to vector<16xf32>
          %max3A_252 = arith.constant 0.000000e+00 : f32
          %max3A_253 = vector.broadcast %max3A_252 : f32 to vector<16xf32>
          %max3A_254 = arith.maximumf %get3A_251, %max3A_253 : vector<16xf32>
          %min3A_255 = arith.constant 1.000000e+00 : f32
          %min3A_256 = vector.broadcast %min3A_255 : f32 to vector<16xf32>
          %min3A_257 = arith.minimumf %max3A_254, %min3A_256 : vector<16xf32>
          %mul3A_258 = arith.constant 2.550000e+02 : f32
          %mul3A_259 = vector.broadcast %mul3A_258 : f32 to vector<16xf32>
          %mul3A_260 = arith.mulf %min3A_257, %mul3A_259 : vector<16xf32>
          %add3A_261 = arith.constant 0x4B000000 : f32
          %add3A_262 = vector.broadcast %add3A_261 : f32 to vector<16xf32>
          %add3A_263 = arith.addf %mul3A_260, %add3A_262 : vector<16xf32>
          %sub3A_264 = arith.constant 0x4B000000 : f32
          %sub3A_265 = vector.broadcast %sub3A_264 : f32 to vector<16xf32>
          %sub3A_266 = arith.subf %add3A_263, %sub3A_265 : vector<16xf32>
          %mul3A_267 = arith.constant 0.00392156886 : f32
          %mul3A_268 = vector.broadcast %mul3A_267 : f32 to vector<16xf32>
          %mul3A_269 = arith.mulf %sub3A_266, %mul3A_268 : vector<16xf32>
          %swap3A_270 = arith.index_cast %add3A_143 : i32 to index
          %swap3A_271 = arith.constant 64 : index
          %swap3A_272 = tpu.vector_load %arg8[%swap3A_270, %swap3A_271] {strides = array<i32>} : memref<80x128xf32, #tpu.memory_space<vmem>>, vector<1x16xf32>,
          %swap3A_273 = vector.shape_cast %swap3A_272 : vector<1x16xf32> to vector<16xf32>
          %swap3A_274 = vector.shape_cast %mul3A_269 : vector<16xf32> to vector<1x16xf32>
          tpu.vector_store %arg8[%swap3A_270, %swap3A_271], %swap3A_274 {strides = array<i32>} : memref<80x128xf32, #tpu.memory_space<vmem>>, vector<1x16xf32>,
          %get3A_275 = arith.index_cast %add3A_143 : i32 to index
          %get3A_276 = arith.constant 80 : index
          %get3A_277 = tpu.vector_load %arg4[%get3A_275, %get3A_276] {strides = array<i32>} : memref<80x128xf32, #tpu.memory_space<vmem>>, vector<1x16xf32>,
          %get3A_278 = vector.shape_cast %get3A_277 : vector<1x16xf32> to vector<16xf32>
          %max3A_279 = arith.constant 0.000000e+00 : f32
          %max3A_280 = vector.broadcast %max3A_279 : f32 to vector<16xf32>
          %max3A_281 = arith.maximumf %get3A_278, %max3A_280 : vector<16xf32>
          %min3A_282 = arith.constant 1.000000e+00 : f32
          %min3A_283 = vector.broadcast %min3A_282 : f32 to vector<16xf32>
          %min3A_284 = arith.minimumf %max3A_281, %min3A_283 : vector<16xf32>
          %mul3A_285 = arith.constant 2.550000e+02 : f32
          %mul3A_286 = vector.broadcast %mul3A_285 : f32 to vector<16xf32>
          %mul3A_287 = arith.mulf %min3A_284, %mul3A_286 : vector<16xf32>
          %add3A_288 = arith.constant 0x4B000000 : f32
          %add3A_289 = vector.broadcast %add3A_288 : f32 to vector<16xf32>
          %add3A_290 = arith.addf %mul3A_287, %add3A_289 : vector<16xf32>
          %sub3A_291 = arith.constant 0x4B000000 : f32
          %sub3A_292 = vector.broadcast %sub3A_291 : f32 to vector<16xf32>
          %sub3A_293 = arith.subf %add3A_290, %sub3A_292 : vector<16xf32>
          %mul3A_294 = arith.constant 0.00392156886 : f32
          %mul3A_295 = vector.broadcast %mul3A_294 : f32 to vector<16xf32>
          %mul3A_296 = arith.mulf %sub3A_293, %mul3A_295 : vector<16xf32>
          %swap3A_297 = arith.index_cast %add3A_143 : i32 to index
          %swap3A_298 = arith.constant 80 : index
          %swap3A_299 = tpu.vector_load %arg8[%swap3A_297, %swap3A_298] {strides = array<i32>} : memref<80x128xf32, #tpu.memory_space<vmem>>, vector<1x16xf32>,
          %swap3A_300 = vector.shape_cast %swap3A_299 : vector<1x16xf32> to vector<16xf32>
          %swap3A_301 = vector.shape_cast %mul3A_296 : vector<16xf32> to vector<1x16xf32>
          tpu.vector_store %arg8[%swap3A_297, %swap3A_298], %swap3A_301 {strides = array<i32>} : memref<80x128xf32, #tpu.memory_space<vmem>>, vector<1x16xf32>,
          %get3A_302 = arith.index_cast %add3A_143 : i32 to index
          %get3A_303 = arith.constant 96 : index
          %get3A_304 = tpu.vector_load %arg4[%get3A_302, %get3A_303] {strides = array<i32>} : memref<80x128xf32, #tpu.memory_space<vmem>>, vector<1x16xf32>,
          %get3A_305 = vector.shape_cast %get3A_304 : vector<1x16xf32> to vector<16xf32>
          %max3A_306 = arith.constant 0.000000e+00 : f32
          %max3A_307 = vector.broadcast %max3A_306 : f32 to vector<16xf32>
          %max3A_308 = arith.maximumf %get3A_305, %max3A_307 : vector<16xf32>
          %min3A_309 = arith.constant 1.000000e+00 : f32
          %min3A_310 = vector.broadcast %min3A_309 : f32 to vector<16xf32>
          %min3A_311 = arith.minimumf %max3A_308, %min3A_310 : vector<16xf32>
          %mul3A_312 = arith.constant 2.550000e+02 : f32
          %mul3A_313 = vector.broadcast %mul3A_312 : f32 to vector<16xf32>
          %mul3A_314 = arith.mulf %min3A_311, %mul3A_313 : vector<16xf32>
          %add3A_315 = arith.constant 0x4B000000 : f32
          %add3A_316 = vector.broadcast %add3A_315 : f32 to vector<16xf32>
          %add3A_317 = arith.addf %mul3A_314, %add3A_316 : vector<16xf32>
          %sub3A_318 = arith.constant 0x4B000000 : f32
          %sub3A_319 = vector.broadcast %sub3A_318 : f32 to vector<16xf32>
          %sub3A_320 = arith.subf %add3A_317, %sub3A_319 : vector<16xf32>
          %mul3A_321 = arith.constant 0.00392156886 : f32
          %mul3A_322 = vector.broadcast %mul3A_321 : f32 to vector<16xf32>
          %mul3A_323 = arith.mulf %sub3A_320, %mul3A_322 : vector<16xf32>
          %swap3A_324 = arith.index_cast %add3A_143 : i32 to index
          %swap3A_325 = arith.constant 96 : index
          %swap3A_326 = tpu.vector_load %arg8[%swap3A_324, %swap3A_325] {strides = array<i32>} : memref<80x128xf32, #tpu.memory_space<vmem>>, vector<1x16xf32>,
          %swap3A_327 = vector.shape_cast %swap3A_326 : vector<1x16xf32> to vector<16xf32>
          %swap3A_328 = vector.shape_cast %mul3A_323 : vector<16xf32> to vector<1x16xf32>
          tpu.vector_store %arg8[%swap3A_324, %swap3A_325], %swap3A_328 {strides = array<i32>} : memref<80x128xf32, #tpu.memory_space<vmem>>, vector<1x16xf32>,
          %get3A_329 = arith.index_cast %add3A_143 : i32 to index
          %get3A_330 = arith.constant 112 : index
          %get3A_331 = tpu.vector_load %arg4[%get3A_329, %get3A_330] {strides = array<i32>} : memref<80x128xf32, #tpu.memory_space<vmem>>, vector<1x16xf32>,
          %get3A_332 = vector.shape_cast %get3A_331 : vector<1x16xf32> to vector<16xf32>
          %max3A_333 = arith.constant 0.000000e+00 : f32
          %max3A_334 = vector.broadcast %max3A_333 : f32 to vector<16xf32>
          %max3A_335 = arith.maximumf %get3A_332, %max3A_334 : vector<16xf32>
          %min3A_336 = arith.constant 1.000000e+00 : f32
          %min3A_337 = vector.broadcast %min3A_336 : f32 to vector<16xf32>
          %min3A_338 = arith.minimumf %max3A_335, %min3A_337 : vector<16xf32>
          %mul3A_339 = arith.constant 2.550000e+02 : f32
          %mul3A_340 = vector.broadcast %mul3A_339 : f32 to vector<16xf32>
          %mul3A_341 = arith.mulf %min3A_338, %mul3A_340 : vector<16xf32>
          %add3A_342 = arith.constant 0x4B000000 : f32
          %add3A_343 = vector.broadcast %add3A_342 : f32 to vector<16xf32>
          %add3A_344 = arith.addf %mul3A_341, %add3A_343 : vector<16xf32>
          %sub3A_345 = arith.constant 0x4B000000 : f32
          %sub3A_346 = vector.broadcast %sub3A_345 : f32 to vector<16xf32>
          %sub3A_347 = arith.subf %add3A_344, %sub3A_346 : vector<16xf32>
          %mul3A_348 = arith.constant 0.00392156886 : f32
          %mul3A_349 = vector.broadcast %mul3A_348 : f32 to vector<16xf32>
          %mul3A_350 = arith.mulf %sub3A_347, %mul3A_349 : vector<16xf32>
          %swap3A_351 = arith.index_cast %add3A_143 : i32 to index
          %swap3A_352 = arith.constant 112 : index
          %swap3A_353 = tpu.vector_load %arg8[%swap3A_351, %swap3A_352] {strides = array<i32>} : memref<80x128xf32, #tpu.memory_space<vmem>>, vector<1x16xf32>,
          %swap3A_354 = vector.shape_cast %swap3A_353 : vector<1x16xf32> to vector<16xf32>
          %swap3A_355 = vector.shape_cast %mul3A_350 : vector<16xf32> to vector<1x16xf32>
          tpu.vector_store %arg8[%swap3A_351, %swap3A_352], %swap3A_355 {strides = array<i32>} : memref<80x128xf32, #tpu.memory_space<vmem>>, vector<1x16xf32>,
          %mul3A_356 = arith.constant 2 : i32
          %mul3A_357 = arith.muli %scan3A_138, %mul3A_356 : i32
          %add3A_358 = arith.constant 1 : i32
          %add3A_359 = arith.addi %mul3A_357, %add3A_358 : i32
          %get3A_360 = arith.index_cast %add3A_359 : i32 to index
          %get3A_361 = arith.constant 0 : index
          %get3A_362 = tpu.vector_load %arg4[%get3A_360, %get3A_361] {strides = array<i32>} : memref<80x128xf32, #tpu.memory_space<vmem>>, vector<1x16xf32>,
          %get3A_363 = vector.shape_cast %get3A_362 : vector<1x16xf32> to vector<16xf32>
          %max3A_364 = arith.constant 0.000000e+00 : f32
          %max3A_365 = vector.broadcast %max3A_364 : f32 to vector<16xf32>
          %max3A_366 = arith.maximumf %get3A_363, %max3A_365 : vector<16xf32>
          %min3A_367 = arith.constant 1.000000e+00 : f32
          %min3A_368 = vector.broadcast %min3A_367 : f32 to vector<16xf32>
          %min3A_369 = arith.minimumf %max3A_366, %min3A_368 : vector<16xf32>
          %mul3A_370 = arith.constant 2.550000e+02 : f32
          %mul3A_371 = vector.broadcast %mul3A_370 : f32 to vector<16xf32>
          %mul3A_372 = arith.mulf %min3A_369, %mul3A_371 : vector<16xf32>
          %add3A_373 = arith.constant 0x4B000000 : f32
          %add3A_374 = vector.broadcast %add3A_373 : f32 to vector<16xf32>
          %add3A_375 = arith.addf %mul3A_372, %add3A_374 : vector<16xf32>
          %sub3A_376 = arith.constant 0x4B000000 : f32
          %sub3A_377 = vector.broadcast %sub3A_376 : f32 to vector<16xf32>
          %sub3A_378 = arith.subf %add3A_375, %sub3A_377 : vector<16xf32>
          %mul3A_379 = arith.constant 0.00392156886 : f32
          %mul3A_380 = vector.broadcast %mul3A_379 : f32 to vector<16xf32>
          %mul3A_381 = arith.mulf %sub3A_378, %mul3A_380 : vector<16xf32>
          %swap3A_382 = arith.index_cast %add3A_359 : i32 to index
          %swap3A_383 = arith.constant 0 : index
          %swap3A_384 = tpu.vector_load %arg8[%swap3A_382, %swap3A_383] {strides = array<i32>} : memref<80x128xf32, #tpu.memory_space<vmem>>, vector<1x16xf32>,
          %swap3A_385 = vector.shape_cast %swap3A_384 : vector<1x16xf32> to vector<16xf32>
          %swap3A_386 = vector.shape_cast %mul3A_381 : vector<16xf32> to vector<1x16xf32>
          tpu.vector_store %arg8[%swap3A_382, %swap3A_383], %swap3A_386 {strides = array<i32>} : memref<80x128xf32, #tpu.memory_space<vmem>>, vector<1x16xf32>,
          %get3A_387 = arith.index_cast %add3A_359 : i32 to index
          %get3A_388 = arith.constant 16 : index
          %get3A_389 = tpu.vector_load %arg4[%get3A_387, %get3A_388] {strides = array<i32>} : memref<80x128xf32, #tpu.memory_space<vmem>>, vector<1x16xf32>,
          %get3A_390 = vector.shape_cast %get3A_389 : vector<1x16xf32> to vector<16xf32>
          %max3A_391 = arith.constant 0.000000e+00 : f32
          %max3A_392 = vector.broadcast %max3A_391 : f32 to vector<16xf32>
          %max3A_393 = arith.maximumf %get3A_390, %max3A_392 : vector<16xf32>
          %min3A_394 = arith.constant 1.000000e+00 : f32
          %min3A_395 = vector.broadcast %min3A_394 : f32 to vector<16xf32>
          %min3A_396 = arith.minimumf %max3A_393, %min3A_395 : vector<16xf32>
          %mul3A_397 = arith.constant 2.550000e+02 : f32
          %mul3A_398 = vector.broadcast %mul3A_397 : f32 to vector<16xf32>
          %mul3A_399 = arith.mulf %min3A_396, %mul3A_398 : vector<16xf32>
          %add3A_400 = arith.constant 0x4B000000 : f32
          %add3A_401 = vector.broadcast %add3A_400 : f32 to vector<16xf32>
          %add3A_402 = arith.addf %mul3A_399, %add3A_401 : vector<16xf32>
          %sub3A_403 = arith.constant 0x4B000000 : f32
          %sub3A_404 = vector.broadcast %sub3A_403 : f32 to vector<16xf32>
          %sub3A_405 = arith.subf %add3A_402, %sub3A_404 : vector<16xf32>
          %mul3A_406 = arith.constant 0.00392156886 : f32
          %mul3A_407 = vector.broadcast %mul3A_406 : f32 to vector<16xf32>
          %mul3A_408 = arith.mulf %sub3A_405, %mul3A_407 : vector<16xf32>
          %swap3A_409 = arith.index_cast %add3A_359 : i32 to index
          %swap3A_410 = arith.constant 16 : index
          %swap3A_411 = tpu.vector_load %arg8[%swap3A_409, %swap3A_410] {strides = array<i32>} : memref<80x128xf32, #tpu.memory_space<vmem>>, vector<1x16xf32>,
          %swap3A_412 = vector.shape_cast %swap3A_411 : vector<1x16xf32> to vector<16xf32>
          %swap3A_413 = vector.shape_cast %mul3A_408 : vector<16xf32> to vector<1x16xf32>
          tpu.vector_store %arg8[%swap3A_409, %swap3A_410], %swap3A_413 {strides = array<i32>} : memref<80x128xf32, #tpu.memory_space<vmem>>, vector<1x16xf32>,
          %get3A_414 = arith.index_cast %add3A_359 : i32 to index
          %get3A_415 = arith.constant 32 : index
          %get3A_416 = tpu.vector_load %arg4[%get3A_414, %get3A_415] {strides = array<i32>} : memref<80x128xf32, #tpu.memory_space<vmem>>, vector<1x16xf32>,
          %get3A_417 = vector.shape_cast %get3A_416 : vector<1x16xf32> to vector<16xf32>
          %max3A_418 = arith.constant 0.000000e+00 : f32
          %max3A_419 = vector.broadcast %max3A_418 : f32 to vector<16xf32>
          %max3A_420 = arith.maximumf %get3A_417, %max3A_419 : vector<16xf32>
          %min3A_421 = arith.constant 1.000000e+00 : f32
          %min3A_422 = vector.broadcast %min3A_421 : f32 to vector<16xf32>
          %min3A_423 = arith.minimumf %max3A_420, %min3A_422 : vector<16xf32>
          %mul3A_424 = arith.constant 2.550000e+02 : f32
          %mul3A_425 = vector.broadcast %mul3A_424 : f32 to vector<16xf32>
          %mul3A_426 = arith.mulf %min3A_423, %mul3A_425 : vector<16xf32>
          %add3A_427 = arith.constant 0x4B000000 : f32
          %add3A_428 = vector.broadcast %add3A_427 : f32 to vector<16xf32>
          %add3A_429 = arith.addf %mul3A_426, %add3A_428 : vector<16xf32>
          %sub3A_430 = arith.constant 0x4B000000 : f32
          %sub3A_431 = vector.broadcast %sub3A_430 : f32 to vector<16xf32>
          %sub3A_432 = arith.subf %add3A_429, %sub3A_431 : vector<16xf32>
          %mul3A_433 = arith.constant 0.00392156886 : f32
          %mul3A_434 = vector.broadcast %mul3A_433 : f32 to vector<16xf32>
          %mul3A_435 = arith.mulf %sub3A_432, %mul3A_434 : vector<16xf32>
          %swap3A_436 = arith.index_cast %add3A_359 : i32 to index
          %swap3A_437 = arith.constant 32 : index
          %swap3A_438 = tpu.vector_load %arg8[%swap3A_436, %swap3A_437] {strides = array<i32>} : memref<80x128xf32, #tpu.memory_space<vmem>>, vector<1x16xf32>,
          %swap3A_439 = vector.shape_cast %swap3A_438 : vector<1x16xf32> to vector<16xf32>
          %swap3A_440 = vector.shape_cast %mul3A_435 : vector<16xf32> to vector<1x16xf32>
          tpu.vector_store %arg8[%swap3A_436, %swap3A_437], %swap3A_440 {strides = array<i32>} : memref<80x128xf32, #tpu.memory_space<vmem>>, vector<1x16xf32>,
          %get3A_441 = arith.index_cast %add3A_359 : i32 to index
          %get3A_442 = arith.constant 48 : index
          %get3A_443 = tpu.vector_load %arg4[%get3A_441, %get3A_442] {strides = array<i32>} : memref<80x128xf32, #tpu.memory_space<vmem>>, vector<1x16xf32>,
          %get3A_444 = vector.shape_cast %get3A_443 : vector<1x16xf32> to vector<16xf32>
          %max3A_445 = arith.constant 0.000000e+00 : f32
          %max3A_446 = vector.broadcast %max3A_445 : f32 to vector<16xf32>
          %max3A_447 = arith.maximumf %get3A_444, %max3A_446 : vector<16xf32>
          %min3A_448 = arith.constant 1.000000e+00 : f32
          %min3A_449 = vector.broadcast %min3A_448 : f32 to vector<16xf32>
          %min3A_450 = arith.minimumf %max3A_447, %min3A_449 : vector<16xf32>
          %mul3A_451 = arith.constant 2.550000e+02 : f32
          %mul3A_452 = vector.broadcast %mul3A_451 : f32 to vector<16xf32>
          %mul3A_453 = arith.mulf %min3A_450, %mul3A_452 : vector<16xf32>
          %add3A_454 = arith.constant 0x4B000000 : f32
          %add3A_455 = vector.broadcast %add3A_454 : f32 to vector<16xf32>
          %add3A_456 = arith.addf %mul3A_453, %add3A_455 : vector<16xf32>
          %sub3A_457 = arith.constant 0x4B000000 : f32
          %sub3A_458 = vector.broadcast %sub3A_457 : f32 to vector<16xf32>
          %sub3A_459 = arith.subf %add3A_456, %sub3A_458 : vector<16xf32>
          %mul3A_460 = arith.constant 0.00392156886 : f32
          %mul3A_461 = vector.broadcast %mul3A_460 : f32 to vector<16xf32>
          %mul3A_462 = arith.mulf %sub3A_459, %mul3A_461 : vector<16xf32>
          %swap3A_463 = arith.index_cast %add3A_359 : i32 to index
          %swap3A_464 = arith.constant 48 : index
          %swap3A_465 = tpu.vector_load %arg8[%swap3A_463, %swap3A_464] {strides = array<i32>} : memref<80x128xf32, #tpu.memory_space<vmem>>, vector<1x16xf32>,
          %swap3A_466 = vector.shape_cast %swap3A_465 : vector<1x16xf32> to vector<16xf32>
          %swap3A_467 = vector.shape_cast %mul3A_462 : vector<16xf32> to vector<1x16xf32>
          tpu.vector_store %arg8[%swap3A_463, %swap3A_464], %swap3A_467 {strides = array<i32>} : memref<80x128xf32, #tpu.memory_space<vmem>>, vector<1x16xf32>,
          %get3A_468 = arith.index_cast %add3A_359 : i32 to index
          %get3A_469 = arith.constant 64 : index
          %get3A_470 = tpu.vector_load %arg4[%get3A_468, %get3A_469] {strides = array<i32>} : memref<80x128xf32, #tpu.memory_space<vmem>>, vector<1x16xf32>,
          %get3A_471 = vector.shape_cast %get3A_470 : vector<1x16xf32> to vector<16xf32>
          %max3A_472 = arith.constant 0.000000e+00 : f32
          %max3A_473 = vector.broadcast %max3A_472 : f32 to vector<16xf32>
          %max3A_474 = arith.maximumf %get3A_471, %max3A_473 : vector<16xf32>
          %min3A_475 = arith.constant 1.000000e+00 : f32
          %min3A_476 = vector.broadcast %min3A_475 : f32 to vector<16xf32>
          %min3A_477 = arith.minimumf %max3A_474, %min3A_476 : vector<16xf32>
          %mul3A_478 = arith.constant 2.550000e+02 : f32
          %mul3A_479 = vector.broadcast %mul3A_478 : f32 to vector<16xf32>
          %mul3A_480 = arith.mulf %min3A_477, %mul3A_479 : vector<16xf32>
          %add3A_481 = arith.constant 0x4B000000 : f32
          %add3A_482 = vector.broadcast %add3A_481 : f32 to vector<16xf32>
          %add3A_483 = arith.addf %mul3A_480, %add3A_482 : vector<16xf32>
          %sub3A_484 = arith.constant 0x4B000000 : f32
          %sub3A_485 = vector.broadcast %sub3A_484 : f32 to vector<16xf32>
          %sub3A_486 = arith.subf %add3A_483, %sub3A_485 : vector<16xf32>
          %mul3A_487 = arith.constant 0.00392156886 : f32
          %mul3A_488 = vector.broadcast %mul3A_487 : f32 to vector<16xf32>
          %mul3A_489 = arith.mulf %sub3A_486, %mul3A_488 : vector<16xf32>
          %swap3A_490 = arith.index_cast %add3A_359 : i32 to index
          %swap3A_491 = arith.constant 64 : index
          %swap3A_492 = tpu.vector_load %arg8[%swap3A_490, %swap3A_491] {strides = array<i32>} : memref<80x128xf32, #tpu.memory_space<vmem>>, vector<1x16xf32>,
          %swap3A_493 = vector.shape_cast %swap3A_492 : vector<1x16xf32> to vector<16xf32>
          %swap3A_494 = vector.shape_cast %mul3A_489 : vector<16xf32> to vector<1x16xf32>
          tpu.vector_store %arg8[%swap3A_490, %swap3A_491], %swap3A_494 {strides = array<i32>} : memref<80x128xf32, #tpu.memory_space<vmem>>, vector<1x16xf32>,
          %get3A_495 = arith.index_cast %add3A_359 : i32 to index
          %get3A_496 = arith.constant 80 : index
          %get3A_497 = tpu.vector_load %arg4[%get3A_495, %get3A_496] {strides = array<i32>} : memref<80x128xf32, #tpu.memory_space<vmem>>, vector<1x16xf32>,
          %get3A_498 = vector.shape_cast %get3A_497 : vector<1x16xf32> to vector<16xf32>
          %max3A_499 = arith.constant 0.000000e+00 : f32
          %max3A_500 = vector.broadcast %max3A_499 : f32 to vector<16xf32>
          %max3A_501 = arith.maximumf %get3A_498, %max3A_500 : vector<16xf32>
          %min3A_502 = arith.constant 1.000000e+00 : f32
          %min3A_503 = vector.broadcast %min3A_502 : f32 to vector<16xf32>
          %min3A_504 = arith.minimumf %max3A_501, %min3A_503 : vector<16xf32>
          %mul3A_505 = arith.constant 2.550000e+02 : f32
          %mul3A_506 = vector.broadcast %mul3A_505 : f32 to vector<16xf32>
          %mul3A_507 = arith.mulf %min3A_504, %mul3A_506 : vector<16xf32>
          %add3A_508 = arith.constant 0x4B000000 : f32
          %add3A_509 = vector.broadcast %add3A_508 : f32 to vector<16xf32>
          %add3A_510 = arith.addf %mul3A_507, %add3A_509 : vector<16xf32>
          %sub3A_511 = arith.constant 0x4B000000 : f32
          %sub3A_512 = vector.broadcast %sub3A_511 : f32 to vector<16xf32>
          %sub3A_513 = arith.subf %add3A_510, %sub3A_512 : vector<16xf32>
          %mul3A_514 = arith.constant 0.00392156886 : f32
          %mul3A_515 = vector.broadcast %mul3A_514 : f32 to vector<16xf32>
          %mul3A_516 = arith.mulf %sub3A_513, %mul3A_515 : vector<16xf32>
          %swap3A_517 = arith.index_cast %add3A_359 : i32 to index
          %swap3A_518 = arith.constant 80 : index
          %swap3A_519 = tpu.vector_load %arg8[%swap3A_517, %swap3A_518] {strides = array<i32>} : memref<80x128xf32, #tpu.memory_space<vmem>>, vector<1x16xf32>,
          %swap3A_520 = vector.shape_cast %swap3A_519 : vector<1x16xf32> to vector<16xf32>
          %swap3A_521 = vector.shape_cast %mul3A_516 : vector<16xf32> to vector<1x16xf32>
          tpu.vector_store %arg8[%swap3A_517, %swap3A_518], %swap3A_521 {strides = array<i32>} : memref<80x128xf32, #tpu.memory_space<vmem>>, vector<1x16xf32>,
          %get3A_522 = arith.index_cast %add3A_359 : i32 to index
          %get3A_523 = arith.constant 96 : index
          %get3A_524 = tpu.vector_load %arg4[%get3A_522, %get3A_523] {strides = array<i32>} : memref<80x128xf32, #tpu.memory_space<vmem>>, vector<1x16xf32>,
          %get3A_525 = vector.shape_cast %get3A_524 : vector<1x16xf32> to vector<16xf32>
          %max3A_526 = arith.constant 0.000000e+00 : f32
          %max3A_527 = vector.broadcast %max3A_526 : f32 to vector<16xf32>
          %max3A_528 = arith.maximumf %get3A_525, %max3A_527 : vector<16xf32>
          %min3A_529 = arith.constant 1.000000e+00 : f32
          %min3A_530 = vector.broadcast %min3A_529 : f32 to vector<16xf32>
          %min3A_531 = arith.minimumf %max3A_528, %min3A_530 : vector<16xf32>
          %mul3A_532 = arith.constant 2.550000e+02 : f32
          %mul3A_533 = vector.broadcast %mul3A_532 : f32 to vector<16xf32>
          %mul3A_534 = arith.mulf %min3A_531, %mul3A_533 : vector<16xf32>
          %add3A_535 = arith.constant 0x4B000000 : f32
          %add3A_536 = vector.broadcast %add3A_535 : f32 to vector<16xf32>
          %add3A_537 = arith.addf %mul3A_534, %add3A_536 : vector<16xf32>
          %sub3A_538 = arith.constant 0x4B000000 : f32
          %sub3A_539 = vector.broadcast %sub3A_538 : f32 to vector<16xf32>
          %sub3A_540 = arith.subf %add3A_537, %sub3A_539 : vector<16xf32>
          %mul3A_541 = arith.constant 0.00392156886 : f32
          %mul3A_542 = vector.broadcast %mul3A_541 : f32 to vector<16xf32>
          %mul3A_543 = arith.mulf %sub3A_540, %mul3A_542 : vector<16xf32>
          %swap3A_544 = arith.index_cast %add3A_359 : i32 to index
          %swap3A_545 = arith.constant 96 : index
          %swap3A_546 = tpu.vector_load %arg8[%swap3A_544, %swap3A_545] {strides = array<i32>} : memref<80x128xf32, #tpu.memory_space<vmem>>, vector<1x16xf32>,
          %swap3A_547 = vector.shape_cast %swap3A_546 : vector<1x16xf32> to vector<16xf32>
          %swap3A_548 = vector.shape_cast %mul3A_543 : vector<16xf32> to vector<1x16xf32>
          tpu.vector_store %arg8[%swap3A_544, %swap3A_545], %swap3A_548 {strides = array<i32>} : memref<80x128xf32, #tpu.memory_space<vmem>>, vector<1x16xf32>,
          %get3A_549 = arith.index_cast %add3A_359 : i32 to index
          %get3A_550 = arith.constant 112 : index
          %get3A_551 = tpu.vector_load %arg4[%get3A_549, %get3A_550] {strides = array<i32>} : memref<80x128xf32, #tpu.memory_space<vmem>>, vector<1x16xf32>,
          %get3A_552 = vector.shape_cast %get3A_551 : vector<1x16xf32> to vector<16xf32>
          %max3A_553 = arith.constant 0.000000e+00 : f32
          %max3A_554 = vector.broadcast %max3A_553 : f32 to vector<16xf32>
          %max3A_555 = arith.maximumf %get3A_552, %max3A_554 : vector<16xf32>
          %min3A_556 = arith.constant 1.000000e+00 : f32
          %min3A_557 = vector.broadcast %min3A_556 : f32 to vector<16xf32>
          %min3A_558 = arith.minimumf %max3A_555, %min3A_557 : vector<16xf32>
          %mul3A_559 = arith.constant 2.550000e+02 : f32
          %mul3A_560 = vector.broadcast %mul3A_559 : f32 to vector<16xf32>
          %mul3A_561 = arith.mulf %min3A_558, %mul3A_560 : vector<16xf32>
          %add3A_562 = arith.constant 0x4B000000 : f32
          %add3A_563 = vector.broadcast %add3A_562 : f32 to vector<16xf32>
          %add3A_564 = arith.addf %mul3A_561, %add3A_563 : vector<16xf32>
          %sub3A_565 = arith.constant 0x4B000000 : f32
          %sub3A_566 = vector.broadcast %sub3A_565 : f32 to vector<16xf32>
          %sub3A_567 = arith.subf %add3A_564, %sub3A_566 : vector<16xf32>
          %mul3A_568 = arith.constant 0.00392156886 : f32
          %mul3A_569 = vector.broadcast %mul3A_568 : f32 to vector<16xf32>
          %mul3A_570 = arith.mulf %sub3A_567, %mul3A_569 : vector<16xf32>
          %swap3A_571 = arith.index_cast %add3A_359 : i32 to index
          %swap3A_572 = arith.constant 112 : index
          %swap3A_573 = tpu.vector_load %arg8[%swap3A_571, %swap3A_572] {strides = array<i32>} : memref<80x128xf32, #tpu.memory_space<vmem>>, vector<1x16xf32>,
          %swap3A_574 = vector.shape_cast %swap3A_573 : vector<1x16xf32> to vector<16xf32>
          %swap3A_575 = vector.shape_cast %mul3A_570 : vector<16xf32> to vector<1x16xf32>
          tpu.vector_store %arg8[%swap3A_571, %swap3A_572], %swap3A_575 {strides = array<i32>} : memref<80x128xf32, #tpu.memory_space<vmem>>, vector<1x16xf32>,
          %scan3A_576 = arith.constant 0 : i32
          scf.yield %scan3A_576 : i32
        }
        %scan3A_129 = arith.constant 40 : i32
        %mul3A_130 = arith.constant 32 : i32
        %mul3A_131 = arith.muli %add3A_60, %mul3A_130 : i32
        %add3A_132 = arith.addi %add3A, %mul3A_131 : i32
        %mul3A_133 = arith.constant 80 : i32
        %mul3A_134 = arith.muli %add3A_132, %mul3A_133 : i32
        %dma_start3A = arith.constant 0 : i32
        %dma_start3A_135 = tpu.memref_slice %arg3[%mul3A_134, %dma_start3A] : memref<100000x128xf32, #tpu.memory_space<hbm>> -> memref<80x128xf32, #tpu.memory_space<hbm>>
        %dma_start3A_136 = arith.constant 0 : i32
        %dma_start3A_137 = tpu.memref_slice %arg3[%mul3A_134, %dma_start3A_136] : memref<100000x128xf32, #tpu.memory_space<hbm>> -> memref<80x128xf32, #tpu.memory_space<hbm>>
        tpu.enqueue_dma source(%arg8 : memref<80x128xf32, #tpu.memory_space<vmem>>) target(%dma_start3A_137 : memref<80x128xf32, #tpu.memory_space<hbm>>) target_semaphore(%arg16 : memref<!tpu.dma_semaphore, #tpu.memory_space<semaphore_mem>>)
      } else {
      }
      %add3A_69 = arith.constant 1 : i32
      %add3A_70 = arith.addi %add3A_58, %add3A_69 : i32
      %mul3A_71 = arith.constant 32 : i32
      %mul3A_72 = arith.muli %add3A_70, %mul3A_71 : i32
      %add3A_73 = arith.addi %add3A, %mul3A_72 : i32
      %lt3A_74 = arith.constant 1250 : i32
      %lt3A_75 = arith.cmpi slt, %add3A_73, %lt3A_74 : i32
      %convert_element_type3A_76 = arith.extui %lt3A_75 : i1 to i32
      %cond3A_77 = arith.constant 0 : i32
      %cond3A_78 = arith.cmpi ne, %convert_element_type3A_76, %cond3A_77 : i32
      scf.if %cond3A_78 {
        %add3A_99 = arith.constant 4 : i32
        %add3A_100 = arith.addi %add3A_70, %add3A_99 : i32
        %sub3A = arith.constant 1 : i32
        %sub3A_101 = arith.subi %add3A_100, %sub3A : i32
        %mul3A_102 = arith.constant 32 : i32
        %mul3A_103 = arith.muli %sub3A_101, %mul3A_102 : i32
        %add3A_104 = arith.addi %add3A, %mul3A_103 : i32
        %lt3A_105 = arith.constant 1250 : i32
        %lt3A_106 = arith.cmpi slt, %add3A_104, %lt3A_105 : i32
        %convert_element_type3A_107 = arith.extui %lt3A_106 : i1 to i32
        %cond3A_108 = arith.constant 0 : i32
        %cond3A_109 = arith.cmpi ne, %convert_element_type3A_107, %cond3A_108 : i32
        scf.if %cond3A_109 {
          %mul3A_138 = arith.constant 32 : i32
          %mul3A_139 = arith.muli %sub3A_101, %mul3A_138 : i32
          %add3A_140 = arith.addi %add3A, %mul3A_139 : i32
          %mul3A_141 = arith.constant 80 : i32
          %mul3A_142 = arith.muli %add3A_140, %mul3A_141 : i32
          %dma_start3A_143 = arith.constant 0 : i32
          %dma_start3A_144 = tpu.memref_slice %arg2[%mul3A_142, %dma_start3A_143] : memref<100000x128xf32, #tpu.memory_space<hbm>> -> memref<80x128xf32, #tpu.memory_space<hbm>>
          %dma_start3A_145 = arith.constant 0 : i32
          %dma_start3A_146 = tpu.memref_slice %arg2[%mul3A_142, %dma_start3A_145] : memref<100000x128xf32, #tpu.memory_space<hbm>> -> memref<80x128xf32, #tpu.memory_space<hbm>>
          tpu.enqueue_dma source(%dma_start3A_146 : memref<80x128xf32, #tpu.memory_space<hbm>>) target(%arg4 : memref<80x128xf32, #tpu.memory_space<vmem>>) target_semaphore(%arg12 : memref<!tpu.dma_semaphore, #tpu.memory_space<semaphore_mem>>)
        } else {
        }
        %mul3A_110 = arith.constant 32 : i32
        %mul3A_111 = arith.muli %add3A_70, %mul3A_110 : i32
        %add3A_112 = arith.addi %add3A, %mul3A_111 : i32
        %mul3A_113 = arith.constant 80 : i32
        %mul3A_114 = arith.muli %add3A_112, %mul3A_113 : i32
        %dma_wait3A_115 = arith.constant 0 : i32
        %dma_wait3A_116 = tpu.memref_slice %arg2[%mul3A_114, %dma_wait3A_115] : memref<100000x128xf32, #tpu.memory_space<hbm>> -> memref<80x128xf32, #tpu.memory_space<hbm>>
        %dma_wait3A_117 = arith.constant 0 : i32
        %dma_wait3A_118 = tpu.memref_slice %arg2[%mul3A_114, %dma_wait3A_117] : memref<100000x128xf32, #tpu.memory_space<hbm>> -> memref<80x128xf32, #tpu.memory_space<hbm>>
        tpu.wait_dma2 semaphore(%arg13 : memref<!tpu.dma_semaphore, #tpu.memory_space<semaphore_mem>>) src(%dma_wait3A_118 : memref<80x128xf32, #tpu.memory_space<hbm>>) dst(%arg5 : memref<80x128xf32, #tpu.memory_space<vmem>>)
        %ge3A = arith.constant 4 : i32
        %ge3A_119 = arith.cmpi sge, %add3A_70, %ge3A : i32
        %convert_element_type3A_120 = arith.extui %ge3A_119 : i1 to i32
        %cond3A_121 = arith.constant 0 : i32
        %cond3A_122 = arith.cmpi ne, %convert_element_type3A_120, %cond3A_121 : i32
        scf.if %cond3A_122 {
          %sub3A_138 = arith.constant 4 : i32
          %sub3A_139 = arith.subi %add3A_70, %sub3A_138 : i32
          %mul3A_140 = arith.constant 32 : i32
          %mul3A_141 = arith.muli %sub3A_139, %mul3A_140 : i32
          %add3A_142 = arith.addi %add3A, %mul3A_141 : i32
          %mul3A_143 = arith.constant 80 : i32
          %mul3A_144 = arith.muli %add3A_142, %mul3A_143 : i32
          %dma_wait3A_145 = arith.constant 0 : i32
          %dma_wait3A_146 = tpu.memref_slice %arg3[%mul3A_144, %dma_wait3A_145] : memref<100000x128xf32, #tpu.memory_space<hbm>> -> memref<80x128xf32, #tpu.memory_space<hbm>>
          %dma_wait3A_147 = arith.constant 0 : i32
          %dma_wait3A_148 = tpu.memref_slice %arg3[%mul3A_144, %dma_wait3A_147] : memref<100000x128xf32, #tpu.memory_space<hbm>> -> memref<80x128xf32, #tpu.memory_space<hbm>>
          tpu.wait_dma2 semaphore(%arg17 : memref<!tpu.dma_semaphore, #tpu.memory_space<semaphore_mem>>) src(%arg9 : memref<80x128xf32, #tpu.memory_space<vmem>>) dst(%dma_wait3A_148 : memref<80x128xf32, #tpu.memory_space<hbm>>)
        } else {
        }
        %scan3A_123 = arith.constant 0 : i32
        %scan3A_124 = arith.constant 0 : i32
        %scan3A_125 = arith.constant 40 : i32
        %scan3A_126 = arith.addi %scan3A_124, %scan3A_125 : i32
        %scan3A_127 = arith.constant 1 : i32
        %scan3A_128 = scf.for %scan3A_138 = %scan3A_124 to %scan3A_126 step %scan3A_127 iter_args(%scan3A_139 = %scan3A_123) -> (i32)  : i32 {
          %mul3A_140 = arith.constant 2 : i32
          %mul3A_141 = arith.muli %scan3A_138, %mul3A_140 : i32
          %add3A_142 = arith.constant 0 : i32
          %add3A_143 = arith.addi %mul3A_141, %add3A_142 : i32
          %get3A = arith.index_cast %add3A_143 : i32 to index
          %get3A_144 = arith.constant 0 : index
          %get3A_145 = tpu.vector_load %arg5[%get3A, %get3A_144] {strides = array<i32>} : memref<80x128xf32, #tpu.memory_space<vmem>>, vector<1x16xf32>,
          %get3A_146 = vector.shape_cast %get3A_145 : vector<1x16xf32> to vector<16xf32>
          %max3A = arith.constant 0.000000e+00 : f32
          %max3A_147 = vector.broadcast %max3A : f32 to vector<16xf32>
          %max3A_148 = arith.maximumf %get3A_146, %max3A_147 : vector<16xf32>
          %min3A = arith.constant 1.000000e+00 : f32
          %min3A_149 = vector.broadcast %min3A : f32 to vector<16xf32>
          %min3A_150 = arith.minimumf %max3A_148, %min3A_149 : vector<16xf32>
          %mul3A_151 = arith.constant 2.550000e+02 : f32
          %mul3A_152 = vector.broadcast %mul3A_151 : f32 to vector<16xf32>
          %mul3A_153 = arith.mulf %min3A_150, %mul3A_152 : vector<16xf32>
          %add3A_154 = arith.constant 0x4B000000 : f32
          %add3A_155 = vector.broadcast %add3A_154 : f32 to vector<16xf32>
          %add3A_156 = arith.addf %mul3A_153, %add3A_155 : vector<16xf32>
          %sub3A_157 = arith.constant 0x4B000000 : f32
          %sub3A_158 = vector.broadcast %sub3A_157 : f32 to vector<16xf32>
          %sub3A_159 = arith.subf %add3A_156, %sub3A_158 : vector<16xf32>
          %mul3A_160 = arith.constant 0.00392156886 : f32
          %mul3A_161 = vector.broadcast %mul3A_160 : f32 to vector<16xf32>
          %mul3A_162 = arith.mulf %sub3A_159, %mul3A_161 : vector<16xf32>
          %swap3A = arith.index_cast %add3A_143 : i32 to index
          %swap3A_163 = arith.constant 0 : index
          %swap3A_164 = tpu.vector_load %arg9[%swap3A, %swap3A_163] {strides = array<i32>} : memref<80x128xf32, #tpu.memory_space<vmem>>, vector<1x16xf32>,
          %swap3A_165 = vector.shape_cast %swap3A_164 : vector<1x16xf32> to vector<16xf32>
          %swap3A_166 = vector.shape_cast %mul3A_162 : vector<16xf32> to vector<1x16xf32>
          tpu.vector_store %arg9[%swap3A, %swap3A_163], %swap3A_166 {strides = array<i32>} : memref<80x128xf32, #tpu.memory_space<vmem>>, vector<1x16xf32>,
          %get3A_167 = arith.index_cast %add3A_143 : i32 to index
          %get3A_168 = arith.constant 16 : index
          %get3A_169 = tpu.vector_load %arg5[%get3A_167, %get3A_168] {strides = array<i32>} : memref<80x128xf32, #tpu.memory_space<vmem>>, vector<1x16xf32>,
          %get3A_170 = vector.shape_cast %get3A_169 : vector<1x16xf32> to vector<16xf32>
          %max3A_171 = arith.constant 0.000000e+00 : f32
          %max3A_172 = vector.broadcast %max3A_171 : f32 to vector<16xf32>
          %max3A_173 = arith.maximumf %get3A_170, %max3A_172 : vector<16xf32>
          %min3A_174 = arith.constant 1.000000e+00 : f32
          %min3A_175 = vector.broadcast %min3A_174 : f32 to vector<16xf32>
          %min3A_176 = arith.minimumf %max3A_173, %min3A_175 : vector<16xf32>
          %mul3A_177 = arith.constant 2.550000e+02 : f32
          %mul3A_178 = vector.broadcast %mul3A_177 : f32 to vector<16xf32>
          %mul3A_179 = arith.mulf %min3A_176, %mul3A_178 : vector<16xf32>
          %add3A_180 = arith.constant 0x4B000000 : f32
          %add3A_181 = vector.broadcast %add3A_180 : f32 to vector<16xf32>
          %add3A_182 = arith.addf %mul3A_179, %add3A_181 : vector<16xf32>
          %sub3A_183 = arith.constant 0x4B000000 : f32
          %sub3A_184 = vector.broadcast %sub3A_183 : f32 to vector<16xf32>
          %sub3A_185 = arith.subf %add3A_182, %sub3A_184 : vector<16xf32>
          %mul3A_186 = arith.constant 0.00392156886 : f32
          %mul3A_187 = vector.broadcast %mul3A_186 : f32 to vector<16xf32>
          %mul3A_188 = arith.mulf %sub3A_185, %mul3A_187 : vector<16xf32>
          %swap3A_189 = arith.index_cast %add3A_143 : i32 to index
          %swap3A_190 = arith.constant 16 : index
          %swap3A_191 = tpu.vector_load %arg9[%swap3A_189, %swap3A_190] {strides = array<i32>} : memref<80x128xf32, #tpu.memory_space<vmem>>, vector<1x16xf32>,
          %swap3A_192 = vector.shape_cast %swap3A_191 : vector<1x16xf32> to vector<16xf32>
          %swap3A_193 = vector.shape_cast %mul3A_188 : vector<16xf32> to vector<1x16xf32>
          tpu.vector_store %arg9[%swap3A_189, %swap3A_190], %swap3A_193 {strides = array<i32>} : memref<80x128xf32, #tpu.memory_space<vmem>>, vector<1x16xf32>,
          %get3A_194 = arith.index_cast %add3A_143 : i32 to index
          %get3A_195 = arith.constant 32 : index
          %get3A_196 = tpu.vector_load %arg5[%get3A_194, %get3A_195] {strides = array<i32>} : memref<80x128xf32, #tpu.memory_space<vmem>>, vector<1x16xf32>,
          %get3A_197 = vector.shape_cast %get3A_196 : vector<1x16xf32> to vector<16xf32>
          %max3A_198 = arith.constant 0.000000e+00 : f32
          %max3A_199 = vector.broadcast %max3A_198 : f32 to vector<16xf32>
          %max3A_200 = arith.maximumf %get3A_197, %max3A_199 : vector<16xf32>
          %min3A_201 = arith.constant 1.000000e+00 : f32
          %min3A_202 = vector.broadcast %min3A_201 : f32 to vector<16xf32>
          %min3A_203 = arith.minimumf %max3A_200, %min3A_202 : vector<16xf32>
          %mul3A_204 = arith.constant 2.550000e+02 : f32
          %mul3A_205 = vector.broadcast %mul3A_204 : f32 to vector<16xf32>
          %mul3A_206 = arith.mulf %min3A_203, %mul3A_205 : vector<16xf32>
          %add3A_207 = arith.constant 0x4B000000 : f32
          %add3A_208 = vector.broadcast %add3A_207 : f32 to vector<16xf32>
          %add3A_209 = arith.addf %mul3A_206, %add3A_208 : vector<16xf32>
          %sub3A_210 = arith.constant 0x4B000000 : f32
          %sub3A_211 = vector.broadcast %sub3A_210 : f32 to vector<16xf32>
          %sub3A_212 = arith.subf %add3A_209, %sub3A_211 : vector<16xf32>
          %mul3A_213 = arith.constant 0.00392156886 : f32
          %mul3A_214 = vector.broadcast %mul3A_213 : f32 to vector<16xf32>
          %mul3A_215 = arith.mulf %sub3A_212, %mul3A_214 : vector<16xf32>
          %swap3A_216 = arith.index_cast %add3A_143 : i32 to index
          %swap3A_217 = arith.constant 32 : index
          %swap3A_218 = tpu.vector_load %arg9[%swap3A_216, %swap3A_217] {strides = array<i32>} : memref<80x128xf32, #tpu.memory_space<vmem>>, vector<1x16xf32>,
          %swap3A_219 = vector.shape_cast %swap3A_218 : vector<1x16xf32> to vector<16xf32>
          %swap3A_220 = vector.shape_cast %mul3A_215 : vector<16xf32> to vector<1x16xf32>
          tpu.vector_store %arg9[%swap3A_216, %swap3A_217], %swap3A_220 {strides = array<i32>} : memref<80x128xf32, #tpu.memory_space<vmem>>, vector<1x16xf32>,
          %get3A_221 = arith.index_cast %add3A_143 : i32 to index
          %get3A_222 = arith.constant 48 : index
          %get3A_223 = tpu.vector_load %arg5[%get3A_221, %get3A_222] {strides = array<i32>} : memref<80x128xf32, #tpu.memory_space<vmem>>, vector<1x16xf32>,
          %get3A_224 = vector.shape_cast %get3A_223 : vector<1x16xf32> to vector<16xf32>
          %max3A_225 = arith.constant 0.000000e+00 : f32
          %max3A_226 = vector.broadcast %max3A_225 : f32 to vector<16xf32>
          %max3A_227 = arith.maximumf %get3A_224, %max3A_226 : vector<16xf32>
          %min3A_228 = arith.constant 1.000000e+00 : f32
          %min3A_229 = vector.broadcast %min3A_228 : f32 to vector<16xf32>
          %min3A_230 = arith.minimumf %max3A_227, %min3A_229 : vector<16xf32>
          %mul3A_231 = arith.constant 2.550000e+02 : f32
          %mul3A_232 = vector.broadcast %mul3A_231 : f32 to vector<16xf32>
          %mul3A_233 = arith.mulf %min3A_230, %mul3A_232 : vector<16xf32>
          %add3A_234 = arith.constant 0x4B000000 : f32
          %add3A_235 = vector.broadcast %add3A_234 : f32 to vector<16xf32>
          %add3A_236 = arith.addf %mul3A_233, %add3A_235 : vector<16xf32>
          %sub3A_237 = arith.constant 0x4B000000 : f32
          %sub3A_238 = vector.broadcast %sub3A_237 : f32 to vector<16xf32>
          %sub3A_239 = arith.subf %add3A_236, %sub3A_238 : vector<16xf32>
          %mul3A_240 = arith.constant 0.00392156886 : f32
          %mul3A_241 = vector.broadcast %mul3A_240 : f32 to vector<16xf32>
          %mul3A_242 = arith.mulf %sub3A_239, %mul3A_241 : vector<16xf32>
          %swap3A_243 = arith.index_cast %add3A_143 : i32 to index
          %swap3A_244 = arith.constant 48 : index
          %swap3A_245 = tpu.vector_load %arg9[%swap3A_243, %swap3A_244] {strides = array<i32>} : memref<80x128xf32, #tpu.memory_space<vmem>>, vector<1x16xf32>,
          %swap3A_246 = vector.shape_cast %swap3A_245 : vector<1x16xf32> to vector<16xf32>
          %swap3A_247 = vector.shape_cast %mul3A_242 : vector<16xf32> to vector<1x16xf32>
          tpu.vector_store %arg9[%swap3A_243, %swap3A_244], %swap3A_247 {strides = array<i32>} : memref<80x128xf32, #tpu.memory_space<vmem>>, vector<1x16xf32>,
          %get3A_248 = arith.index_cast %add3A_143 : i32 to index
          %get3A_249 = arith.constant 64 : index
          %get3A_250 = tpu.vector_load %arg5[%get3A_248, %get3A_249] {strides = array<i32>} : memref<80x128xf32, #tpu.memory_space<vmem>>, vector<1x16xf32>,
          %get3A_251 = vector.shape_cast %get3A_250 : vector<1x16xf32> to vector<16xf32>
          %max3A_252 = arith.constant 0.000000e+00 : f32
          %max3A_253 = vector.broadcast %max3A_252 : f32 to vector<16xf32>
          %max3A_254 = arith.maximumf %get3A_251, %max3A_253 : vector<16xf32>
          %min3A_255 = arith.constant 1.000000e+00 : f32
          %min3A_256 = vector.broadcast %min3A_255 : f32 to vector<16xf32>
          %min3A_257 = arith.minimumf %max3A_254, %min3A_256 : vector<16xf32>
          %mul3A_258 = arith.constant 2.550000e+02 : f32
          %mul3A_259 = vector.broadcast %mul3A_258 : f32 to vector<16xf32>
          %mul3A_260 = arith.mulf %min3A_257, %mul3A_259 : vector<16xf32>
          %add3A_261 = arith.constant 0x4B000000 : f32
          %add3A_262 = vector.broadcast %add3A_261 : f32 to vector<16xf32>
          %add3A_263 = arith.addf %mul3A_260, %add3A_262 : vector<16xf32>
          %sub3A_264 = arith.constant 0x4B000000 : f32
          %sub3A_265 = vector.broadcast %sub3A_264 : f32 to vector<16xf32>
          %sub3A_266 = arith.subf %add3A_263, %sub3A_265 : vector<16xf32>
          %mul3A_267 = arith.constant 0.00392156886 : f32
          %mul3A_268 = vector.broadcast %mul3A_267 : f32 to vector<16xf32>
          %mul3A_269 = arith.mulf %sub3A_266, %mul3A_268 : vector<16xf32>
          %swap3A_270 = arith.index_cast %add3A_143 : i32 to index
          %swap3A_271 = arith.constant 64 : index
          %swap3A_272 = tpu.vector_load %arg9[%swap3A_270, %swap3A_271] {strides = array<i32>} : memref<80x128xf32, #tpu.memory_space<vmem>>, vector<1x16xf32>,
          %swap3A_273 = vector.shape_cast %swap3A_272 : vector<1x16xf32> to vector<16xf32>
          %swap3A_274 = vector.shape_cast %mul3A_269 : vector<16xf32> to vector<1x16xf32>
          tpu.vector_store %arg9[%swap3A_270, %swap3A_271], %swap3A_274 {strides = array<i32>} : memref<80x128xf32, #tpu.memory_space<vmem>>, vector<1x16xf32>,
          %get3A_275 = arith.index_cast %add3A_143 : i32 to index
          %get3A_276 = arith.constant 80 : index
          %get3A_277 = tpu.vector_load %arg5[%get3A_275, %get3A_276] {strides = array<i32>} : memref<80x128xf32, #tpu.memory_space<vmem>>, vector<1x16xf32>,
          %get3A_278 = vector.shape_cast %get3A_277 : vector<1x16xf32> to vector<16xf32>
          %max3A_279 = arith.constant 0.000000e+00 : f32
          %max3A_280 = vector.broadcast %max3A_279 : f32 to vector<16xf32>
          %max3A_281 = arith.maximumf %get3A_278, %max3A_280 : vector<16xf32>
          %min3A_282 = arith.constant 1.000000e+00 : f32
          %min3A_283 = vector.broadcast %min3A_282 : f32 to vector<16xf32>
          %min3A_284 = arith.minimumf %max3A_281, %min3A_283 : vector<16xf32>
          %mul3A_285 = arith.constant 2.550000e+02 : f32
          %mul3A_286 = vector.broadcast %mul3A_285 : f32 to vector<16xf32>
          %mul3A_287 = arith.mulf %min3A_284, %mul3A_286 : vector<16xf32>
          %add3A_288 = arith.constant 0x4B000000 : f32
          %add3A_289 = vector.broadcast %add3A_288 : f32 to vector<16xf32>
          %add3A_290 = arith.addf %mul3A_287, %add3A_289 : vector<16xf32>
          %sub3A_291 = arith.constant 0x4B000000 : f32
          %sub3A_292 = vector.broadcast %sub3A_291 : f32 to vector<16xf32>
          %sub3A_293 = arith.subf %add3A_290, %sub3A_292 : vector<16xf32>
          %mul3A_294 = arith.constant 0.00392156886 : f32
          %mul3A_295 = vector.broadcast %mul3A_294 : f32 to vector<16xf32>
          %mul3A_296 = arith.mulf %sub3A_293, %mul3A_295 : vector<16xf32>
          %swap3A_297 = arith.index_cast %add3A_143 : i32 to index
          %swap3A_298 = arith.constant 80 : index
          %swap3A_299 = tpu.vector_load %arg9[%swap3A_297, %swap3A_298] {strides = array<i32>} : memref<80x128xf32, #tpu.memory_space<vmem>>, vector<1x16xf32>,
          %swap3A_300 = vector.shape_cast %swap3A_299 : vector<1x16xf32> to vector<16xf32>
          %swap3A_301 = vector.shape_cast %mul3A_296 : vector<16xf32> to vector<1x16xf32>
          tpu.vector_store %arg9[%swap3A_297, %swap3A_298], %swap3A_301 {strides = array<i32>} : memref<80x128xf32, #tpu.memory_space<vmem>>, vector<1x16xf32>,
          %get3A_302 = arith.index_cast %add3A_143 : i32 to index
          %get3A_303 = arith.constant 96 : index
          %get3A_304 = tpu.vector_load %arg5[%get3A_302, %get3A_303] {strides = array<i32>} : memref<80x128xf32, #tpu.memory_space<vmem>>, vector<1x16xf32>,
          %get3A_305 = vector.shape_cast %get3A_304 : vector<1x16xf32> to vector<16xf32>
          %max3A_306 = arith.constant 0.000000e+00 : f32
          %max3A_307 = vector.broadcast %max3A_306 : f32 to vector<16xf32>
          %max3A_308 = arith.maximumf %get3A_305, %max3A_307 : vector<16xf32>
          %min3A_309 = arith.constant 1.000000e+00 : f32
          %min3A_310 = vector.broadcast %min3A_309 : f32 to vector<16xf32>
          %min3A_311 = arith.minimumf %max3A_308, %min3A_310 : vector<16xf32>
          %mul3A_312 = arith.constant 2.550000e+02 : f32
          %mul3A_313 = vector.broadcast %mul3A_312 : f32 to vector<16xf32>
          %mul3A_314 = arith.mulf %min3A_311, %mul3A_313 : vector<16xf32>
          %add3A_315 = arith.constant 0x4B000000 : f32
          %add3A_316 = vector.broadcast %add3A_315 : f32 to vector<16xf32>
          %add3A_317 = arith.addf %mul3A_314, %add3A_316 : vector<16xf32>
          %sub3A_318 = arith.constant 0x4B000000 : f32
          %sub3A_319 = vector.broadcast %sub3A_318 : f32 to vector<16xf32>
          %sub3A_320 = arith.subf %add3A_317, %sub3A_319 : vector<16xf32>
          %mul3A_321 = arith.constant 0.00392156886 : f32
          %mul3A_322 = vector.broadcast %mul3A_321 : f32 to vector<16xf32>
          %mul3A_323 = arith.mulf %sub3A_320, %mul3A_322 : vector<16xf32>
          %swap3A_324 = arith.index_cast %add3A_143 : i32 to index
          %swap3A_325 = arith.constant 96 : index
          %swap3A_326 = tpu.vector_load %arg9[%swap3A_324, %swap3A_325] {strides = array<i32>} : memref<80x128xf32, #tpu.memory_space<vmem>>, vector<1x16xf32>,
          %swap3A_327 = vector.shape_cast %swap3A_326 : vector<1x16xf32> to vector<16xf32>
          %swap3A_328 = vector.shape_cast %mul3A_323 : vector<16xf32> to vector<1x16xf32>
          tpu.vector_store %arg9[%swap3A_324, %swap3A_325], %swap3A_328 {strides = array<i32>} : memref<80x128xf32, #tpu.memory_space<vmem>>, vector<1x16xf32>,
          %get3A_329 = arith.index_cast %add3A_143 : i32 to index
          %get3A_330 = arith.constant 112 : index
          %get3A_331 = tpu.vector_load %arg5[%get3A_329, %get3A_330] {strides = array<i32>} : memref<80x128xf32, #tpu.memory_space<vmem>>, vector<1x16xf32>,
          %get3A_332 = vector.shape_cast %get3A_331 : vector<1x16xf32> to vector<16xf32>
          %max3A_333 = arith.constant 0.000000e+00 : f32
          %max3A_334 = vector.broadcast %max3A_333 : f32 to vector<16xf32>
          %max3A_335 = arith.maximumf %get3A_332, %max3A_334 : vector<16xf32>
          %min3A_336 = arith.constant 1.000000e+00 : f32
          %min3A_337 = vector.broadcast %min3A_336 : f32 to vector<16xf32>
          %min3A_338 = arith.minimumf %max3A_335, %min3A_337 : vector<16xf32>
          %mul3A_339 = arith.constant 2.550000e+02 : f32
          %mul3A_340 = vector.broadcast %mul3A_339 : f32 to vector<16xf32>
          %mul3A_341 = arith.mulf %min3A_338, %mul3A_340 : vector<16xf32>
          %add3A_342 = arith.constant 0x4B000000 : f32
          %add3A_343 = vector.broadcast %add3A_342 : f32 to vector<16xf32>
          %add3A_344 = arith.addf %mul3A_341, %add3A_343 : vector<16xf32>
          %sub3A_345 = arith.constant 0x4B000000 : f32
          %sub3A_346 = vector.broadcast %sub3A_345 : f32 to vector<16xf32>
          %sub3A_347 = arith.subf %add3A_344, %sub3A_346 : vector<16xf32>
          %mul3A_348 = arith.constant 0.00392156886 : f32
          %mul3A_349 = vector.broadcast %mul3A_348 : f32 to vector<16xf32>
          %mul3A_350 = arith.mulf %sub3A_347, %mul3A_349 : vector<16xf32>
          %swap3A_351 = arith.index_cast %add3A_143 : i32 to index
          %swap3A_352 = arith.constant 112 : index
          %swap3A_353 = tpu.vector_load %arg9[%swap3A_351, %swap3A_352] {strides = array<i32>} : memref<80x128xf32, #tpu.memory_space<vmem>>, vector<1x16xf32>,
          %swap3A_354 = vector.shape_cast %swap3A_353 : vector<1x16xf32> to vector<16xf32>
          %swap3A_355 = vector.shape_cast %mul3A_350 : vector<16xf32> to vector<1x16xf32>
          tpu.vector_store %arg9[%swap3A_351, %swap3A_352], %swap3A_355 {strides = array<i32>} : memref<80x128xf32, #tpu.memory_space<vmem>>, vector<1x16xf32>,
          %mul3A_356 = arith.constant 2 : i32
          %mul3A_357 = arith.muli %scan3A_138, %mul3A_356 : i32
          %add3A_358 = arith.constant 1 : i32
          %add3A_359 = arith.addi %mul3A_357, %add3A_358 : i32
          %get3A_360 = arith.index_cast %add3A_359 : i32 to index
          %get3A_361 = arith.constant 0 : index
          %get3A_362 = tpu.vector_load %arg5[%get3A_360, %get3A_361] {strides = array<i32>} : memref<80x128xf32, #tpu.memory_space<vmem>>, vector<1x16xf32>,
          %get3A_363 = vector.shape_cast %get3A_362 : vector<1x16xf32> to vector<16xf32>
          %max3A_364 = arith.constant 0.000000e+00 : f32
          %max3A_365 = vector.broadcast %max3A_364 : f32 to vector<16xf32>
          %max3A_366 = arith.maximumf %get3A_363, %max3A_365 : vector<16xf32>
          %min3A_367 = arith.constant 1.000000e+00 : f32
          %min3A_368 = vector.broadcast %min3A_367 : f32 to vector<16xf32>
          %min3A_369 = arith.minimumf %max3A_366, %min3A_368 : vector<16xf32>
          %mul3A_370 = arith.constant 2.550000e+02 : f32
          %mul3A_371 = vector.broadcast %mul3A_370 : f32 to vector<16xf32>
          %mul3A_372 = arith.mulf %min3A_369, %mul3A_371 : vector<16xf32>
          %add3A_373 = arith.constant 0x4B000000 : f32
          %add3A_374 = vector.broadcast %add3A_373 : f32 to vector<16xf32>
          %add3A_375 = arith.addf %mul3A_372, %add3A_374 : vector<16xf32>
          %sub3A_376 = arith.constant 0x4B000000 : f32
          %sub3A_377 = vector.broadcast %sub3A_376 : f32 to vector<16xf32>
          %sub3A_378 = arith.subf %add3A_375, %sub3A_377 : vector<16xf32>
          %mul3A_379 = arith.constant 0.00392156886 : f32
          %mul3A_380 = vector.broadcast %mul3A_379 : f32 to vector<16xf32>
          %mul3A_381 = arith.mulf %sub3A_378, %mul3A_380 : vector<16xf32>
          %swap3A_382 = arith.index_cast %add3A_359 : i32 to index
          %swap3A_383 = arith.constant 0 : index
          %swap3A_384 = tpu.vector_load %arg9[%swap3A_382, %swap3A_383] {strides = array<i32>} : memref<80x128xf32, #tpu.memory_space<vmem>>, vector<1x16xf32>,
          %swap3A_385 = vector.shape_cast %swap3A_384 : vector<1x16xf32> to vector<16xf32>
          %swap3A_386 = vector.shape_cast %mul3A_381 : vector<16xf32> to vector<1x16xf32>
          tpu.vector_store %arg9[%swap3A_382, %swap3A_383], %swap3A_386 {strides = array<i32>} : memref<80x128xf32, #tpu.memory_space<vmem>>, vector<1x16xf32>,
          %get3A_387 = arith.index_cast %add3A_359 : i32 to index
          %get3A_388 = arith.constant 16 : index
          %get3A_389 = tpu.vector_load %arg5[%get3A_387, %get3A_388] {strides = array<i32>} : memref<80x128xf32, #tpu.memory_space<vmem>>, vector<1x16xf32>,
          %get3A_390 = vector.shape_cast %get3A_389 : vector<1x16xf32> to vector<16xf32>
          %max3A_391 = arith.constant 0.000000e+00 : f32
          %max3A_392 = vector.broadcast %max3A_391 : f32 to vector<16xf32>
          %max3A_393 = arith.maximumf %get3A_390, %max3A_392 : vector<16xf32>
          %min3A_394 = arith.constant 1.000000e+00 : f32
          %min3A_395 = vector.broadcast %min3A_394 : f32 to vector<16xf32>
          %min3A_396 = arith.minimumf %max3A_393, %min3A_395 : vector<16xf32>
          %mul3A_397 = arith.constant 2.550000e+02 : f32
          %mul3A_398 = vector.broadcast %mul3A_397 : f32 to vector<16xf32>
          %mul3A_399 = arith.mulf %min3A_396, %mul3A_398 : vector<16xf32>
          %add3A_400 = arith.constant 0x4B000000 : f32
          %add3A_401 = vector.broadcast %add3A_400 : f32 to vector<16xf32>
          %add3A_402 = arith.addf %mul3A_399, %add3A_401 : vector<16xf32>
          %sub3A_403 = arith.constant 0x4B000000 : f32
          %sub3A_404 = vector.broadcast %sub3A_403 : f32 to vector<16xf32>
          %sub3A_405 = arith.subf %add3A_402, %sub3A_404 : vector<16xf32>
          %mul3A_406 = arith.constant 0.00392156886 : f32
          %mul3A_407 = vector.broadcast %mul3A_406 : f32 to vector<16xf32>
          %mul3A_408 = arith.mulf %sub3A_405, %mul3A_407 : vector<16xf32>
          %swap3A_409 = arith.index_cast %add3A_359 : i32 to index
          %swap3A_410 = arith.constant 16 : index
          %swap3A_411 = tpu.vector_load %arg9[%swap3A_409, %swap3A_410] {strides = array<i32>} : memref<80x128xf32, #tpu.memory_space<vmem>>, vector<1x16xf32>,
          %swap3A_412 = vector.shape_cast %swap3A_411 : vector<1x16xf32> to vector<16xf32>
          %swap3A_413 = vector.shape_cast %mul3A_408 : vector<16xf32> to vector<1x16xf32>
          tpu.vector_store %arg9[%swap3A_409, %swap3A_410], %swap3A_413 {strides = array<i32>} : memref<80x128xf32, #tpu.memory_space<vmem>>, vector<1x16xf32>,
          %get3A_414 = arith.index_cast %add3A_359 : i32 to index
          %get3A_415 = arith.constant 32 : index
          %get3A_416 = tpu.vector_load %arg5[%get3A_414, %get3A_415] {strides = array<i32>} : memref<80x128xf32, #tpu.memory_space<vmem>>, vector<1x16xf32>,
          %get3A_417 = vector.shape_cast %get3A_416 : vector<1x16xf32> to vector<16xf32>
          %max3A_418 = arith.constant 0.000000e+00 : f32
          %max3A_419 = vector.broadcast %max3A_418 : f32 to vector<16xf32>
          %max3A_420 = arith.maximumf %get3A_417, %max3A_419 : vector<16xf32>
          %min3A_421 = arith.constant 1.000000e+00 : f32
          %min3A_422 = vector.broadcast %min3A_421 : f32 to vector<16xf32>
          %min3A_423 = arith.minimumf %max3A_420, %min3A_422 : vector<16xf32>
          %mul3A_424 = arith.constant 2.550000e+02 : f32
          %mul3A_425 = vector.broadcast %mul3A_424 : f32 to vector<16xf32>
          %mul3A_426 = arith.mulf %min3A_423, %mul3A_425 : vector<16xf32>
          %add3A_427 = arith.constant 0x4B000000 : f32
          %add3A_428 = vector.broadcast %add3A_427 : f32 to vector<16xf32>
          %add3A_429 = arith.addf %mul3A_426, %add3A_428 : vector<16xf32>
          %sub3A_430 = arith.constant 0x4B000000 : f32
          %sub3A_431 = vector.broadcast %sub3A_430 : f32 to vector<16xf32>
          %sub3A_432 = arith.subf %add3A_429, %sub3A_431 : vector<16xf32>
          %mul3A_433 = arith.constant 0.00392156886 : f32
          %mul3A_434 = vector.broadcast %mul3A_433 : f32 to vector<16xf32>
          %mul3A_435 = arith.mulf %sub3A_432, %mul3A_434 : vector<16xf32>
          %swap3A_436 = arith.index_cast %add3A_359 : i32 to index
          %swap3A_437 = arith.constant 32 : index
          %swap3A_438 = tpu.vector_load %arg9[%swap3A_436, %swap3A_437] {strides = array<i32>} : memref<80x128xf32, #tpu.memory_space<vmem>>, vector<1x16xf32>,
          %swap3A_439 = vector.shape_cast %swap3A_438 : vector<1x16xf32> to vector<16xf32>
          %swap3A_440 = vector.shape_cast %mul3A_435 : vector<16xf32> to vector<1x16xf32>
          tpu.vector_store %arg9[%swap3A_436, %swap3A_437], %swap3A_440 {strides = array<i32>} : memref<80x128xf32, #tpu.memory_space<vmem>>, vector<1x16xf32>,
          %get3A_441 = arith.index_cast %add3A_359 : i32 to index
          %get3A_442 = arith.constant 48 : index
          %get3A_443 = tpu.vector_load %arg5[%get3A_441, %get3A_442] {strides = array<i32>} : memref<80x128xf32, #tpu.memory_space<vmem>>, vector<1x16xf32>,
          %get3A_444 = vector.shape_cast %get3A_443 : vector<1x16xf32> to vector<16xf32>
          %max3A_445 = arith.constant 0.000000e+00 : f32
          %max3A_446 = vector.broadcast %max3A_445 : f32 to vector<16xf32>
          %max3A_447 = arith.maximumf %get3A_444, %max3A_446 : vector<16xf32>
          %min3A_448 = arith.constant 1.000000e+00 : f32
          %min3A_449 = vector.broadcast %min3A_448 : f32 to vector<16xf32>
          %min3A_450 = arith.minimumf %max3A_447, %min3A_449 : vector<16xf32>
          %mul3A_451 = arith.constant 2.550000e+02 : f32
          %mul3A_452 = vector.broadcast %mul3A_451 : f32 to vector<16xf32>
          %mul3A_453 = arith.mulf %min3A_450, %mul3A_452 : vector<16xf32>
          %add3A_454 = arith.constant 0x4B000000 : f32
          %add3A_455 = vector.broadcast %add3A_454 : f32 to vector<16xf32>
          %add3A_456 = arith.addf %mul3A_453, %add3A_455 : vector<16xf32>
          %sub3A_457 = arith.constant 0x4B000000 : f32
          %sub3A_458 = vector.broadcast %sub3A_457 : f32 to vector<16xf32>
          %sub3A_459 = arith.subf %add3A_456, %sub3A_458 : vector<16xf32>
          %mul3A_460 = arith.constant 0.00392156886 : f32
          %mul3A_461 = vector.broadcast %mul3A_460 : f32 to vector<16xf32>
          %mul3A_462 = arith.mulf %sub3A_459, %mul3A_461 : vector<16xf32>
          %swap3A_463 = arith.index_cast %add3A_359 : i32 to index
          %swap3A_464 = arith.constant 48 : index
          %swap3A_465 = tpu.vector_load %arg9[%swap3A_463, %swap3A_464] {strides = array<i32>} : memref<80x128xf32, #tpu.memory_space<vmem>>, vector<1x16xf32>,
          %swap3A_466 = vector.shape_cast %swap3A_465 : vector<1x16xf32> to vector<16xf32>
          %swap3A_467 = vector.shape_cast %mul3A_462 : vector<16xf32> to vector<1x16xf32>
          tpu.vector_store %arg9[%swap3A_463, %swap3A_464], %swap3A_467 {strides = array<i32>} : memref<80x128xf32, #tpu.memory_space<vmem>>, vector<1x16xf32>,
          %get3A_468 = arith.index_cast %add3A_359 : i32 to index
          %get3A_469 = arith.constant 64 : index
          %get3A_470 = tpu.vector_load %arg5[%get3A_468, %get3A_469] {strides = array<i32>} : memref<80x128xf32, #tpu.memory_space<vmem>>, vector<1x16xf32>,
          %get3A_471 = vector.shape_cast %get3A_470 : vector<1x16xf32> to vector<16xf32>
          %max3A_472 = arith.constant 0.000000e+00 : f32
          %max3A_473 = vector.broadcast %max3A_472 : f32 to vector<16xf32>
          %max3A_474 = arith.maximumf %get3A_471, %max3A_473 : vector<16xf32>
          %min3A_475 = arith.constant 1.000000e+00 : f32
          %min3A_476 = vector.broadcast %min3A_475 : f32 to vector<16xf32>
          %min3A_477 = arith.minimumf %max3A_474, %min3A_476 : vector<16xf32>
          %mul3A_478 = arith.constant 2.550000e+02 : f32
          %mul3A_479 = vector.broadcast %mul3A_478 : f32 to vector<16xf32>
          %mul3A_480 = arith.mulf %min3A_477, %mul3A_479 : vector<16xf32>
          %add3A_481 = arith.constant 0x4B000000 : f32
          %add3A_482 = vector.broadcast %add3A_481 : f32 to vector<16xf32>
          %add3A_483 = arith.addf %mul3A_480, %add3A_482 : vector<16xf32>
          %sub3A_484 = arith.constant 0x4B000000 : f32
          %sub3A_485 = vector.broadcast %sub3A_484 : f32 to vector<16xf32>
          %sub3A_486 = arith.subf %add3A_483, %sub3A_485 : vector<16xf32>
          %mul3A_487 = arith.constant 0.00392156886 : f32
          %mul3A_488 = vector.broadcast %mul3A_487 : f32 to vector<16xf32>
          %mul3A_489 = arith.mulf %sub3A_486, %mul3A_488 : vector<16xf32>
          %swap3A_490 = arith.index_cast %add3A_359 : i32 to index
          %swap3A_491 = arith.constant 64 : index
          %swap3A_492 = tpu.vector_load %arg9[%swap3A_490, %swap3A_491] {strides = array<i32>} : memref<80x128xf32, #tpu.memory_space<vmem>>, vector<1x16xf32>,
          %swap3A_493 = vector.shape_cast %swap3A_492 : vector<1x16xf32> to vector<16xf32>
          %swap3A_494 = vector.shape_cast %mul3A_489 : vector<16xf32> to vector<1x16xf32>
          tpu.vector_store %arg9[%swap3A_490, %swap3A_491], %swap3A_494 {strides = array<i32>} : memref<80x128xf32, #tpu.memory_space<vmem>>, vector<1x16xf32>,
          %get3A_495 = arith.index_cast %add3A_359 : i32 to index
          %get3A_496 = arith.constant 80 : index
          %get3A_497 = tpu.vector_load %arg5[%get3A_495, %get3A_496] {strides = array<i32>} : memref<80x128xf32, #tpu.memory_space<vmem>>, vector<1x16xf32>,
          %get3A_498 = vector.shape_cast %get3A_497 : vector<1x16xf32> to vector<16xf32>
          %max3A_499 = arith.constant 0.000000e+00 : f32
          %max3A_500 = vector.broadcast %max3A_499 : f32 to vector<16xf32>
          %max3A_501 = arith.maximumf %get3A_498, %max3A_500 : vector<16xf32>
          %min3A_502 = arith.constant 1.000000e+00 : f32
          %min3A_503 = vector.broadcast %min3A_502 : f32 to vector<16xf32>
          %min3A_504 = arith.minimumf %max3A_501, %min3A_503 : vector<16xf32>
          %mul3A_505 = arith.constant 2.550000e+02 : f32
          %mul3A_506 = vector.broadcast %mul3A_505 : f32 to vector<16xf32>
          %mul3A_507 = arith.mulf %min3A_504, %mul3A_506 : vector<16xf32>
          %add3A_508 = arith.constant 0x4B000000 : f32
          %add3A_509 = vector.broadcast %add3A_508 : f32 to vector<16xf32>
          %add3A_510 = arith.addf %mul3A_507, %add3A_509 : vector<16xf32>
          %sub3A_511 = arith.constant 0x4B000000 : f32
          %sub3A_512 = vector.broadcast %sub3A_511 : f32 to vector<16xf32>
          %sub3A_513 = arith.subf %add3A_510, %sub3A_512 : vector<16xf32>
          %mul3A_514 = arith.constant 0.00392156886 : f32
          %mul3A_515 = vector.broadcast %mul3A_514 : f32 to vector<16xf32>
          %mul3A_516 = arith.mulf %sub3A_513, %mul3A_515 : vector<16xf32>
          %swap3A_517 = arith.index_cast %add3A_359 : i32 to index
          %swap3A_518 = arith.constant 80 : index
          %swap3A_519 = tpu.vector_load %arg9[%swap3A_517, %swap3A_518] {strides = array<i32>} : memref<80x128xf32, #tpu.memory_space<vmem>>, vector<1x16xf32>,
          %swap3A_520 = vector.shape_cast %swap3A_519 : vector<1x16xf32> to vector<16xf32>
          %swap3A_521 = vector.shape_cast %mul3A_516 : vector<16xf32> to vector<1x16xf32>
          tpu.vector_store %arg9[%swap3A_517, %swap3A_518], %swap3A_521 {strides = array<i32>} : memref<80x128xf32, #tpu.memory_space<vmem>>, vector<1x16xf32>,
          %get3A_522 = arith.index_cast %add3A_359 : i32 to index
          %get3A_523 = arith.constant 96 : index
          %get3A_524 = tpu.vector_load %arg5[%get3A_522, %get3A_523] {strides = array<i32>} : memref<80x128xf32, #tpu.memory_space<vmem>>, vector<1x16xf32>,
          %get3A_525 = vector.shape_cast %get3A_524 : vector<1x16xf32> to vector<16xf32>
          %max3A_526 = arith.constant 0.000000e+00 : f32
          %max3A_527 = vector.broadcast %max3A_526 : f32 to vector<16xf32>
          %max3A_528 = arith.maximumf %get3A_525, %max3A_527 : vector<16xf32>
          %min3A_529 = arith.constant 1.000000e+00 : f32
          %min3A_530 = vector.broadcast %min3A_529 : f32 to vector<16xf32>
          %min3A_531 = arith.minimumf %max3A_528, %min3A_530 : vector<16xf32>
          %mul3A_532 = arith.constant 2.550000e+02 : f32
          %mul3A_533 = vector.broadcast %mul3A_532 : f32 to vector<16xf32>
          %mul3A_534 = arith.mulf %min3A_531, %mul3A_533 : vector<16xf32>
          %add3A_535 = arith.constant 0x4B000000 : f32
          %add3A_536 = vector.broadcast %add3A_535 : f32 to vector<16xf32>
          %add3A_537 = arith.addf %mul3A_534, %add3A_536 : vector<16xf32>
          %sub3A_538 = arith.constant 0x4B000000 : f32
          %sub3A_539 = vector.broadcast %sub3A_538 : f32 to vector<16xf32>
          %sub3A_540 = arith.subf %add3A_537, %sub3A_539 : vector<16xf32>
          %mul3A_541 = arith.constant 0.00392156886 : f32
          %mul3A_542 = vector.broadcast %mul3A_541 : f32 to vector<16xf32>
          %mul3A_543 = arith.mulf %sub3A_540, %mul3A_542 : vector<16xf32>
          %swap3A_544 = arith.index_cast %add3A_359 : i32 to index
          %swap3A_545 = arith.constant 96 : index
          %swap3A_546 = tpu.vector_load %arg9[%swap3A_544, %swap3A_545] {strides = array<i32>} : memref<80x128xf32, #tpu.memory_space<vmem>>, vector<1x16xf32>,
          %swap3A_547 = vector.shape_cast %swap3A_546 : vector<1x16xf32> to vector<16xf32>
          %swap3A_548 = vector.shape_cast %mul3A_543 : vector<16xf32> to vector<1x16xf32>
          tpu.vector_store %arg9[%swap3A_544, %swap3A_545], %swap3A_548 {strides = array<i32>} : memref<80x128xf32, #tpu.memory_space<vmem>>, vector<1x16xf32>,
          %get3A_549 = arith.index_cast %add3A_359 : i32 to index
          %get3A_550 = arith.constant 112 : index
          %get3A_551 = tpu.vector_load %arg5[%get3A_549, %get3A_550] {strides = array<i32>} : memref<80x128xf32, #tpu.memory_space<vmem>>, vector<1x16xf32>,
          %get3A_552 = vector.shape_cast %get3A_551 : vector<1x16xf32> to vector<16xf32>
          %max3A_553 = arith.constant 0.000000e+00 : f32
          %max3A_554 = vector.broadcast %max3A_553 : f32 to vector<16xf32>
          %max3A_555 = arith.maximumf %get3A_552, %max3A_554 : vector<16xf32>
          %min3A_556 = arith.constant 1.000000e+00 : f32
          %min3A_557 = vector.broadcast %min3A_556 : f32 to vector<16xf32>
          %min3A_558 = arith.minimumf %max3A_555, %min3A_557 : vector<16xf32>
          %mul3A_559 = arith.constant 2.550000e+02 : f32
          %mul3A_560 = vector.broadcast %mul3A_559 : f32 to vector<16xf32>
          %mul3A_561 = arith.mulf %min3A_558, %mul3A_560 : vector<16xf32>
          %add3A_562 = arith.constant 0x4B000000 : f32
          %add3A_563 = vector.broadcast %add3A_562 : f32 to vector<16xf32>
          %add3A_564 = arith.addf %mul3A_561, %add3A_563 : vector<16xf32>
          %sub3A_565 = arith.constant 0x4B000000 : f32
          %sub3A_566 = vector.broadcast %sub3A_565 : f32 to vector<16xf32>
          %sub3A_567 = arith.subf %add3A_564, %sub3A_566 : vector<16xf32>
          %mul3A_568 = arith.constant 0.00392156886 : f32
          %mul3A_569 = vector.broadcast %mul3A_568 : f32 to vector<16xf32>
          %mul3A_570 = arith.mulf %sub3A_567, %mul3A_569 : vector<16xf32>
          %swap3A_571 = arith.index_cast %add3A_359 : i32 to index
          %swap3A_572 = arith.constant 112 : index
          %swap3A_573 = tpu.vector_load %arg9[%swap3A_571, %swap3A_572] {strides = array<i32>} : memref<80x128xf32, #tpu.memory_space<vmem>>, vector<1x16xf32>,
          %swap3A_574 = vector.shape_cast %swap3A_573 : vector<1x16xf32> to vector<16xf32>
          %swap3A_575 = vector.shape_cast %mul3A_570 : vector<16xf32> to vector<1x16xf32>
          tpu.vector_store %arg9[%swap3A_571, %swap3A_572], %swap3A_575 {strides = array<i32>} : memref<80x128xf32, #tpu.memory_space<vmem>>, vector<1x16xf32>,
          %scan3A_576 = arith.constant 0 : i32
          scf.yield %scan3A_576 : i32
        }
        %scan3A_129 = arith.constant 40 : i32
        %mul3A_130 = arith.constant 32 : i32
        %mul3A_131 = arith.muli %add3A_70, %mul3A_130 : i32
        %add3A_132 = arith.addi %add3A, %mul3A_131 : i32
        %mul3A_133 = arith.constant 80 : i32
        %mul3A_134 = arith.muli %add3A_132, %mul3A_133 : i32
        %dma_start3A = arith.constant 0 : i32
        %dma_start3A_135 = tpu.memref_slice %arg3[%mul3A_134, %dma_start3A] : memref<100000x128xf32, #tpu.memory_space<hbm>> -> memref<80x128xf32, #tpu.memory_space<hbm>>
        %dma_start3A_136 = arith.constant 0 : i32
        %dma_start3A_137 = tpu.memref_slice %arg3[%mul3A_134, %dma_start3A_136] : memref<100000x128xf32, #tpu.memory_space<hbm>> -> memref<80x128xf32, #tpu.memory_space<hbm>>
        tpu.enqueue_dma source(%arg9 : memref<80x128xf32, #tpu.memory_space<vmem>>) target(%dma_start3A_137 : memref<80x128xf32, #tpu.memory_space<hbm>>) target_semaphore(%arg17 : memref<!tpu.dma_semaphore, #tpu.memory_space<semaphore_mem>>)
      } else {
      }
      %add3A_79 = arith.constant 2 : i32
      %add3A_80 = arith.addi %add3A_58, %add3A_79 : i32
      %mul3A_81 = arith.constant 32 : i32
      %mul3A_82 = arith.muli %add3A_80, %mul3A_81 : i32
      %add3A_83 = arith.addi %add3A, %mul3A_82 : i32
      %lt3A_84 = arith.constant 1250 : i32
      %lt3A_85 = arith.cmpi slt, %add3A_83, %lt3A_84 : i32
      %convert_element_type3A_86 = arith.extui %lt3A_85 : i1 to i32
      %cond3A_87 = arith.constant 0 : i32
      %cond3A_88 = arith.cmpi ne, %convert_element_type3A_86, %cond3A_87 : i32
      scf.if %cond3A_88 {
        %add3A_99 = arith.constant 4 : i32
        %add3A_100 = arith.addi %add3A_80, %add3A_99 : i32
        %sub3A = arith.constant 1 : i32
        %sub3A_101 = arith.subi %add3A_100, %sub3A : i32
        %mul3A_102 = arith.constant 32 : i32
        %mul3A_103 = arith.muli %sub3A_101, %mul3A_102 : i32
        %add3A_104 = arith.addi %add3A, %mul3A_103 : i32
        %lt3A_105 = arith.constant 1250 : i32
        %lt3A_106 = arith.cmpi slt, %add3A_104, %lt3A_105 : i32
        %convert_element_type3A_107 = arith.extui %lt3A_106 : i1 to i32
        %cond3A_108 = arith.constant 0 : i32
        %cond3A_109 = arith.cmpi ne, %convert_element_type3A_107, %cond3A_108 : i32
        scf.if %cond3A_109 {
          %mul3A_138 = arith.constant 32 : i32
          %mul3A_139 = arith.muli %sub3A_101, %mul3A_138 : i32
          %add3A_140 = arith.addi %add3A, %mul3A_139 : i32
          %mul3A_141 = arith.constant 80 : i32
          %mul3A_142 = arith.muli %add3A_140, %mul3A_141 : i32
          %dma_start3A_143 = arith.constant 0 : i32
          %dma_start3A_144 = tpu.memref_slice %arg2[%mul3A_142, %dma_start3A_143] : memref<100000x128xf32, #tpu.memory_space<hbm>> -> memref<80x128xf32, #tpu.memory_space<hbm>>
          %dma_start3A_145 = arith.constant 0 : i32
          %dma_start3A_146 = tpu.memref_slice %arg2[%mul3A_142, %dma_start3A_145] : memref<100000x128xf32, #tpu.memory_space<hbm>> -> memref<80x128xf32, #tpu.memory_space<hbm>>
          tpu.enqueue_dma source(%dma_start3A_146 : memref<80x128xf32, #tpu.memory_space<hbm>>) target(%arg5 : memref<80x128xf32, #tpu.memory_space<vmem>>) target_semaphore(%arg13 : memref<!tpu.dma_semaphore, #tpu.memory_space<semaphore_mem>>)
        } else {
        }
        %mul3A_110 = arith.constant 32 : i32
        %mul3A_111 = arith.muli %add3A_80, %mul3A_110 : i32
        %add3A_112 = arith.addi %add3A, %mul3A_111 : i32
        %mul3A_113 = arith.constant 80 : i32
        %mul3A_114 = arith.muli %add3A_112, %mul3A_113 : i32
        %dma_wait3A_115 = arith.constant 0 : i32
        %dma_wait3A_116 = tpu.memref_slice %arg2[%mul3A_114, %dma_wait3A_115] : memref<100000x128xf32, #tpu.memory_space<hbm>> -> memref<80x128xf32, #tpu.memory_space<hbm>>
        %dma_wait3A_117 = arith.constant 0 : i32
        %dma_wait3A_118 = tpu.memref_slice %arg2[%mul3A_114, %dma_wait3A_117] : memref<100000x128xf32, #tpu.memory_space<hbm>> -> memref<80x128xf32, #tpu.memory_space<hbm>>
        tpu.wait_dma2 semaphore(%arg14 : memref<!tpu.dma_semaphore, #tpu.memory_space<semaphore_mem>>) src(%dma_wait3A_118 : memref<80x128xf32, #tpu.memory_space<hbm>>) dst(%arg6 : memref<80x128xf32, #tpu.memory_space<vmem>>)
        %ge3A = arith.constant 4 : i32
        %ge3A_119 = arith.cmpi sge, %add3A_80, %ge3A : i32
        %convert_element_type3A_120 = arith.extui %ge3A_119 : i1 to i32
        %cond3A_121 = arith.constant 0 : i32
        %cond3A_122 = arith.cmpi ne, %convert_element_type3A_120, %cond3A_121 : i32
        scf.if %cond3A_122 {
          %sub3A_138 = arith.constant 4 : i32
          %sub3A_139 = arith.subi %add3A_80, %sub3A_138 : i32
          %mul3A_140 = arith.constant 32 : i32
          %mul3A_141 = arith.muli %sub3A_139, %mul3A_140 : i32
          %add3A_142 = arith.addi %add3A, %mul3A_141 : i32
          %mul3A_143 = arith.constant 80 : i32
          %mul3A_144 = arith.muli %add3A_142, %mul3A_143 : i32
          %dma_wait3A_145 = arith.constant 0 : i32
          %dma_wait3A_146 = tpu.memref_slice %arg3[%mul3A_144, %dma_wait3A_145] : memref<100000x128xf32, #tpu.memory_space<hbm>> -> memref<80x128xf32, #tpu.memory_space<hbm>>
          %dma_wait3A_147 = arith.constant 0 : i32
          %dma_wait3A_148 = tpu.memref_slice %arg3[%mul3A_144, %dma_wait3A_147] : memref<100000x128xf32, #tpu.memory_space<hbm>> -> memref<80x128xf32, #tpu.memory_space<hbm>>
          tpu.wait_dma2 semaphore(%arg18 : memref<!tpu.dma_semaphore, #tpu.memory_space<semaphore_mem>>) src(%arg10 : memref<80x128xf32, #tpu.memory_space<vmem>>) dst(%dma_wait3A_148 : memref<80x128xf32, #tpu.memory_space<hbm>>)
        } else {
        }
        %scan3A_123 = arith.constant 0 : i32
        %scan3A_124 = arith.constant 0 : i32
        %scan3A_125 = arith.constant 40 : i32
        %scan3A_126 = arith.addi %scan3A_124, %scan3A_125 : i32
        %scan3A_127 = arith.constant 1 : i32
        %scan3A_128 = scf.for %scan3A_138 = %scan3A_124 to %scan3A_126 step %scan3A_127 iter_args(%scan3A_139 = %scan3A_123) -> (i32)  : i32 {
          %mul3A_140 = arith.constant 2 : i32
          %mul3A_141 = arith.muli %scan3A_138, %mul3A_140 : i32
          %add3A_142 = arith.constant 0 : i32
          %add3A_143 = arith.addi %mul3A_141, %add3A_142 : i32
          %get3A = arith.index_cast %add3A_143 : i32 to index
          %get3A_144 = arith.constant 0 : index
          %get3A_145 = tpu.vector_load %arg6[%get3A, %get3A_144] {strides = array<i32>} : memref<80x128xf32, #tpu.memory_space<vmem>>, vector<1x16xf32>,
          %get3A_146 = vector.shape_cast %get3A_145 : vector<1x16xf32> to vector<16xf32>
          %max3A = arith.constant 0.000000e+00 : f32
          %max3A_147 = vector.broadcast %max3A : f32 to vector<16xf32>
          %max3A_148 = arith.maximumf %get3A_146, %max3A_147 : vector<16xf32>
          %min3A = arith.constant 1.000000e+00 : f32
          %min3A_149 = vector.broadcast %min3A : f32 to vector<16xf32>
          %min3A_150 = arith.minimumf %max3A_148, %min3A_149 : vector<16xf32>
          %mul3A_151 = arith.constant 2.550000e+02 : f32
          %mul3A_152 = vector.broadcast %mul3A_151 : f32 to vector<16xf32>
          %mul3A_153 = arith.mulf %min3A_150, %mul3A_152 : vector<16xf32>
          %add3A_154 = arith.constant 0x4B000000 : f32
          %add3A_155 = vector.broadcast %add3A_154 : f32 to vector<16xf32>
          %add3A_156 = arith.addf %mul3A_153, %add3A_155 : vector<16xf32>
          %sub3A_157 = arith.constant 0x4B000000 : f32
          %sub3A_158 = vector.broadcast %sub3A_157 : f32 to vector<16xf32>
          %sub3A_159 = arith.subf %add3A_156, %sub3A_158 : vector<16xf32>
          %mul3A_160 = arith.constant 0.00392156886 : f32
          %mul3A_161 = vector.broadcast %mul3A_160 : f32 to vector<16xf32>
          %mul3A_162 = arith.mulf %sub3A_159, %mul3A_161 : vector<16xf32>
          %swap3A = arith.index_cast %add3A_143 : i32 to index
          %swap3A_163 = arith.constant 0 : index
          %swap3A_164 = tpu.vector_load %arg10[%swap3A, %swap3A_163] {strides = array<i32>} : memref<80x128xf32, #tpu.memory_space<vmem>>, vector<1x16xf32>,
          %swap3A_165 = vector.shape_cast %swap3A_164 : vector<1x16xf32> to vector<16xf32>
          %swap3A_166 = vector.shape_cast %mul3A_162 : vector<16xf32> to vector<1x16xf32>
          tpu.vector_store %arg10[%swap3A, %swap3A_163], %swap3A_166 {strides = array<i32>} : memref<80x128xf32, #tpu.memory_space<vmem>>, vector<1x16xf32>,
          %get3A_167 = arith.index_cast %add3A_143 : i32 to index
          %get3A_168 = arith.constant 16 : index
          %get3A_169 = tpu.vector_load %arg6[%get3A_167, %get3A_168] {strides = array<i32>} : memref<80x128xf32, #tpu.memory_space<vmem>>, vector<1x16xf32>,
          %get3A_170 = vector.shape_cast %get3A_169 : vector<1x16xf32> to vector<16xf32>
          %max3A_171 = arith.constant 0.000000e+00 : f32
          %max3A_172 = vector.broadcast %max3A_171 : f32 to vector<16xf32>
          %max3A_173 = arith.maximumf %get3A_170, %max3A_172 : vector<16xf32>
          %min3A_174 = arith.constant 1.000000e+00 : f32
          %min3A_175 = vector.broadcast %min3A_174 : f32 to vector<16xf32>
          %min3A_176 = arith.minimumf %max3A_173, %min3A_175 : vector<16xf32>
          %mul3A_177 = arith.constant 2.550000e+02 : f32
          %mul3A_178 = vector.broadcast %mul3A_177 : f32 to vector<16xf32>
          %mul3A_179 = arith.mulf %min3A_176, %mul3A_178 : vector<16xf32>
          %add3A_180 = arith.constant 0x4B000000 : f32
          %add3A_181 = vector.broadcast %add3A_180 : f32 to vector<16xf32>
          %add3A_182 = arith.addf %mul3A_179, %add3A_181 : vector<16xf32>
          %sub3A_183 = arith.constant 0x4B000000 : f32
          %sub3A_184 = vector.broadcast %sub3A_183 : f32 to vector<16xf32>
          %sub3A_185 = arith.subf %add3A_182, %sub3A_184 : vector<16xf32>
          %mul3A_186 = arith.constant 0.00392156886 : f32
          %mul3A_187 = vector.broadcast %mul3A_186 : f32 to vector<16xf32>
          %mul3A_188 = arith.mulf %sub3A_185, %mul3A_187 : vector<16xf32>
          %swap3A_189 = arith.index_cast %add3A_143 : i32 to index
          %swap3A_190 = arith.constant 16 : index
          %swap3A_191 = tpu.vector_load %arg10[%swap3A_189, %swap3A_190] {strides = array<i32>} : memref<80x128xf32, #tpu.memory_space<vmem>>, vector<1x16xf32>,
          %swap3A_192 = vector.shape_cast %swap3A_191 : vector<1x16xf32> to vector<16xf32>
          %swap3A_193 = vector.shape_cast %mul3A_188 : vector<16xf32> to vector<1x16xf32>
          tpu.vector_store %arg10[%swap3A_189, %swap3A_190], %swap3A_193 {strides = array<i32>} : memref<80x128xf32, #tpu.memory_space<vmem>>, vector<1x16xf32>,
          %get3A_194 = arith.index_cast %add3A_143 : i32 to index
          %get3A_195 = arith.constant 32 : index
          %get3A_196 = tpu.vector_load %arg6[%get3A_194, %get3A_195] {strides = array<i32>} : memref<80x128xf32, #tpu.memory_space<vmem>>, vector<1x16xf32>,
          %get3A_197 = vector.shape_cast %get3A_196 : vector<1x16xf32> to vector<16xf32>
          %max3A_198 = arith.constant 0.000000e+00 : f32
          %max3A_199 = vector.broadcast %max3A_198 : f32 to vector<16xf32>
          %max3A_200 = arith.maximumf %get3A_197, %max3A_199 : vector<16xf32>
          %min3A_201 = arith.constant 1.000000e+00 : f32
          %min3A_202 = vector.broadcast %min3A_201 : f32 to vector<16xf32>
          %min3A_203 = arith.minimumf %max3A_200, %min3A_202 : vector<16xf32>
          %mul3A_204 = arith.constant 2.550000e+02 : f32
          %mul3A_205 = vector.broadcast %mul3A_204 : f32 to vector<16xf32>
          %mul3A_206 = arith.mulf %min3A_203, %mul3A_205 : vector<16xf32>
          %add3A_207 = arith.constant 0x4B000000 : f32
          %add3A_208 = vector.broadcast %add3A_207 : f32 to vector<16xf32>
          %add3A_209 = arith.addf %mul3A_206, %add3A_208 : vector<16xf32>
          %sub3A_210 = arith.constant 0x4B000000 : f32
          %sub3A_211 = vector.broadcast %sub3A_210 : f32 to vector<16xf32>
          %sub3A_212 = arith.subf %add3A_209, %sub3A_211 : vector<16xf32>
          %mul3A_213 = arith.constant 0.00392156886 : f32
          %mul3A_214 = vector.broadcast %mul3A_213 : f32 to vector<16xf32>
          %mul3A_215 = arith.mulf %sub3A_212, %mul3A_214 : vector<16xf32>
          %swap3A_216 = arith.index_cast %add3A_143 : i32 to index
          %swap3A_217 = arith.constant 32 : index
          %swap3A_218 = tpu.vector_load %arg10[%swap3A_216, %swap3A_217] {strides = array<i32>} : memref<80x128xf32, #tpu.memory_space<vmem>>, vector<1x16xf32>,
          %swap3A_219 = vector.shape_cast %swap3A_218 : vector<1x16xf32> to vector<16xf32>
          %swap3A_220 = vector.shape_cast %mul3A_215 : vector<16xf32> to vector<1x16xf32>
          tpu.vector_store %arg10[%swap3A_216, %swap3A_217], %swap3A_220 {strides = array<i32>} : memref<80x128xf32, #tpu.memory_space<vmem>>, vector<1x16xf32>,
          %get3A_221 = arith.index_cast %add3A_143 : i32 to index
          %get3A_222 = arith.constant 48 : index
          %get3A_223 = tpu.vector_load %arg6[%get3A_221, %get3A_222] {strides = array<i32>} : memref<80x128xf32, #tpu.memory_space<vmem>>, vector<1x16xf32>,
          %get3A_224 = vector.shape_cast %get3A_223 : vector<1x16xf32> to vector<16xf32>
          %max3A_225 = arith.constant 0.000000e+00 : f32
          %max3A_226 = vector.broadcast %max3A_225 : f32 to vector<16xf32>
          %max3A_227 = arith.maximumf %get3A_224, %max3A_226 : vector<16xf32>
          %min3A_228 = arith.constant 1.000000e+00 : f32
          %min3A_229 = vector.broadcast %min3A_228 : f32 to vector<16xf32>
          %min3A_230 = arith.minimumf %max3A_227, %min3A_229 : vector<16xf32>
          %mul3A_231 = arith.constant 2.550000e+02 : f32
          %mul3A_232 = vector.broadcast %mul3A_231 : f32 to vector<16xf32>
          %mul3A_233 = arith.mulf %min3A_230, %mul3A_232 : vector<16xf32>
          %add3A_234 = arith.constant 0x4B000000 : f32
          %add3A_235 = vector.broadcast %add3A_234 : f32 to vector<16xf32>
          %add3A_236 = arith.addf %mul3A_233, %add3A_235 : vector<16xf32>
          %sub3A_237 = arith.constant 0x4B000000 : f32
          %sub3A_238 = vector.broadcast %sub3A_237 : f32 to vector<16xf32>
          %sub3A_239 = arith.subf %add3A_236, %sub3A_238 : vector<16xf32>
          %mul3A_240 = arith.constant 0.00392156886 : f32
          %mul3A_241 = vector.broadcast %mul3A_240 : f32 to vector<16xf32>
          %mul3A_242 = arith.mulf %sub3A_239, %mul3A_241 : vector<16xf32>
          %swap3A_243 = arith.index_cast %add3A_143 : i32 to index
          %swap3A_244 = arith.constant 48 : index
          %swap3A_245 = tpu.vector_load %arg10[%swap3A_243, %swap3A_244] {strides = array<i32>} : memref<80x128xf32, #tpu.memory_space<vmem>>, vector<1x16xf32>,
          %swap3A_246 = vector.shape_cast %swap3A_245 : vector<1x16xf32> to vector<16xf32>
          %swap3A_247 = vector.shape_cast %mul3A_242 : vector<16xf32> to vector<1x16xf32>
          tpu.vector_store %arg10[%swap3A_243, %swap3A_244], %swap3A_247 {strides = array<i32>} : memref<80x128xf32, #tpu.memory_space<vmem>>, vector<1x16xf32>,
          %get3A_248 = arith.index_cast %add3A_143 : i32 to index
          %get3A_249 = arith.constant 64 : index
          %get3A_250 = tpu.vector_load %arg6[%get3A_248, %get3A_249] {strides = array<i32>} : memref<80x128xf32, #tpu.memory_space<vmem>>, vector<1x16xf32>,
          %get3A_251 = vector.shape_cast %get3A_250 : vector<1x16xf32> to vector<16xf32>
          %max3A_252 = arith.constant 0.000000e+00 : f32
          %max3A_253 = vector.broadcast %max3A_252 : f32 to vector<16xf32>
          %max3A_254 = arith.maximumf %get3A_251, %max3A_253 : vector<16xf32>
          %min3A_255 = arith.constant 1.000000e+00 : f32
          %min3A_256 = vector.broadcast %min3A_255 : f32 to vector<16xf32>
          %min3A_257 = arith.minimumf %max3A_254, %min3A_256 : vector<16xf32>
          %mul3A_258 = arith.constant 2.550000e+02 : f32
          %mul3A_259 = vector.broadcast %mul3A_258 : f32 to vector<16xf32>
          %mul3A_260 = arith.mulf %min3A_257, %mul3A_259 : vector<16xf32>
          %add3A_261 = arith.constant 0x4B000000 : f32
          %add3A_262 = vector.broadcast %add3A_261 : f32 to vector<16xf32>
          %add3A_263 = arith.addf %mul3A_260, %add3A_262 : vector<16xf32>
          %sub3A_264 = arith.constant 0x4B000000 : f32
          %sub3A_265 = vector.broadcast %sub3A_264 : f32 to vector<16xf32>
          %sub3A_266 = arith.subf %add3A_263, %sub3A_265 : vector<16xf32>
          %mul3A_267 = arith.constant 0.00392156886 : f32
          %mul3A_268 = vector.broadcast %mul3A_267 : f32 to vector<16xf32>
          %mul3A_269 = arith.mulf %sub3A_266, %mul3A_268 : vector<16xf32>
          %swap3A_270 = arith.index_cast %add3A_143 : i32 to index
          %swap3A_271 = arith.constant 64 : index
          %swap3A_272 = tpu.vector_load %arg10[%swap3A_270, %swap3A_271] {strides = array<i32>} : memref<80x128xf32, #tpu.memory_space<vmem>>, vector<1x16xf32>,
          %swap3A_273 = vector.shape_cast %swap3A_272 : vector<1x16xf32> to vector<16xf32>
          %swap3A_274 = vector.shape_cast %mul3A_269 : vector<16xf32> to vector<1x16xf32>
          tpu.vector_store %arg10[%swap3A_270, %swap3A_271], %swap3A_274 {strides = array<i32>} : memref<80x128xf32, #tpu.memory_space<vmem>>, vector<1x16xf32>,
          %get3A_275 = arith.index_cast %add3A_143 : i32 to index
          %get3A_276 = arith.constant 80 : index
          %get3A_277 = tpu.vector_load %arg6[%get3A_275, %get3A_276] {strides = array<i32>} : memref<80x128xf32, #tpu.memory_space<vmem>>, vector<1x16xf32>,
          %get3A_278 = vector.shape_cast %get3A_277 : vector<1x16xf32> to vector<16xf32>
          %max3A_279 = arith.constant 0.000000e+00 : f32
          %max3A_280 = vector.broadcast %max3A_279 : f32 to vector<16xf32>
          %max3A_281 = arith.maximumf %get3A_278, %max3A_280 : vector<16xf32>
          %min3A_282 = arith.constant 1.000000e+00 : f32
          %min3A_283 = vector.broadcast %min3A_282 : f32 to vector<16xf32>
          %min3A_284 = arith.minimumf %max3A_281, %min3A_283 : vector<16xf32>
          %mul3A_285 = arith.constant 2.550000e+02 : f32
          %mul3A_286 = vector.broadcast %mul3A_285 : f32 to vector<16xf32>
          %mul3A_287 = arith.mulf %min3A_284, %mul3A_286 : vector<16xf32>
          %add3A_288 = arith.constant 0x4B000000 : f32
          %add3A_289 = vector.broadcast %add3A_288 : f32 to vector<16xf32>
          %add3A_290 = arith.addf %mul3A_287, %add3A_289 : vector<16xf32>
          %sub3A_291 = arith.constant 0x4B000000 : f32
          %sub3A_292 = vector.broadcast %sub3A_291 : f32 to vector<16xf32>
          %sub3A_293 = arith.subf %add3A_290, %sub3A_292 : vector<16xf32>
          %mul3A_294 = arith.constant 0.00392156886 : f32
          %mul3A_295 = vector.broadcast %mul3A_294 : f32 to vector<16xf32>
          %mul3A_296 = arith.mulf %sub3A_293, %mul3A_295 : vector<16xf32>
          %swap3A_297 = arith.index_cast %add3A_143 : i32 to index
          %swap3A_298 = arith.constant 80 : index
          %swap3A_299 = tpu.vector_load %arg10[%swap3A_297, %swap3A_298] {strides = array<i32>} : memref<80x128xf32, #tpu.memory_space<vmem>>, vector<1x16xf32>,
          %swap3A_300 = vector.shape_cast %swap3A_299 : vector<1x16xf32> to vector<16xf32>
          %swap3A_301 = vector.shape_cast %mul3A_296 : vector<16xf32> to vector<1x16xf32>
          tpu.vector_store %arg10[%swap3A_297, %swap3A_298], %swap3A_301 {strides = array<i32>} : memref<80x128xf32, #tpu.memory_space<vmem>>, vector<1x16xf32>,
          %get3A_302 = arith.index_cast %add3A_143 : i32 to index
          %get3A_303 = arith.constant 96 : index
          %get3A_304 = tpu.vector_load %arg6[%get3A_302, %get3A_303] {strides = array<i32>} : memref<80x128xf32, #tpu.memory_space<vmem>>, vector<1x16xf32>,
          %get3A_305 = vector.shape_cast %get3A_304 : vector<1x16xf32> to vector<16xf32>
          %max3A_306 = arith.constant 0.000000e+00 : f32
          %max3A_307 = vector.broadcast %max3A_306 : f32 to vector<16xf32>
          %max3A_308 = arith.maximumf %get3A_305, %max3A_307 : vector<16xf32>
          %min3A_309 = arith.constant 1.000000e+00 : f32
          %min3A_310 = vector.broadcast %min3A_309 : f32 to vector<16xf32>
          %min3A_311 = arith.minimumf %max3A_308, %min3A_310 : vector<16xf32>
          %mul3A_312 = arith.constant 2.550000e+02 : f32
          %mul3A_313 = vector.broadcast %mul3A_312 : f32 to vector<16xf32>
          %mul3A_314 = arith.mulf %min3A_311, %mul3A_313 : vector<16xf32>
          %add3A_315 = arith.constant 0x4B000000 : f32
          %add3A_316 = vector.broadcast %add3A_315 : f32 to vector<16xf32>
          %add3A_317 = arith.addf %mul3A_314, %add3A_316 : vector<16xf32>
          %sub3A_318 = arith.constant 0x4B000000 : f32
          %sub3A_319 = vector.broadcast %sub3A_318 : f32 to vector<16xf32>
          %sub3A_320 = arith.subf %add3A_317, %sub3A_319 : vector<16xf32>
          %mul3A_321 = arith.constant 0.00392156886 : f32
          %mul3A_322 = vector.broadcast %mul3A_321 : f32 to vector<16xf32>
          %mul3A_323 = arith.mulf %sub3A_320, %mul3A_322 : vector<16xf32>
          %swap3A_324 = arith.index_cast %add3A_143 : i32 to index
          %swap3A_325 = arith.constant 96 : index
          %swap3A_326 = tpu.vector_load %arg10[%swap3A_324, %swap3A_325] {strides = array<i32>} : memref<80x128xf32, #tpu.memory_space<vmem>>, vector<1x16xf32>,
          %swap3A_327 = vector.shape_cast %swap3A_326 : vector<1x16xf32> to vector<16xf32>
          %swap3A_328 = vector.shape_cast %mul3A_323 : vector<16xf32> to vector<1x16xf32>
          tpu.vector_store %arg10[%swap3A_324, %swap3A_325], %swap3A_328 {strides = array<i32>} : memref<80x128xf32, #tpu.memory_space<vmem>>, vector<1x16xf32>,
          %get3A_329 = arith.index_cast %add3A_143 : i32 to index
          %get3A_330 = arith.constant 112 : index
          %get3A_331 = tpu.vector_load %arg6[%get3A_329, %get3A_330] {strides = array<i32>} : memref<80x128xf32, #tpu.memory_space<vmem>>, vector<1x16xf32>,
          %get3A_332 = vector.shape_cast %get3A_331 : vector<1x16xf32> to vector<16xf32>
          %max3A_333 = arith.constant 0.000000e+00 : f32
          %max3A_334 = vector.broadcast %max3A_333 : f32 to vector<16xf32>
          %max3A_335 = arith.maximumf %get3A_332, %max3A_334 : vector<16xf32>
          %min3A_336 = arith.constant 1.000000e+00 : f32
          %min3A_337 = vector.broadcast %min3A_336 : f32 to vector<16xf32>
          %min3A_338 = arith.minimumf %max3A_335, %min3A_337 : vector<16xf32>
          %mul3A_339 = arith.constant 2.550000e+02 : f32
          %mul3A_340 = vector.broadcast %mul3A_339 : f32 to vector<16xf32>
          %mul3A_341 = arith.mulf %min3A_338, %mul3A_340 : vector<16xf32>
          %add3A_342 = arith.constant 0x4B000000 : f32
          %add3A_343 = vector.broadcast %add3A_342 : f32 to vector<16xf32>
          %add3A_344 = arith.addf %mul3A_341, %add3A_343 : vector<16xf32>
          %sub3A_345 = arith.constant 0x4B000000 : f32
          %sub3A_346 = vector.broadcast %sub3A_345 : f32 to vector<16xf32>
          %sub3A_347 = arith.subf %add3A_344, %sub3A_346 : vector<16xf32>
          %mul3A_348 = arith.constant 0.00392156886 : f32
          %mul3A_349 = vector.broadcast %mul3A_348 : f32 to vector<16xf32>
          %mul3A_350 = arith.mulf %sub3A_347, %mul3A_349 : vector<16xf32>
          %swap3A_351 = arith.index_cast %add3A_143 : i32 to index
          %swap3A_352 = arith.constant 112 : index
          %swap3A_353 = tpu.vector_load %arg10[%swap3A_351, %swap3A_352] {strides = array<i32>} : memref<80x128xf32, #tpu.memory_space<vmem>>, vector<1x16xf32>,
          %swap3A_354 = vector.shape_cast %swap3A_353 : vector<1x16xf32> to vector<16xf32>
          %swap3A_355 = vector.shape_cast %mul3A_350 : vector<16xf32> to vector<1x16xf32>
          tpu.vector_store %arg10[%swap3A_351, %swap3A_352], %swap3A_355 {strides = array<i32>} : memref<80x128xf32, #tpu.memory_space<vmem>>, vector<1x16xf32>,
          %mul3A_356 = arith.constant 2 : i32
          %mul3A_357 = arith.muli %scan3A_138, %mul3A_356 : i32
          %add3A_358 = arith.constant 1 : i32
          %add3A_359 = arith.addi %mul3A_357, %add3A_358 : i32
          %get3A_360 = arith.index_cast %add3A_359 : i32 to index
          %get3A_361 = arith.constant 0 : index
          %get3A_362 = tpu.vector_load %arg6[%get3A_360, %get3A_361] {strides = array<i32>} : memref<80x128xf32, #tpu.memory_space<vmem>>, vector<1x16xf32>,
          %get3A_363 = vector.shape_cast %get3A_362 : vector<1x16xf32> to vector<16xf32>
          %max3A_364 = arith.constant 0.000000e+00 : f32
          %max3A_365 = vector.broadcast %max3A_364 : f32 to vector<16xf32>
          %max3A_366 = arith.maximumf %get3A_363, %max3A_365 : vector<16xf32>
          %min3A_367 = arith.constant 1.000000e+00 : f32
          %min3A_368 = vector.broadcast %min3A_367 : f32 to vector<16xf32>
          %min3A_369 = arith.minimumf %max3A_366, %min3A_368 : vector<16xf32>
          %mul3A_370 = arith.constant 2.550000e+02 : f32
          %mul3A_371 = vector.broadcast %mul3A_370 : f32 to vector<16xf32>
          %mul3A_372 = arith.mulf %min3A_369, %mul3A_371 : vector<16xf32>
          %add3A_373 = arith.constant 0x4B000000 : f32
          %add3A_374 = vector.broadcast %add3A_373 : f32 to vector<16xf32>
          %add3A_375 = arith.addf %mul3A_372, %add3A_374 : vector<16xf32>
          %sub3A_376 = arith.constant 0x4B000000 : f32
          %sub3A_377 = vector.broadcast %sub3A_376 : f32 to vector<16xf32>
          %sub3A_378 = arith.subf %add3A_375, %sub3A_377 : vector<16xf32>
          %mul3A_379 = arith.constant 0.00392156886 : f32
          %mul3A_380 = vector.broadcast %mul3A_379 : f32 to vector<16xf32>
          %mul3A_381 = arith.mulf %sub3A_378, %mul3A_380 : vector<16xf32>
          %swap3A_382 = arith.index_cast %add3A_359 : i32 to index
          %swap3A_383 = arith.constant 0 : index
          %swap3A_384 = tpu.vector_load %arg10[%swap3A_382, %swap3A_383] {strides = array<i32>} : memref<80x128xf32, #tpu.memory_space<vmem>>, vector<1x16xf32>,
          %swap3A_385 = vector.shape_cast %swap3A_384 : vector<1x16xf32> to vector<16xf32>
          %swap3A_386 = vector.shape_cast %mul3A_381 : vector<16xf32> to vector<1x16xf32>
          tpu.vector_store %arg10[%swap3A_382, %swap3A_383], %swap3A_386 {strides = array<i32>} : memref<80x128xf32, #tpu.memory_space<vmem>>, vector<1x16xf32>,
          %get3A_387 = arith.index_cast %add3A_359 : i32 to index
          %get3A_388 = arith.constant 16 : index
          %get3A_389 = tpu.vector_load %arg6[%get3A_387, %get3A_388] {strides = array<i32>} : memref<80x128xf32, #tpu.memory_space<vmem>>, vector<1x16xf32>,
          %get3A_390 = vector.shape_cast %get3A_389 : vector<1x16xf32> to vector<16xf32>
          %max3A_391 = arith.constant 0.000000e+00 : f32
          %max3A_392 = vector.broadcast %max3A_391 : f32 to vector<16xf32>
          %max3A_393 = arith.maximumf %get3A_390, %max3A_392 : vector<16xf32>
          %min3A_394 = arith.constant 1.000000e+00 : f32
          %min3A_395 = vector.broadcast %min3A_394 : f32 to vector<16xf32>
          %min3A_396 = arith.minimumf %max3A_393, %min3A_395 : vector<16xf32>
          %mul3A_397 = arith.constant 2.550000e+02 : f32
          %mul3A_398 = vector.broadcast %mul3A_397 : f32 to vector<16xf32>
          %mul3A_399 = arith.mulf %min3A_396, %mul3A_398 : vector<16xf32>
          %add3A_400 = arith.constant 0x4B000000 : f32
          %add3A_401 = vector.broadcast %add3A_400 : f32 to vector<16xf32>
          %add3A_402 = arith.addf %mul3A_399, %add3A_401 : vector<16xf32>
          %sub3A_403 = arith.constant 0x4B000000 : f32
          %sub3A_404 = vector.broadcast %sub3A_403 : f32 to vector<16xf32>
          %sub3A_405 = arith.subf %add3A_402, %sub3A_404 : vector<16xf32>
          %mul3A_406 = arith.constant 0.00392156886 : f32
          %mul3A_407 = vector.broadcast %mul3A_406 : f32 to vector<16xf32>
          %mul3A_408 = arith.mulf %sub3A_405, %mul3A_407 : vector<16xf32>
          %swap3A_409 = arith.index_cast %add3A_359 : i32 to index
          %swap3A_410 = arith.constant 16 : index
          %swap3A_411 = tpu.vector_load %arg10[%swap3A_409, %swap3A_410] {strides = array<i32>} : memref<80x128xf32, #tpu.memory_space<vmem>>, vector<1x16xf32>,
          %swap3A_412 = vector.shape_cast %swap3A_411 : vector<1x16xf32> to vector<16xf32>
          %swap3A_413 = vector.shape_cast %mul3A_408 : vector<16xf32> to vector<1x16xf32>
          tpu.vector_store %arg10[%swap3A_409, %swap3A_410], %swap3A_413 {strides = array<i32>} : memref<80x128xf32, #tpu.memory_space<vmem>>, vector<1x16xf32>,
          %get3A_414 = arith.index_cast %add3A_359 : i32 to index
          %get3A_415 = arith.constant 32 : index
          %get3A_416 = tpu.vector_load %arg6[%get3A_414, %get3A_415] {strides = array<i32>} : memref<80x128xf32, #tpu.memory_space<vmem>>, vector<1x16xf32>,
          %get3A_417 = vector.shape_cast %get3A_416 : vector<1x16xf32> to vector<16xf32>
          %max3A_418 = arith.constant 0.000000e+00 : f32
          %max3A_419 = vector.broadcast %max3A_418 : f32 to vector<16xf32>
          %max3A_420 = arith.maximumf %get3A_417, %max3A_419 : vector<16xf32>
          %min3A_421 = arith.constant 1.000000e+00 : f32
          %min3A_422 = vector.broadcast %min3A_421 : f32 to vector<16xf32>
          %min3A_423 = arith.minimumf %max3A_420, %min3A_422 : vector<16xf32>
          %mul3A_424 = arith.constant 2.550000e+02 : f32
          %mul3A_425 = vector.broadcast %mul3A_424 : f32 to vector<16xf32>
          %mul3A_426 = arith.mulf %min3A_423, %mul3A_425 : vector<16xf32>
          %add3A_427 = arith.constant 0x4B000000 : f32
          %add3A_428 = vector.broadcast %add3A_427 : f32 to vector<16xf32>
          %add3A_429 = arith.addf %mul3A_426, %add3A_428 : vector<16xf32>
          %sub3A_430 = arith.constant 0x4B000000 : f32
          %sub3A_431 = vector.broadcast %sub3A_430 : f32 to vector<16xf32>
          %sub3A_432 = arith.subf %add3A_429, %sub3A_431 : vector<16xf32>
          %mul3A_433 = arith.constant 0.00392156886 : f32
          %mul3A_434 = vector.broadcast %mul3A_433 : f32 to vector<16xf32>
          %mul3A_435 = arith.mulf %sub3A_432, %mul3A_434 : vector<16xf32>
          %swap3A_436 = arith.index_cast %add3A_359 : i32 to index
          %swap3A_437 = arith.constant 32 : index
          %swap3A_438 = tpu.vector_load %arg10[%swap3A_436, %swap3A_437] {strides = array<i32>} : memref<80x128xf32, #tpu.memory_space<vmem>>, vector<1x16xf32>,
          %swap3A_439 = vector.shape_cast %swap3A_438 : vector<1x16xf32> to vector<16xf32>
          %swap3A_440 = vector.shape_cast %mul3A_435 : vector<16xf32> to vector<1x16xf32>
          tpu.vector_store %arg10[%swap3A_436, %swap3A_437], %swap3A_440 {strides = array<i32>} : memref<80x128xf32, #tpu.memory_space<vmem>>, vector<1x16xf32>,
          %get3A_441 = arith.index_cast %add3A_359 : i32 to index
          %get3A_442 = arith.constant 48 : index
          %get3A_443 = tpu.vector_load %arg6[%get3A_441, %get3A_442] {strides = array<i32>} : memref<80x128xf32, #tpu.memory_space<vmem>>, vector<1x16xf32>,
          %get3A_444 = vector.shape_cast %get3A_443 : vector<1x16xf32> to vector<16xf32>
          %max3A_445 = arith.constant 0.000000e+00 : f32
          %max3A_446 = vector.broadcast %max3A_445 : f32 to vector<16xf32>
          %max3A_447 = arith.maximumf %get3A_444, %max3A_446 : vector<16xf32>
          %min3A_448 = arith.constant 1.000000e+00 : f32
          %min3A_449 = vector.broadcast %min3A_448 : f32 to vector<16xf32>
          %min3A_450 = arith.minimumf %max3A_447, %min3A_449 : vector<16xf32>
          %mul3A_451 = arith.constant 2.550000e+02 : f32
          %mul3A_452 = vector.broadcast %mul3A_451 : f32 to vector<16xf32>
          %mul3A_453 = arith.mulf %min3A_450, %mul3A_452 : vector<16xf32>
          %add3A_454 = arith.constant 0x4B000000 : f32
          %add3A_455 = vector.broadcast %add3A_454 : f32 to vector<16xf32>
          %add3A_456 = arith.addf %mul3A_453, %add3A_455 : vector<16xf32>
          %sub3A_457 = arith.constant 0x4B000000 : f32
          %sub3A_458 = vector.broadcast %sub3A_457 : f32 to vector<16xf32>
          %sub3A_459 = arith.subf %add3A_456, %sub3A_458 : vector<16xf32>
          %mul3A_460 = arith.constant 0.00392156886 : f32
          %mul3A_461 = vector.broadcast %mul3A_460 : f32 to vector<16xf32>
          %mul3A_462 = arith.mulf %sub3A_459, %mul3A_461 : vector<16xf32>
          %swap3A_463 = arith.index_cast %add3A_359 : i32 to index
          %swap3A_464 = arith.constant 48 : index
          %swap3A_465 = tpu.vector_load %arg10[%swap3A_463, %swap3A_464] {strides = array<i32>} : memref<80x128xf32, #tpu.memory_space<vmem>>, vector<1x16xf32>,
          %swap3A_466 = vector.shape_cast %swap3A_465 : vector<1x16xf32> to vector<16xf32>
          %swap3A_467 = vector.shape_cast %mul3A_462 : vector<16xf32> to vector<1x16xf32>
          tpu.vector_store %arg10[%swap3A_463, %swap3A_464], %swap3A_467 {strides = array<i32>} : memref<80x128xf32, #tpu.memory_space<vmem>>, vector<1x16xf32>,
          %get3A_468 = arith.index_cast %add3A_359 : i32 to index
          %get3A_469 = arith.constant 64 : index
          %get3A_470 = tpu.vector_load %arg6[%get3A_468, %get3A_469] {strides = array<i32>} : memref<80x128xf32, #tpu.memory_space<vmem>>, vector<1x16xf32>,
          %get3A_471 = vector.shape_cast %get3A_470 : vector<1x16xf32> to vector<16xf32>
          %max3A_472 = arith.constant 0.000000e+00 : f32
          %max3A_473 = vector.broadcast %max3A_472 : f32 to vector<16xf32>
          %max3A_474 = arith.maximumf %get3A_471, %max3A_473 : vector<16xf32>
          %min3A_475 = arith.constant 1.000000e+00 : f32
          %min3A_476 = vector.broadcast %min3A_475 : f32 to vector<16xf32>
          %min3A_477 = arith.minimumf %max3A_474, %min3A_476 : vector<16xf32>
          %mul3A_478 = arith.constant 2.550000e+02 : f32
          %mul3A_479 = vector.broadcast %mul3A_478 : f32 to vector<16xf32>
          %mul3A_480 = arith.mulf %min3A_477, %mul3A_479 : vector<16xf32>
          %add3A_481 = arith.constant 0x4B000000 : f32
          %add3A_482 = vector.broadcast %add3A_481 : f32 to vector<16xf32>
          %add3A_483 = arith.addf %mul3A_480, %add3A_482 : vector<16xf32>
          %sub3A_484 = arith.constant 0x4B000000 : f32
          %sub3A_485 = vector.broadcast %sub3A_484 : f32 to vector<16xf32>
          %sub3A_486 = arith.subf %add3A_483, %sub3A_485 : vector<16xf32>
          %mul3A_487 = arith.constant 0.00392156886 : f32
          %mul3A_488 = vector.broadcast %mul3A_487 : f32 to vector<16xf32>
          %mul3A_489 = arith.mulf %sub3A_486, %mul3A_488 : vector<16xf32>
          %swap3A_490 = arith.index_cast %add3A_359 : i32 to index
          %swap3A_491 = arith.constant 64 : index
          %swap3A_492 = tpu.vector_load %arg10[%swap3A_490, %swap3A_491] {strides = array<i32>} : memref<80x128xf32, #tpu.memory_space<vmem>>, vector<1x16xf32>,
          %swap3A_493 = vector.shape_cast %swap3A_492 : vector<1x16xf32> to vector<16xf32>
          %swap3A_494 = vector.shape_cast %mul3A_489 : vector<16xf32> to vector<1x16xf32>
          tpu.vector_store %arg10[%swap3A_490, %swap3A_491], %swap3A_494 {strides = array<i32>} : memref<80x128xf32, #tpu.memory_space<vmem>>, vector<1x16xf32>,
          %get3A_495 = arith.index_cast %add3A_359 : i32 to index
          %get3A_496 = arith.constant 80 : index
          %get3A_497 = tpu.vector_load %arg6[%get3A_495, %get3A_496] {strides = array<i32>} : memref<80x128xf32, #tpu.memory_space<vmem>>, vector<1x16xf32>,
          %get3A_498 = vector.shape_cast %get3A_497 : vector<1x16xf32> to vector<16xf32>
          %max3A_499 = arith.constant 0.000000e+00 : f32
          %max3A_500 = vector.broadcast %max3A_499 : f32 to vector<16xf32>
          %max3A_501 = arith.maximumf %get3A_498, %max3A_500 : vector<16xf32>
          %min3A_502 = arith.constant 1.000000e+00 : f32
          %min3A_503 = vector.broadcast %min3A_502 : f32 to vector<16xf32>
          %min3A_504 = arith.minimumf %max3A_501, %min3A_503 : vector<16xf32>
          %mul3A_505 = arith.constant 2.550000e+02 : f32
          %mul3A_506 = vector.broadcast %mul3A_505 : f32 to vector<16xf32>
          %mul3A_507 = arith.mulf %min3A_504, %mul3A_506 : vector<16xf32>
          %add3A_508 = arith.constant 0x4B000000 : f32
          %add3A_509 = vector.broadcast %add3A_508 : f32 to vector<16xf32>
          %add3A_510 = arith.addf %mul3A_507, %add3A_509 : vector<16xf32>
          %sub3A_511 = arith.constant 0x4B000000 : f32
          %sub3A_512 = vector.broadcast %sub3A_511 : f32 to vector<16xf32>
          %sub3A_513 = arith.subf %add3A_510, %sub3A_512 : vector<16xf32>
          %mul3A_514 = arith.constant 0.00392156886 : f32
          %mul3A_515 = vector.broadcast %mul3A_514 : f32 to vector<16xf32>
          %mul3A_516 = arith.mulf %sub3A_513, %mul3A_515 : vector<16xf32>
          %swap3A_517 = arith.index_cast %add3A_359 : i32 to index
          %swap3A_518 = arith.constant 80 : index
          %swap3A_519 = tpu.vector_load %arg10[%swap3A_517, %swap3A_518] {strides = array<i32>} : memref<80x128xf32, #tpu.memory_space<vmem>>, vector<1x16xf32>,
          %swap3A_520 = vector.shape_cast %swap3A_519 : vector<1x16xf32> to vector<16xf32>
          %swap3A_521 = vector.shape_cast %mul3A_516 : vector<16xf32> to vector<1x16xf32>
          tpu.vector_store %arg10[%swap3A_517, %swap3A_518], %swap3A_521 {strides = array<i32>} : memref<80x128xf32, #tpu.memory_space<vmem>>, vector<1x16xf32>,
          %get3A_522 = arith.index_cast %add3A_359 : i32 to index
          %get3A_523 = arith.constant 96 : index
          %get3A_524 = tpu.vector_load %arg6[%get3A_522, %get3A_523] {strides = array<i32>} : memref<80x128xf32, #tpu.memory_space<vmem>>, vector<1x16xf32>,
          %get3A_525 = vector.shape_cast %get3A_524 : vector<1x16xf32> to vector<16xf32>
          %max3A_526 = arith.constant 0.000000e+00 : f32
          %max3A_527 = vector.broadcast %max3A_526 : f32 to vector<16xf32>
          %max3A_528 = arith.maximumf %get3A_525, %max3A_527 : vector<16xf32>
          %min3A_529 = arith.constant 1.000000e+00 : f32
          %min3A_530 = vector.broadcast %min3A_529 : f32 to vector<16xf32>
          %min3A_531 = arith.minimumf %max3A_528, %min3A_530 : vector<16xf32>
          %mul3A_532 = arith.constant 2.550000e+02 : f32
          %mul3A_533 = vector.broadcast %mul3A_532 : f32 to vector<16xf32>
          %mul3A_534 = arith.mulf %min3A_531, %mul3A_533 : vector<16xf32>
          %add3A_535 = arith.constant 0x4B000000 : f32
          %add3A_536 = vector.broadcast %add3A_535 : f32 to vector<16xf32>
          %add3A_537 = arith.addf %mul3A_534, %add3A_536 : vector<16xf32>
          %sub3A_538 = arith.constant 0x4B000000 : f32
          %sub3A_539 = vector.broadcast %sub3A_538 : f32 to vector<16xf32>
          %sub3A_540 = arith.subf %add3A_537, %sub3A_539 : vector<16xf32>
          %mul3A_541 = arith.constant 0.00392156886 : f32
          %mul3A_542 = vector.broadcast %mul3A_541 : f32 to vector<16xf32>
          %mul3A_543 = arith.mulf %sub3A_540, %mul3A_542 : vector<16xf32>
          %swap3A_544 = arith.index_cast %add3A_359 : i32 to index
          %swap3A_545 = arith.constant 96 : index
          %swap3A_546 = tpu.vector_load %arg10[%swap3A_544, %swap3A_545] {strides = array<i32>} : memref<80x128xf32, #tpu.memory_space<vmem>>, vector<1x16xf32>,
          %swap3A_547 = vector.shape_cast %swap3A_546 : vector<1x16xf32> to vector<16xf32>
          %swap3A_548 = vector.shape_cast %mul3A_543 : vector<16xf32> to vector<1x16xf32>
          tpu.vector_store %arg10[%swap3A_544, %swap3A_545], %swap3A_548 {strides = array<i32>} : memref<80x128xf32, #tpu.memory_space<vmem>>, vector<1x16xf32>,
          %get3A_549 = arith.index_cast %add3A_359 : i32 to index
          %get3A_550 = arith.constant 112 : index
          %get3A_551 = tpu.vector_load %arg6[%get3A_549, %get3A_550] {strides = array<i32>} : memref<80x128xf32, #tpu.memory_space<vmem>>, vector<1x16xf32>,
          %get3A_552 = vector.shape_cast %get3A_551 : vector<1x16xf32> to vector<16xf32>
          %max3A_553 = arith.constant 0.000000e+00 : f32
          %max3A_554 = vector.broadcast %max3A_553 : f32 to vector<16xf32>
          %max3A_555 = arith.maximumf %get3A_552, %max3A_554 : vector<16xf32>
          %min3A_556 = arith.constant 1.000000e+00 : f32
          %min3A_557 = vector.broadcast %min3A_556 : f32 to vector<16xf32>
          %min3A_558 = arith.minimumf %max3A_555, %min3A_557 : vector<16xf32>
          %mul3A_559 = arith.constant 2.550000e+02 : f32
          %mul3A_560 = vector.broadcast %mul3A_559 : f32 to vector<16xf32>
          %mul3A_561 = arith.mulf %min3A_558, %mul3A_560 : vector<16xf32>
          %add3A_562 = arith.constant 0x4B000000 : f32
          %add3A_563 = vector.broadcast %add3A_562 : f32 to vector<16xf32>
          %add3A_564 = arith.addf %mul3A_561, %add3A_563 : vector<16xf32>
          %sub3A_565 = arith.constant 0x4B000000 : f32
          %sub3A_566 = vector.broadcast %sub3A_565 : f32 to vector<16xf32>
          %sub3A_567 = arith.subf %add3A_564, %sub3A_566 : vector<16xf32>
          %mul3A_568 = arith.constant 0.00392156886 : f32
          %mul3A_569 = vector.broadcast %mul3A_568 : f32 to vector<16xf32>
          %mul3A_570 = arith.mulf %sub3A_567, %mul3A_569 : vector<16xf32>
          %swap3A_571 = arith.index_cast %add3A_359 : i32 to index
          %swap3A_572 = arith.constant 112 : index
          %swap3A_573 = tpu.vector_load %arg10[%swap3A_571, %swap3A_572] {strides = array<i32>} : memref<80x128xf32, #tpu.memory_space<vmem>>, vector<1x16xf32>,
          %swap3A_574 = vector.shape_cast %swap3A_573 : vector<1x16xf32> to vector<16xf32>
          %swap3A_575 = vector.shape_cast %mul3A_570 : vector<16xf32> to vector<1x16xf32>
          tpu.vector_store %arg10[%swap3A_571, %swap3A_572], %swap3A_575 {strides = array<i32>} : memref<80x128xf32, #tpu.memory_space<vmem>>, vector<1x16xf32>,
          %scan3A_576 = arith.constant 0 : i32
          scf.yield %scan3A_576 : i32
        }
        %scan3A_129 = arith.constant 40 : i32
        %mul3A_130 = arith.constant 32 : i32
        %mul3A_131 = arith.muli %add3A_80, %mul3A_130 : i32
        %add3A_132 = arith.addi %add3A, %mul3A_131 : i32
        %mul3A_133 = arith.constant 80 : i32
        %mul3A_134 = arith.muli %add3A_132, %mul3A_133 : i32
        %dma_start3A = arith.constant 0 : i32
        %dma_start3A_135 = tpu.memref_slice %arg3[%mul3A_134, %dma_start3A] : memref<100000x128xf32, #tpu.memory_space<hbm>> -> memref<80x128xf32, #tpu.memory_space<hbm>>
        %dma_start3A_136 = arith.constant 0 : i32
        %dma_start3A_137 = tpu.memref_slice %arg3[%mul3A_134, %dma_start3A_136] : memref<100000x128xf32, #tpu.memory_space<hbm>> -> memref<80x128xf32, #tpu.memory_space<hbm>>
        tpu.enqueue_dma source(%arg10 : memref<80x128xf32, #tpu.memory_space<vmem>>) target(%dma_start3A_137 : memref<80x128xf32, #tpu.memory_space<hbm>>) target_semaphore(%arg18 : memref<!tpu.dma_semaphore, #tpu.memory_space<semaphore_mem>>)
      } else {
      }
      %add3A_89 = arith.constant 3 : i32
      %add3A_90 = arith.addi %add3A_58, %add3A_89 : i32
      %mul3A_91 = arith.constant 32 : i32
      %mul3A_92 = arith.muli %add3A_90, %mul3A_91 : i32
      %add3A_93 = arith.addi %add3A, %mul3A_92 : i32
      %lt3A_94 = arith.constant 1250 : i32
      %lt3A_95 = arith.cmpi slt, %add3A_93, %lt3A_94 : i32
      %convert_element_type3A_96 = arith.extui %lt3A_95 : i1 to i32
      %cond3A_97 = arith.constant 0 : i32
      %cond3A_98 = arith.cmpi ne, %convert_element_type3A_96, %cond3A_97 : i32
      scf.if %cond3A_98 {
        %add3A_99 = arith.constant 4 : i32
        %add3A_100 = arith.addi %add3A_90, %add3A_99 : i32
        %sub3A = arith.constant 1 : i32
        %sub3A_101 = arith.subi %add3A_100, %sub3A : i32
        %mul3A_102 = arith.constant 32 : i32
        %mul3A_103 = arith.muli %sub3A_101, %mul3A_102 : i32
        %add3A_104 = arith.addi %add3A, %mul3A_103 : i32
        %lt3A_105 = arith.constant 1250 : i32
        %lt3A_106 = arith.cmpi slt, %add3A_104, %lt3A_105 : i32
        %convert_element_type3A_107 = arith.extui %lt3A_106 : i1 to i32
        %cond3A_108 = arith.constant 0 : i32
        %cond3A_109 = arith.cmpi ne, %convert_element_type3A_107, %cond3A_108 : i32
        scf.if %cond3A_109 {
          %mul3A_138 = arith.constant 32 : i32
          %mul3A_139 = arith.muli %sub3A_101, %mul3A_138 : i32
          %add3A_140 = arith.addi %add3A, %mul3A_139 : i32
          %mul3A_141 = arith.constant 80 : i32
          %mul3A_142 = arith.muli %add3A_140, %mul3A_141 : i32
          %dma_start3A_143 = arith.constant 0 : i32
          %dma_start3A_144 = tpu.memref_slice %arg2[%mul3A_142, %dma_start3A_143] : memref<100000x128xf32, #tpu.memory_space<hbm>> -> memref<80x128xf32, #tpu.memory_space<hbm>>
          %dma_start3A_145 = arith.constant 0 : i32
          %dma_start3A_146 = tpu.memref_slice %arg2[%mul3A_142, %dma_start3A_145] : memref<100000x128xf32, #tpu.memory_space<hbm>> -> memref<80x128xf32, #tpu.memory_space<hbm>>
          tpu.enqueue_dma source(%dma_start3A_146 : memref<80x128xf32, #tpu.memory_space<hbm>>) target(%arg6 : memref<80x128xf32, #tpu.memory_space<vmem>>) target_semaphore(%arg14 : memref<!tpu.dma_semaphore, #tpu.memory_space<semaphore_mem>>)
        } else {
        }
        %mul3A_110 = arith.constant 32 : i32
        %mul3A_111 = arith.muli %add3A_90, %mul3A_110 : i32
        %add3A_112 = arith.addi %add3A, %mul3A_111 : i32
        %mul3A_113 = arith.constant 80 : i32
        %mul3A_114 = arith.muli %add3A_112, %mul3A_113 : i32
        %dma_wait3A_115 = arith.constant 0 : i32
        %dma_wait3A_116 = tpu.memref_slice %arg2[%mul3A_114, %dma_wait3A_115] : memref<100000x128xf32, #tpu.memory_space<hbm>> -> memref<80x128xf32, #tpu.memory_space<hbm>>
        %dma_wait3A_117 = arith.constant 0 : i32
        %dma_wait3A_118 = tpu.memref_slice %arg2[%mul3A_114, %dma_wait3A_117] : memref<100000x128xf32, #tpu.memory_space<hbm>> -> memref<80x128xf32, #tpu.memory_space<hbm>>
        tpu.wait_dma2 semaphore(%arg15 : memref<!tpu.dma_semaphore, #tpu.memory_space<semaphore_mem>>) src(%dma_wait3A_118 : memref<80x128xf32, #tpu.memory_space<hbm>>) dst(%arg7 : memref<80x128xf32, #tpu.memory_space<vmem>>)
        %ge3A = arith.constant 4 : i32
        %ge3A_119 = arith.cmpi sge, %add3A_90, %ge3A : i32
        %convert_element_type3A_120 = arith.extui %ge3A_119 : i1 to i32
        %cond3A_121 = arith.constant 0 : i32
        %cond3A_122 = arith.cmpi ne, %convert_element_type3A_120, %cond3A_121 : i32
        scf.if %cond3A_122 {
          %sub3A_138 = arith.constant 4 : i32
          %sub3A_139 = arith.subi %add3A_90, %sub3A_138 : i32
          %mul3A_140 = arith.constant 32 : i32
          %mul3A_141 = arith.muli %sub3A_139, %mul3A_140 : i32
          %add3A_142 = arith.addi %add3A, %mul3A_141 : i32
          %mul3A_143 = arith.constant 80 : i32
          %mul3A_144 = arith.muli %add3A_142, %mul3A_143 : i32
          %dma_wait3A_145 = arith.constant 0 : i32
          %dma_wait3A_146 = tpu.memref_slice %arg3[%mul3A_144, %dma_wait3A_145] : memref<100000x128xf32, #tpu.memory_space<hbm>> -> memref<80x128xf32, #tpu.memory_space<hbm>>
          %dma_wait3A_147 = arith.constant 0 : i32
          %dma_wait3A_148 = tpu.memref_slice %arg3[%mul3A_144, %dma_wait3A_147] : memref<100000x128xf32, #tpu.memory_space<hbm>> -> memref<80x128xf32, #tpu.memory_space<hbm>>
          tpu.wait_dma2 semaphore(%arg19 : memref<!tpu.dma_semaphore, #tpu.memory_space<semaphore_mem>>) src(%arg11 : memref<80x128xf32, #tpu.memory_space<vmem>>) dst(%dma_wait3A_148 : memref<80x128xf32, #tpu.memory_space<hbm>>)
        } else {
        }
        %scan3A_123 = arith.constant 0 : i32
        %scan3A_124 = arith.constant 0 : i32
        %scan3A_125 = arith.constant 40 : i32
        %scan3A_126 = arith.addi %scan3A_124, %scan3A_125 : i32
        %scan3A_127 = arith.constant 1 : i32
        %scan3A_128 = scf.for %scan3A_138 = %scan3A_124 to %scan3A_126 step %scan3A_127 iter_args(%scan3A_139 = %scan3A_123) -> (i32)  : i32 {
          %mul3A_140 = arith.constant 2 : i32
          %mul3A_141 = arith.muli %scan3A_138, %mul3A_140 : i32
          %add3A_142 = arith.constant 0 : i32
          %add3A_143 = arith.addi %mul3A_141, %add3A_142 : i32
          %get3A = arith.index_cast %add3A_143 : i32 to index
          %get3A_144 = arith.constant 0 : index
          %get3A_145 = tpu.vector_load %arg7[%get3A, %get3A_144] {strides = array<i32>} : memref<80x128xf32, #tpu.memory_space<vmem>>, vector<1x16xf32>,
          %get3A_146 = vector.shape_cast %get3A_145 : vector<1x16xf32> to vector<16xf32>
          %max3A = arith.constant 0.000000e+00 : f32
          %max3A_147 = vector.broadcast %max3A : f32 to vector<16xf32>
          %max3A_148 = arith.maximumf %get3A_146, %max3A_147 : vector<16xf32>
          %min3A = arith.constant 1.000000e+00 : f32
          %min3A_149 = vector.broadcast %min3A : f32 to vector<16xf32>
          %min3A_150 = arith.minimumf %max3A_148, %min3A_149 : vector<16xf32>
          %mul3A_151 = arith.constant 2.550000e+02 : f32
          %mul3A_152 = vector.broadcast %mul3A_151 : f32 to vector<16xf32>
          %mul3A_153 = arith.mulf %min3A_150, %mul3A_152 : vector<16xf32>
          %add3A_154 = arith.constant 0x4B000000 : f32
          %add3A_155 = vector.broadcast %add3A_154 : f32 to vector<16xf32>
          %add3A_156 = arith.addf %mul3A_153, %add3A_155 : vector<16xf32>
          %sub3A_157 = arith.constant 0x4B000000 : f32
          %sub3A_158 = vector.broadcast %sub3A_157 : f32 to vector<16xf32>
          %sub3A_159 = arith.subf %add3A_156, %sub3A_158 : vector<16xf32>
          %mul3A_160 = arith.constant 0.00392156886 : f32
          %mul3A_161 = vector.broadcast %mul3A_160 : f32 to vector<16xf32>
          %mul3A_162 = arith.mulf %sub3A_159, %mul3A_161 : vector<16xf32>
          %swap3A = arith.index_cast %add3A_143 : i32 to index
          %swap3A_163 = arith.constant 0 : index
          %swap3A_164 = tpu.vector_load %arg11[%swap3A, %swap3A_163] {strides = array<i32>} : memref<80x128xf32, #tpu.memory_space<vmem>>, vector<1x16xf32>,
          %swap3A_165 = vector.shape_cast %swap3A_164 : vector<1x16xf32> to vector<16xf32>
          %swap3A_166 = vector.shape_cast %mul3A_162 : vector<16xf32> to vector<1x16xf32>
          tpu.vector_store %arg11[%swap3A, %swap3A_163], %swap3A_166 {strides = array<i32>} : memref<80x128xf32, #tpu.memory_space<vmem>>, vector<1x16xf32>,
          %get3A_167 = arith.index_cast %add3A_143 : i32 to index
          %get3A_168 = arith.constant 16 : index
          %get3A_169 = tpu.vector_load %arg7[%get3A_167, %get3A_168] {strides = array<i32>} : memref<80x128xf32, #tpu.memory_space<vmem>>, vector<1x16xf32>,
          %get3A_170 = vector.shape_cast %get3A_169 : vector<1x16xf32> to vector<16xf32>
          %max3A_171 = arith.constant 0.000000e+00 : f32
          %max3A_172 = vector.broadcast %max3A_171 : f32 to vector<16xf32>
          %max3A_173 = arith.maximumf %get3A_170, %max3A_172 : vector<16xf32>
          %min3A_174 = arith.constant 1.000000e+00 : f32
          %min3A_175 = vector.broadcast %min3A_174 : f32 to vector<16xf32>
          %min3A_176 = arith.minimumf %max3A_173, %min3A_175 : vector<16xf32>
          %mul3A_177 = arith.constant 2.550000e+02 : f32
          %mul3A_178 = vector.broadcast %mul3A_177 : f32 to vector<16xf32>
          %mul3A_179 = arith.mulf %min3A_176, %mul3A_178 : vector<16xf32>
          %add3A_180 = arith.constant 0x4B000000 : f32
          %add3A_181 = vector.broadcast %add3A_180 : f32 to vector<16xf32>
          %add3A_182 = arith.addf %mul3A_179, %add3A_181 : vector<16xf32>
          %sub3A_183 = arith.constant 0x4B000000 : f32
          %sub3A_184 = vector.broadcast %sub3A_183 : f32 to vector<16xf32>
          %sub3A_185 = arith.subf %add3A_182, %sub3A_184 : vector<16xf32>
          %mul3A_186 = arith.constant 0.00392156886 : f32
          %mul3A_187 = vector.broadcast %mul3A_186 : f32 to vector<16xf32>
          %mul3A_188 = arith.mulf %sub3A_185, %mul3A_187 : vector<16xf32>
          %swap3A_189 = arith.index_cast %add3A_143 : i32 to index
          %swap3A_190 = arith.constant 16 : index
          %swap3A_191 = tpu.vector_load %arg11[%swap3A_189, %swap3A_190] {strides = array<i32>} : memref<80x128xf32, #tpu.memory_space<vmem>>, vector<1x16xf32>,
          %swap3A_192 = vector.shape_cast %swap3A_191 : vector<1x16xf32> to vector<16xf32>
          %swap3A_193 = vector.shape_cast %mul3A_188 : vector<16xf32> to vector<1x16xf32>
          tpu.vector_store %arg11[%swap3A_189, %swap3A_190], %swap3A_193 {strides = array<i32>} : memref<80x128xf32, #tpu.memory_space<vmem>>, vector<1x16xf32>,
          %get3A_194 = arith.index_cast %add3A_143 : i32 to index
          %get3A_195 = arith.constant 32 : index
          %get3A_196 = tpu.vector_load %arg7[%get3A_194, %get3A_195] {strides = array<i32>} : memref<80x128xf32, #tpu.memory_space<vmem>>, vector<1x16xf32>,
          %get3A_197 = vector.shape_cast %get3A_196 : vector<1x16xf32> to vector<16xf32>
          %max3A_198 = arith.constant 0.000000e+00 : f32
          %max3A_199 = vector.broadcast %max3A_198 : f32 to vector<16xf32>
          %max3A_200 = arith.maximumf %get3A_197, %max3A_199 : vector<16xf32>
          %min3A_201 = arith.constant 1.000000e+00 : f32
          %min3A_202 = vector.broadcast %min3A_201 : f32 to vector<16xf32>
          %min3A_203 = arith.minimumf %max3A_200, %min3A_202 : vector<16xf32>
          %mul3A_204 = arith.constant 2.550000e+02 : f32
          %mul3A_205 = vector.broadcast %mul3A_204 : f32 to vector<16xf32>
          %mul3A_206 = arith.mulf %min3A_203, %mul3A_205 : vector<16xf32>
          %add3A_207 = arith.constant 0x4B000000 : f32
          %add3A_208 = vector.broadcast %add3A_207 : f32 to vector<16xf32>
          %add3A_209 = arith.addf %mul3A_206, %add3A_208 : vector<16xf32>
          %sub3A_210 = arith.constant 0x4B000000 : f32
          %sub3A_211 = vector.broadcast %sub3A_210 : f32 to vector<16xf32>
          %sub3A_212 = arith.subf %add3A_209, %sub3A_211 : vector<16xf32>
          %mul3A_213 = arith.constant 0.00392156886 : f32
          %mul3A_214 = vector.broadcast %mul3A_213 : f32 to vector<16xf32>
          %mul3A_215 = arith.mulf %sub3A_212, %mul3A_214 : vector<16xf32>
          %swap3A_216 = arith.index_cast %add3A_143 : i32 to index
          %swap3A_217 = arith.constant 32 : index
          %swap3A_218 = tpu.vector_load %arg11[%swap3A_216, %swap3A_217] {strides = array<i32>} : memref<80x128xf32, #tpu.memory_space<vmem>>, vector<1x16xf32>,
          %swap3A_219 = vector.shape_cast %swap3A_218 : vector<1x16xf32> to vector<16xf32>
          %swap3A_220 = vector.shape_cast %mul3A_215 : vector<16xf32> to vector<1x16xf32>
          tpu.vector_store %arg11[%swap3A_216, %swap3A_217], %swap3A_220 {strides = array<i32>} : memref<80x128xf32, #tpu.memory_space<vmem>>, vector<1x16xf32>,
          %get3A_221 = arith.index_cast %add3A_143 : i32 to index
          %get3A_222 = arith.constant 48 : index
          %get3A_223 = tpu.vector_load %arg7[%get3A_221, %get3A_222] {strides = array<i32>} : memref<80x128xf32, #tpu.memory_space<vmem>>, vector<1x16xf32>,
          %get3A_224 = vector.shape_cast %get3A_223 : vector<1x16xf32> to vector<16xf32>
          %max3A_225 = arith.constant 0.000000e+00 : f32
          %max3A_226 = vector.broadcast %max3A_225 : f32 to vector<16xf32>
          %max3A_227 = arith.maximumf %get3A_224, %max3A_226 : vector<16xf32>
          %min3A_228 = arith.constant 1.000000e+00 : f32
          %min3A_229 = vector.broadcast %min3A_228 : f32 to vector<16xf32>
          %min3A_230 = arith.minimumf %max3A_227, %min3A_229 : vector<16xf32>
          %mul3A_231 = arith.constant 2.550000e+02 : f32
          %mul3A_232 = vector.broadcast %mul3A_231 : f32 to vector<16xf32>
          %mul3A_233 = arith.mulf %min3A_230, %mul3A_232 : vector<16xf32>
          %add3A_234 = arith.constant 0x4B000000 : f32
          %add3A_235 = vector.broadcast %add3A_234 : f32 to vector<16xf32>
          %add3A_236 = arith.addf %mul3A_233, %add3A_235 : vector<16xf32>
          %sub3A_237 = arith.constant 0x4B000000 : f32
          %sub3A_238 = vector.broadcast %sub3A_237 : f32 to vector<16xf32>
          %sub3A_239 = arith.subf %add3A_236, %sub3A_238 : vector<16xf32>
          %mul3A_240 = arith.constant 0.00392156886 : f32
          %mul3A_241 = vector.broadcast %mul3A_240 : f32 to vector<16xf32>
          %mul3A_242 = arith.mulf %sub3A_239, %mul3A_241 : vector<16xf32>
          %swap3A_243 = arith.index_cast %add3A_143 : i32 to index
          %swap3A_244 = arith.constant 48 : index
          %swap3A_245 = tpu.vector_load %arg11[%swap3A_243, %swap3A_244] {strides = array<i32>} : memref<80x128xf32, #tpu.memory_space<vmem>>, vector<1x16xf32>,
          %swap3A_246 = vector.shape_cast %swap3A_245 : vector<1x16xf32> to vector<16xf32>
          %swap3A_247 = vector.shape_cast %mul3A_242 : vector<16xf32> to vector<1x16xf32>
          tpu.vector_store %arg11[%swap3A_243, %swap3A_244], %swap3A_247 {strides = array<i32>} : memref<80x128xf32, #tpu.memory_space<vmem>>, vector<1x16xf32>,
          %get3A_248 = arith.index_cast %add3A_143 : i32 to index
          %get3A_249 = arith.constant 64 : index
          %get3A_250 = tpu.vector_load %arg7[%get3A_248, %get3A_249] {strides = array<i32>} : memref<80x128xf32, #tpu.memory_space<vmem>>, vector<1x16xf32>,
          %get3A_251 = vector.shape_cast %get3A_250 : vector<1x16xf32> to vector<16xf32>
          %max3A_252 = arith.constant 0.000000e+00 : f32
          %max3A_253 = vector.broadcast %max3A_252 : f32 to vector<16xf32>
          %max3A_254 = arith.maximumf %get3A_251, %max3A_253 : vector<16xf32>
          %min3A_255 = arith.constant 1.000000e+00 : f32
          %min3A_256 = vector.broadcast %min3A_255 : f32 to vector<16xf32>
          %min3A_257 = arith.minimumf %max3A_254, %min3A_256 : vector<16xf32>
          %mul3A_258 = arith.constant 2.550000e+02 : f32
          %mul3A_259 = vector.broadcast %mul3A_258 : f32 to vector<16xf32>
          %mul3A_260 = arith.mulf %min3A_257, %mul3A_259 : vector<16xf32>
          %add3A_261 = arith.constant 0x4B000000 : f32
          %add3A_262 = vector.broadcast %add3A_261 : f32 to vector<16xf32>
          %add3A_263 = arith.addf %mul3A_260, %add3A_262 : vector<16xf32>
          %sub3A_264 = arith.constant 0x4B000000 : f32
          %sub3A_265 = vector.broadcast %sub3A_264 : f32 to vector<16xf32>
          %sub3A_266 = arith.subf %add3A_263, %sub3A_265 : vector<16xf32>
          %mul3A_267 = arith.constant 0.00392156886 : f32
          %mul3A_268 = vector.broadcast %mul3A_267 : f32 to vector<16xf32>
          %mul3A_269 = arith.mulf %sub3A_266, %mul3A_268 : vector<16xf32>
          %swap3A_270 = arith.index_cast %add3A_143 : i32 to index
          %swap3A_271 = arith.constant 64 : index
          %swap3A_272 = tpu.vector_load %arg11[%swap3A_270, %swap3A_271] {strides = array<i32>} : memref<80x128xf32, #tpu.memory_space<vmem>>, vector<1x16xf32>,
          %swap3A_273 = vector.shape_cast %swap3A_272 : vector<1x16xf32> to vector<16xf32>
          %swap3A_274 = vector.shape_cast %mul3A_269 : vector<16xf32> to vector<1x16xf32>
          tpu.vector_store %arg11[%swap3A_270, %swap3A_271], %swap3A_274 {strides = array<i32>} : memref<80x128xf32, #tpu.memory_space<vmem>>, vector<1x16xf32>,
          %get3A_275 = arith.index_cast %add3A_143 : i32 to index
          %get3A_276 = arith.constant 80 : index
          %get3A_277 = tpu.vector_load %arg7[%get3A_275, %get3A_276] {strides = array<i32>} : memref<80x128xf32, #tpu.memory_space<vmem>>, vector<1x16xf32>,
          %get3A_278 = vector.shape_cast %get3A_277 : vector<1x16xf32> to vector<16xf32>
          %max3A_279 = arith.constant 0.000000e+00 : f32
          %max3A_280 = vector.broadcast %max3A_279 : f32 to vector<16xf32>
          %max3A_281 = arith.maximumf %get3A_278, %max3A_280 : vector<16xf32>
          %min3A_282 = arith.constant 1.000000e+00 : f32
          %min3A_283 = vector.broadcast %min3A_282 : f32 to vector<16xf32>
          %min3A_284 = arith.minimumf %max3A_281, %min3A_283 : vector<16xf32>
          %mul3A_285 = arith.constant 2.550000e+02 : f32
          %mul3A_286 = vector.broadcast %mul3A_285 : f32 to vector<16xf32>
          %mul3A_287 = arith.mulf %min3A_284, %mul3A_286 : vector<16xf32>
          %add3A_288 = arith.constant 0x4B000000 : f32
          %add3A_289 = vector.broadcast %add3A_288 : f32 to vector<16xf32>
          %add3A_290 = arith.addf %mul3A_287, %add3A_289 : vector<16xf32>
          %sub3A_291 = arith.constant 0x4B000000 : f32
          %sub3A_292 = vector.broadcast %sub3A_291 : f32 to vector<16xf32>
          %sub3A_293 = arith.subf %add3A_290, %sub3A_292 : vector<16xf32>
          %mul3A_294 = arith.constant 0.00392156886 : f32
          %mul3A_295 = vector.broadcast %mul3A_294 : f32 to vector<16xf32>
          %mul3A_296 = arith.mulf %sub3A_293, %mul3A_295 : vector<16xf32>
          %swap3A_297 = arith.index_cast %add3A_143 : i32 to index
          %swap3A_298 = arith.constant 80 : index
          %swap3A_299 = tpu.vector_load %arg11[%swap3A_297, %swap3A_298] {strides = array<i32>} : memref<80x128xf32, #tpu.memory_space<vmem>>, vector<1x16xf32>,
          %swap3A_300 = vector.shape_cast %swap3A_299 : vector<1x16xf32> to vector<16xf32>
          %swap3A_301 = vector.shape_cast %mul3A_296 : vector<16xf32> to vector<1x16xf32>
          tpu.vector_store %arg11[%swap3A_297, %swap3A_298], %swap3A_301 {strides = array<i32>} : memref<80x128xf32, #tpu.memory_space<vmem>>, vector<1x16xf32>,
          %get3A_302 = arith.index_cast %add3A_143 : i32 to index
          %get3A_303 = arith.constant 96 : index
          %get3A_304 = tpu.vector_load %arg7[%get3A_302, %get3A_303] {strides = array<i32>} : memref<80x128xf32, #tpu.memory_space<vmem>>, vector<1x16xf32>,
          %get3A_305 = vector.shape_cast %get3A_304 : vector<1x16xf32> to vector<16xf32>
          %max3A_306 = arith.constant 0.000000e+00 : f32
          %max3A_307 = vector.broadcast %max3A_306 : f32 to vector<16xf32>
          %max3A_308 = arith.maximumf %get3A_305, %max3A_307 : vector<16xf32>
          %min3A_309 = arith.constant 1.000000e+00 : f32
          %min3A_310 = vector.broadcast %min3A_309 : f32 to vector<16xf32>
          %min3A_311 = arith.minimumf %max3A_308, %min3A_310 : vector<16xf32>
          %mul3A_312 = arith.constant 2.550000e+02 : f32
          %mul3A_313 = vector.broadcast %mul3A_312 : f32 to vector<16xf32>
          %mul3A_314 = arith.mulf %min3A_311, %mul3A_313 : vector<16xf32>
          %add3A_315 = arith.constant 0x4B000000 : f32
          %add3A_316 = vector.broadcast %add3A_315 : f32 to vector<16xf32>
          %add3A_317 = arith.addf %mul3A_314, %add3A_316 : vector<16xf32>
          %sub3A_318 = arith.constant 0x4B000000 : f32
          %sub3A_319 = vector.broadcast %sub3A_318 : f32 to vector<16xf32>
          %sub3A_320 = arith.subf %add3A_317, %sub3A_319 : vector<16xf32>
          %mul3A_321 = arith.constant 0.00392156886 : f32
          %mul3A_322 = vector.broadcast %mul3A_321 : f32 to vector<16xf32>
          %mul3A_323 = arith.mulf %sub3A_320, %mul3A_322 : vector<16xf32>
          %swap3A_324 = arith.index_cast %add3A_143 : i32 to index
          %swap3A_325 = arith.constant 96 : index
          %swap3A_326 = tpu.vector_load %arg11[%swap3A_324, %swap3A_325] {strides = array<i32>} : memref<80x128xf32, #tpu.memory_space<vmem>>, vector<1x16xf32>,
          %swap3A_327 = vector.shape_cast %swap3A_326 : vector<1x16xf32> to vector<16xf32>
          %swap3A_328 = vector.shape_cast %mul3A_323 : vector<16xf32> to vector<1x16xf32>
          tpu.vector_store %arg11[%swap3A_324, %swap3A_325], %swap3A_328 {strides = array<i32>} : memref<80x128xf32, #tpu.memory_space<vmem>>, vector<1x16xf32>,
          %get3A_329 = arith.index_cast %add3A_143 : i32 to index
          %get3A_330 = arith.constant 112 : index
          %get3A_331 = tpu.vector_load %arg7[%get3A_329, %get3A_330] {strides = array<i32>} : memref<80x128xf32, #tpu.memory_space<vmem>>, vector<1x16xf32>,
          %get3A_332 = vector.shape_cast %get3A_331 : vector<1x16xf32> to vector<16xf32>
          %max3A_333 = arith.constant 0.000000e+00 : f32
          %max3A_334 = vector.broadcast %max3A_333 : f32 to vector<16xf32>
          %max3A_335 = arith.maximumf %get3A_332, %max3A_334 : vector<16xf32>
          %min3A_336 = arith.constant 1.000000e+00 : f32
          %min3A_337 = vector.broadcast %min3A_336 : f32 to vector<16xf32>
          %min3A_338 = arith.minimumf %max3A_335, %min3A_337 : vector<16xf32>
          %mul3A_339 = arith.constant 2.550000e+02 : f32
          %mul3A_340 = vector.broadcast %mul3A_339 : f32 to vector<16xf32>
          %mul3A_341 = arith.mulf %min3A_338, %mul3A_340 : vector<16xf32>
          %add3A_342 = arith.constant 0x4B000000 : f32
          %add3A_343 = vector.broadcast %add3A_342 : f32 to vector<16xf32>
          %add3A_344 = arith.addf %mul3A_341, %add3A_343 : vector<16xf32>
          %sub3A_345 = arith.constant 0x4B000000 : f32
          %sub3A_346 = vector.broadcast %sub3A_345 : f32 to vector<16xf32>
          %sub3A_347 = arith.subf %add3A_344, %sub3A_346 : vector<16xf32>
          %mul3A_348 = arith.constant 0.00392156886 : f32
          %mul3A_349 = vector.broadcast %mul3A_348 : f32 to vector<16xf32>
          %mul3A_350 = arith.mulf %sub3A_347, %mul3A_349 : vector<16xf32>
          %swap3A_351 = arith.index_cast %add3A_143 : i32 to index
          %swap3A_352 = arith.constant 112 : index
          %swap3A_353 = tpu.vector_load %arg11[%swap3A_351, %swap3A_352] {strides = array<i32>} : memref<80x128xf32, #tpu.memory_space<vmem>>, vector<1x16xf32>,
          %swap3A_354 = vector.shape_cast %swap3A_353 : vector<1x16xf32> to vector<16xf32>
          %swap3A_355 = vector.shape_cast %mul3A_350 : vector<16xf32> to vector<1x16xf32>
          tpu.vector_store %arg11[%swap3A_351, %swap3A_352], %swap3A_355 {strides = array<i32>} : memref<80x128xf32, #tpu.memory_space<vmem>>, vector<1x16xf32>,
          %mul3A_356 = arith.constant 2 : i32
          %mul3A_357 = arith.muli %scan3A_138, %mul3A_356 : i32
          %add3A_358 = arith.constant 1 : i32
          %add3A_359 = arith.addi %mul3A_357, %add3A_358 : i32
          %get3A_360 = arith.index_cast %add3A_359 : i32 to index
          %get3A_361 = arith.constant 0 : index
          %get3A_362 = tpu.vector_load %arg7[%get3A_360, %get3A_361] {strides = array<i32>} : memref<80x128xf32, #tpu.memory_space<vmem>>, vector<1x16xf32>,
          %get3A_363 = vector.shape_cast %get3A_362 : vector<1x16xf32> to vector<16xf32>
          %max3A_364 = arith.constant 0.000000e+00 : f32
          %max3A_365 = vector.broadcast %max3A_364 : f32 to vector<16xf32>
          %max3A_366 = arith.maximumf %get3A_363, %max3A_365 : vector<16xf32>
          %min3A_367 = arith.constant 1.000000e+00 : f32
          %min3A_368 = vector.broadcast %min3A_367 : f32 to vector<16xf32>
          %min3A_369 = arith.minimumf %max3A_366, %min3A_368 : vector<16xf32>
          %mul3A_370 = arith.constant 2.550000e+02 : f32
          %mul3A_371 = vector.broadcast %mul3A_370 : f32 to vector<16xf32>
          %mul3A_372 = arith.mulf %min3A_369, %mul3A_371 : vector<16xf32>
          %add3A_373 = arith.constant 0x4B000000 : f32
          %add3A_374 = vector.broadcast %add3A_373 : f32 to vector<16xf32>
          %add3A_375 = arith.addf %mul3A_372, %add3A_374 : vector<16xf32>
          %sub3A_376 = arith.constant 0x4B000000 : f32
          %sub3A_377 = vector.broadcast %sub3A_376 : f32 to vector<16xf32>
          %sub3A_378 = arith.subf %add3A_375, %sub3A_377 : vector<16xf32>
          %mul3A_379 = arith.constant 0.00392156886 : f32
          %mul3A_380 = vector.broadcast %mul3A_379 : f32 to vector<16xf32>
          %mul3A_381 = arith.mulf %sub3A_378, %mul3A_380 : vector<16xf32>
          %swap3A_382 = arith.index_cast %add3A_359 : i32 to index
          %swap3A_383 = arith.constant 0 : index
          %swap3A_384 = tpu.vector_load %arg11[%swap3A_382, %swap3A_383] {strides = array<i32>} : memref<80x128xf32, #tpu.memory_space<vmem>>, vector<1x16xf32>,
          %swap3A_385 = vector.shape_cast %swap3A_384 : vector<1x16xf32> to vector<16xf32>
          %swap3A_386 = vector.shape_cast %mul3A_381 : vector<16xf32> to vector<1x16xf32>
          tpu.vector_store %arg11[%swap3A_382, %swap3A_383], %swap3A_386 {strides = array<i32>} : memref<80x128xf32, #tpu.memory_space<vmem>>, vector<1x16xf32>,
          %get3A_387 = arith.index_cast %add3A_359 : i32 to index
          %get3A_388 = arith.constant 16 : index
          %get3A_389 = tpu.vector_load %arg7[%get3A_387, %get3A_388] {strides = array<i32>} : memref<80x128xf32, #tpu.memory_space<vmem>>, vector<1x16xf32>,
          %get3A_390 = vector.shape_cast %get3A_389 : vector<1x16xf32> to vector<16xf32>
          %max3A_391 = arith.constant 0.000000e+00 : f32
          %max3A_392 = vector.broadcast %max3A_391 : f32 to vector<16xf32>
          %max3A_393 = arith.maximumf %get3A_390, %max3A_392 : vector<16xf32>
          %min3A_394 = arith.constant 1.000000e+00 : f32
          %min3A_395 = vector.broadcast %min3A_394 : f32 to vector<16xf32>
          %min3A_396 = arith.minimumf %max3A_393, %min3A_395 : vector<16xf32>
          %mul3A_397 = arith.constant 2.550000e+02 : f32
          %mul3A_398 = vector.broadcast %mul3A_397 : f32 to vector<16xf32>
          %mul3A_399 = arith.mulf %min3A_396, %mul3A_398 : vector<16xf32>
          %add3A_400 = arith.constant 0x4B000000 : f32
          %add3A_401 = vector.broadcast %add3A_400 : f32 to vector<16xf32>
          %add3A_402 = arith.addf %mul3A_399, %add3A_401 : vector<16xf32>
          %sub3A_403 = arith.constant 0x4B000000 : f32
          %sub3A_404 = vector.broadcast %sub3A_403 : f32 to vector<16xf32>
          %sub3A_405 = arith.subf %add3A_402, %sub3A_404 : vector<16xf32>
          %mul3A_406 = arith.constant 0.00392156886 : f32
          %mul3A_407 = vector.broadcast %mul3A_406 : f32 to vector<16xf32>
          %mul3A_408 = arith.mulf %sub3A_405, %mul3A_407 : vector<16xf32>
          %swap3A_409 = arith.index_cast %add3A_359 : i32 to index
          %swap3A_410 = arith.constant 16 : index
          %swap3A_411 = tpu.vector_load %arg11[%swap3A_409, %swap3A_410] {strides = array<i32>} : memref<80x128xf32, #tpu.memory_space<vmem>>, vector<1x16xf32>,
          %swap3A_412 = vector.shape_cast %swap3A_411 : vector<1x16xf32> to vector<16xf32>
          %swap3A_413 = vector.shape_cast %mul3A_408 : vector<16xf32> to vector<1x16xf32>
          tpu.vector_store %arg11[%swap3A_409, %swap3A_410], %swap3A_413 {strides = array<i32>} : memref<80x128xf32, #tpu.memory_space<vmem>>, vector<1x16xf32>,
          %get3A_414 = arith.index_cast %add3A_359 : i32 to index
          %get3A_415 = arith.constant 32 : index
          %get3A_416 = tpu.vector_load %arg7[%get3A_414, %get3A_415] {strides = array<i32>} : memref<80x128xf32, #tpu.memory_space<vmem>>, vector<1x16xf32>,
          %get3A_417 = vector.shape_cast %get3A_416 : vector<1x16xf32> to vector<16xf32>
          %max3A_418 = arith.constant 0.000000e+00 : f32
          %max3A_419 = vector.broadcast %max3A_418 : f32 to vector<16xf32>
          %max3A_420 = arith.maximumf %get3A_417, %max3A_419 : vector<16xf32>
          %min3A_421 = arith.constant 1.000000e+00 : f32
          %min3A_422 = vector.broadcast %min3A_421 : f32 to vector<16xf32>
          %min3A_423 = arith.minimumf %max3A_420, %min3A_422 : vector<16xf32>
          %mul3A_424 = arith.constant 2.550000e+02 : f32
          %mul3A_425 = vector.broadcast %mul3A_424 : f32 to vector<16xf32>
          %mul3A_426 = arith.mulf %min3A_423, %mul3A_425 : vector<16xf32>
          %add3A_427 = arith.constant 0x4B000000 : f32
          %add3A_428 = vector.broadcast %add3A_427 : f32 to vector<16xf32>
          %add3A_429 = arith.addf %mul3A_426, %add3A_428 : vector<16xf32>
          %sub3A_430 = arith.constant 0x4B000000 : f32
          %sub3A_431 = vector.broadcast %sub3A_430 : f32 to vector<16xf32>
          %sub3A_432 = arith.subf %add3A_429, %sub3A_431 : vector<16xf32>
          %mul3A_433 = arith.constant 0.00392156886 : f32
          %mul3A_434 = vector.broadcast %mul3A_433 : f32 to vector<16xf32>
          %mul3A_435 = arith.mulf %sub3A_432, %mul3A_434 : vector<16xf32>
          %swap3A_436 = arith.index_cast %add3A_359 : i32 to index
          %swap3A_437 = arith.constant 32 : index
          %swap3A_438 = tpu.vector_load %arg11[%swap3A_436, %swap3A_437] {strides = array<i32>} : memref<80x128xf32, #tpu.memory_space<vmem>>, vector<1x16xf32>,
          %swap3A_439 = vector.shape_cast %swap3A_438 : vector<1x16xf32> to vector<16xf32>
          %swap3A_440 = vector.shape_cast %mul3A_435 : vector<16xf32> to vector<1x16xf32>
          tpu.vector_store %arg11[%swap3A_436, %swap3A_437], %swap3A_440 {strides = array<i32>} : memref<80x128xf32, #tpu.memory_space<vmem>>, vector<1x16xf32>,
          %get3A_441 = arith.index_cast %add3A_359 : i32 to index
          %get3A_442 = arith.constant 48 : index
          %get3A_443 = tpu.vector_load %arg7[%get3A_441, %get3A_442] {strides = array<i32>} : memref<80x128xf32, #tpu.memory_space<vmem>>, vector<1x16xf32>,
          %get3A_444 = vector.shape_cast %get3A_443 : vector<1x16xf32> to vector<16xf32>
          %max3A_445 = arith.constant 0.000000e+00 : f32
          %max3A_446 = vector.broadcast %max3A_445 : f32 to vector<16xf32>
          %max3A_447 = arith.maximumf %get3A_444, %max3A_446 : vector<16xf32>
          %min3A_448 = arith.constant 1.000000e+00 : f32
          %min3A_449 = vector.broadcast %min3A_448 : f32 to vector<16xf32>
          %min3A_450 = arith.minimumf %max3A_447, %min3A_449 : vector<16xf32>
          %mul3A_451 = arith.constant 2.550000e+02 : f32
          %mul3A_452 = vector.broadcast %mul3A_451 : f32 to vector<16xf32>
          %mul3A_453 = arith.mulf %min3A_450, %mul3A_452 : vector<16xf32>
          %add3A_454 = arith.constant 0x4B000000 : f32
          %add3A_455 = vector.broadcast %add3A_454 : f32 to vector<16xf32>
          %add3A_456 = arith.addf %mul3A_453, %add3A_455 : vector<16xf32>
          %sub3A_457 = arith.constant 0x4B000000 : f32
          %sub3A_458 = vector.broadcast %sub3A_457 : f32 to vector<16xf32>
          %sub3A_459 = arith.subf %add3A_456, %sub3A_458 : vector<16xf32>
          %mul3A_460 = arith.constant 0.00392156886 : f32
          %mul3A_461 = vector.broadcast %mul3A_460 : f32 to vector<16xf32>
          %mul3A_462 = arith.mulf %sub3A_459, %mul3A_461 : vector<16xf32>
          %swap3A_463 = arith.index_cast %add3A_359 : i32 to index
          %swap3A_464 = arith.constant 48 : index
          %swap3A_465 = tpu.vector_load %arg11[%swap3A_463, %swap3A_464] {strides = array<i32>} : memref<80x128xf32, #tpu.memory_space<vmem>>, vector<1x16xf32>,
          %swap3A_466 = vector.shape_cast %swap3A_465 : vector<1x16xf32> to vector<16xf32>
          %swap3A_467 = vector.shape_cast %mul3A_462 : vector<16xf32> to vector<1x16xf32>
          tpu.vector_store %arg11[%swap3A_463, %swap3A_464], %swap3A_467 {strides = array<i32>} : memref<80x128xf32, #tpu.memory_space<vmem>>, vector<1x16xf32>,
          %get3A_468 = arith.index_cast %add3A_359 : i32 to index
          %get3A_469 = arith.constant 64 : index
          %get3A_470 = tpu.vector_load %arg7[%get3A_468, %get3A_469] {strides = array<i32>} : memref<80x128xf32, #tpu.memory_space<vmem>>, vector<1x16xf32>,
          %get3A_471 = vector.shape_cast %get3A_470 : vector<1x16xf32> to vector<16xf32>
          %max3A_472 = arith.constant 0.000000e+00 : f32
          %max3A_473 = vector.broadcast %max3A_472 : f32 to vector<16xf32>
          %max3A_474 = arith.maximumf %get3A_471, %max3A_473 : vector<16xf32>
          %min3A_475 = arith.constant 1.000000e+00 : f32
          %min3A_476 = vector.broadcast %min3A_475 : f32 to vector<16xf32>
          %min3A_477 = arith.minimumf %max3A_474, %min3A_476 : vector<16xf32>
          %mul3A_478 = arith.constant 2.550000e+02 : f32
          %mul3A_479 = vector.broadcast %mul3A_478 : f32 to vector<16xf32>
          %mul3A_480 = arith.mulf %min3A_477, %mul3A_479 : vector<16xf32>
          %add3A_481 = arith.constant 0x4B000000 : f32
          %add3A_482 = vector.broadcast %add3A_481 : f32 to vector<16xf32>
          %add3A_483 = arith.addf %mul3A_480, %add3A_482 : vector<16xf32>
          %sub3A_484 = arith.constant 0x4B000000 : f32
          %sub3A_485 = vector.broadcast %sub3A_484 : f32 to vector<16xf32>
          %sub3A_486 = arith.subf %add3A_483, %sub3A_485 : vector<16xf32>
          %mul3A_487 = arith.constant 0.00392156886 : f32
          %mul3A_488 = vector.broadcast %mul3A_487 : f32 to vector<16xf32>
          %mul3A_489 = arith.mulf %sub3A_486, %mul3A_488 : vector<16xf32>
          %swap3A_490 = arith.index_cast %add3A_359 : i32 to index
          %swap3A_491 = arith.constant 64 : index
          %swap3A_492 = tpu.vector_load %arg11[%swap3A_490, %swap3A_491] {strides = array<i32>} : memref<80x128xf32, #tpu.memory_space<vmem>>, vector<1x16xf32>,
          %swap3A_493 = vector.shape_cast %swap3A_492 : vector<1x16xf32> to vector<16xf32>
          %swap3A_494 = vector.shape_cast %mul3A_489 : vector<16xf32> to vector<1x16xf32>
          tpu.vector_store %arg11[%swap3A_490, %swap3A_491], %swap3A_494 {strides = array<i32>} : memref<80x128xf32, #tpu.memory_space<vmem>>, vector<1x16xf32>,
          %get3A_495 = arith.index_cast %add3A_359 : i32 to index
          %get3A_496 = arith.constant 80 : index
          %get3A_497 = tpu.vector_load %arg7[%get3A_495, %get3A_496] {strides = array<i32>} : memref<80x128xf32, #tpu.memory_space<vmem>>, vector<1x16xf32>,
          %get3A_498 = vector.shape_cast %get3A_497 : vector<1x16xf32> to vector<16xf32>
          %max3A_499 = arith.constant 0.000000e+00 : f32
          %max3A_500 = vector.broadcast %max3A_499 : f32 to vector<16xf32>
          %max3A_501 = arith.maximumf %get3A_498, %max3A_500 : vector<16xf32>
          %min3A_502 = arith.constant 1.000000e+00 : f32
          %min3A_503 = vector.broadcast %min3A_502 : f32 to vector<16xf32>
          %min3A_504 = arith.minimumf %max3A_501, %min3A_503 : vector<16xf32>
          %mul3A_505 = arith.constant 2.550000e+02 : f32
          %mul3A_506 = vector.broadcast %mul3A_505 : f32 to vector<16xf32>
          %mul3A_507 = arith.mulf %min3A_504, %mul3A_506 : vector<16xf32>
          %add3A_508 = arith.constant 0x4B000000 : f32
          %add3A_509 = vector.broadcast %add3A_508 : f32 to vector<16xf32>
          %add3A_510 = arith.addf %mul3A_507, %add3A_509 : vector<16xf32>
          %sub3A_511 = arith.constant 0x4B000000 : f32
          %sub3A_512 = vector.broadcast %sub3A_511 : f32 to vector<16xf32>
          %sub3A_513 = arith.subf %add3A_510, %sub3A_512 : vector<16xf32>
          %mul3A_514 = arith.constant 0.00392156886 : f32
          %mul3A_515 = vector.broadcast %mul3A_514 : f32 to vector<16xf32>
          %mul3A_516 = arith.mulf %sub3A_513, %mul3A_515 : vector<16xf32>
          %swap3A_517 = arith.index_cast %add3A_359 : i32 to index
          %swap3A_518 = arith.constant 80 : index
          %swap3A_519 = tpu.vector_load %arg11[%swap3A_517, %swap3A_518] {strides = array<i32>} : memref<80x128xf32, #tpu.memory_space<vmem>>, vector<1x16xf32>,
          %swap3A_520 = vector.shape_cast %swap3A_519 : vector<1x16xf32> to vector<16xf32>
          %swap3A_521 = vector.shape_cast %mul3A_516 : vector<16xf32> to vector<1x16xf32>
          tpu.vector_store %arg11[%swap3A_517, %swap3A_518], %swap3A_521 {strides = array<i32>} : memref<80x128xf32, #tpu.memory_space<vmem>>, vector<1x16xf32>,
          %get3A_522 = arith.index_cast %add3A_359 : i32 to index
          %get3A_523 = arith.constant 96 : index
          %get3A_524 = tpu.vector_load %arg7[%get3A_522, %get3A_523] {strides = array<i32>} : memref<80x128xf32, #tpu.memory_space<vmem>>, vector<1x16xf32>,
          %get3A_525 = vector.shape_cast %get3A_524 : vector<1x16xf32> to vector<16xf32>
          %max3A_526 = arith.constant 0.000000e+00 : f32
          %max3A_527 = vector.broadcast %max3A_526 : f32 to vector<16xf32>
          %max3A_528 = arith.maximumf %get3A_525, %max3A_527 : vector<16xf32>
          %min3A_529 = arith.constant 1.000000e+00 : f32
          %min3A_530 = vector.broadcast %min3A_529 : f32 to vector<16xf32>
          %min3A_531 = arith.minimumf %max3A_528, %min3A_530 : vector<16xf32>
          %mul3A_532 = arith.constant 2.550000e+02 : f32
          %mul3A_533 = vector.broadcast %mul3A_532 : f32 to vector<16xf32>
          %mul3A_534 = arith.mulf %min3A_531, %mul3A_533 : vector<16xf32>
          %add3A_535 = arith.constant 0x4B000000 : f32
          %add3A_536 = vector.broadcast %add3A_535 : f32 to vector<16xf32>
          %add3A_537 = arith.addf %mul3A_534, %add3A_536 : vector<16xf32>
          %sub3A_538 = arith.constant 0x4B000000 : f32
          %sub3A_539 = vector.broadcast %sub3A_538 : f32 to vector<16xf32>
          %sub3A_540 = arith.subf %add3A_537, %sub3A_539 : vector<16xf32>
          %mul3A_541 = arith.constant 0.00392156886 : f32
          %mul3A_542 = vector.broadcast %mul3A_541 : f32 to vector<16xf32>
          %mul3A_543 = arith.mulf %sub3A_540, %mul3A_542 : vector<16xf32>
          %swap3A_544 = arith.index_cast %add3A_359 : i32 to index
          %swap3A_545 = arith.constant 96 : index
          %swap3A_546 = tpu.vector_load %arg11[%swap3A_544, %swap3A_545] {strides = array<i32>} : memref<80x128xf32, #tpu.memory_space<vmem>>, vector<1x16xf32>,
          %swap3A_547 = vector.shape_cast %swap3A_546 : vector<1x16xf32> to vector<16xf32>
          %swap3A_548 = vector.shape_cast %mul3A_543 : vector<16xf32> to vector<1x16xf32>
          tpu.vector_store %arg11[%swap3A_544, %swap3A_545], %swap3A_548 {strides = array<i32>} : memref<80x128xf32, #tpu.memory_space<vmem>>, vector<1x16xf32>,
          %get3A_549 = arith.index_cast %add3A_359 : i32 to index
          %get3A_550 = arith.constant 112 : index
          %get3A_551 = tpu.vector_load %arg7[%get3A_549, %get3A_550] {strides = array<i32>} : memref<80x128xf32, #tpu.memory_space<vmem>>, vector<1x16xf32>,
          %get3A_552 = vector.shape_cast %get3A_551 : vector<1x16xf32> to vector<16xf32>
          %max3A_553 = arith.constant 0.000000e+00 : f32
          %max3A_554 = vector.broadcast %max3A_553 : f32 to vector<16xf32>
          %max3A_555 = arith.maximumf %get3A_552, %max3A_554 : vector<16xf32>
          %min3A_556 = arith.constant 1.000000e+00 : f32
          %min3A_557 = vector.broadcast %min3A_556 : f32 to vector<16xf32>
          %min3A_558 = arith.minimumf %max3A_555, %min3A_557 : vector<16xf32>
          %mul3A_559 = arith.constant 2.550000e+02 : f32
          %mul3A_560 = vector.broadcast %mul3A_559 : f32 to vector<16xf32>
          %mul3A_561 = arith.mulf %min3A_558, %mul3A_560 : vector<16xf32>
          %add3A_562 = arith.constant 0x4B000000 : f32
          %add3A_563 = vector.broadcast %add3A_562 : f32 to vector<16xf32>
          %add3A_564 = arith.addf %mul3A_561, %add3A_563 : vector<16xf32>
          %sub3A_565 = arith.constant 0x4B000000 : f32
          %sub3A_566 = vector.broadcast %sub3A_565 : f32 to vector<16xf32>
          %sub3A_567 = arith.subf %add3A_564, %sub3A_566 : vector<16xf32>
          %mul3A_568 = arith.constant 0.00392156886 : f32
          %mul3A_569 = vector.broadcast %mul3A_568 : f32 to vector<16xf32>
          %mul3A_570 = arith.mulf %sub3A_567, %mul3A_569 : vector<16xf32>
          %swap3A_571 = arith.index_cast %add3A_359 : i32 to index
          %swap3A_572 = arith.constant 112 : index
          %swap3A_573 = tpu.vector_load %arg11[%swap3A_571, %swap3A_572] {strides = array<i32>} : memref<80x128xf32, #tpu.memory_space<vmem>>, vector<1x16xf32>,
          %swap3A_574 = vector.shape_cast %swap3A_573 : vector<1x16xf32> to vector<16xf32>
          %swap3A_575 = vector.shape_cast %mul3A_570 : vector<16xf32> to vector<1x16xf32>
          tpu.vector_store %arg11[%swap3A_571, %swap3A_572], %swap3A_575 {strides = array<i32>} : memref<80x128xf32, #tpu.memory_space<vmem>>, vector<1x16xf32>,
          %scan3A_576 = arith.constant 0 : i32
          scf.yield %scan3A_576 : i32
        }
        %scan3A_129 = arith.constant 40 : i32
        %mul3A_130 = arith.constant 32 : i32
        %mul3A_131 = arith.muli %add3A_90, %mul3A_130 : i32
        %add3A_132 = arith.addi %add3A, %mul3A_131 : i32
        %mul3A_133 = arith.constant 80 : i32
        %mul3A_134 = arith.muli %add3A_132, %mul3A_133 : i32
        %dma_start3A = arith.constant 0 : i32
        %dma_start3A_135 = tpu.memref_slice %arg3[%mul3A_134, %dma_start3A] : memref<100000x128xf32, #tpu.memory_space<hbm>> -> memref<80x128xf32, #tpu.memory_space<hbm>>
        %dma_start3A_136 = arith.constant 0 : i32
        %dma_start3A_137 = tpu.memref_slice %arg3[%mul3A_134, %dma_start3A_136] : memref<100000x128xf32, #tpu.memory_space<hbm>> -> memref<80x128xf32, #tpu.memory_space<hbm>>
        tpu.enqueue_dma source(%arg11 : memref<80x128xf32, #tpu.memory_space<vmem>>) target(%dma_start3A_137 : memref<80x128xf32, #tpu.memory_space<hbm>>) target_semaphore(%arg19 : memref<!tpu.dma_semaphore, #tpu.memory_space<semaphore_mem>>)
      } else {
      }
    }
    %scan3A_22 = arith.constant 10 : i32
    %add3A_23 = arith.constant 0 : i32
    %add3A_24 = arith.addi %add3A, %add3A_23 : i32
    %mul3A_25 = arith.constant 80 : i32
    %mul3A_26 = arith.muli %add3A_24, %mul3A_25 : i32
    %dma_wait3A = arith.constant 0 : i32
    %dma_wait3A_27 = tpu.memref_slice %arg3[%mul3A_26, %dma_wait3A] : memref<100000x128xf32, #tpu.memory_space<hbm>> -> memref<80x128xf32, #tpu.memory_space<hbm>>
    %dma_wait3A_28 = arith.constant 0 : i32
    %dma_wait3A_29 = tpu.memref_slice %arg3[%mul3A_26, %dma_wait3A_28] : memref<100000x128xf32, #tpu.memory_space<hbm>> -> memref<80x128xf32, #tpu.memory_space<hbm>>
    tpu.wait_dma2 semaphore(%arg16 : memref<!tpu.dma_semaphore, #tpu.memory_space<semaphore_mem>>) src(%arg8 : memref<80x128xf32, #tpu.memory_space<vmem>>) dst(%dma_wait3A_29 : memref<80x128xf32, #tpu.memory_space<hbm>>)
    %add3A_30 = arith.constant 0 : i32
    %add3A_31 = arith.addi %add3A, %add3A_30 : i32
    %mul3A_32 = arith.constant 80 : i32
    %mul3A_33 = arith.muli %add3A_31, %mul3A_32 : i32
    %dma_wait3A_34 = arith.constant 0 : i32
    %dma_wait3A_35 = tpu.memref_slice %arg3[%mul3A_33, %dma_wait3A_34] : memref<100000x128xf32, #tpu.memory_space<hbm>> -> memref<80x128xf32, #tpu.memory_space<hbm>>
    %dma_wait3A_36 = arith.constant 0 : i32
    %dma_wait3A_37 = tpu.memref_slice %arg3[%mul3A_33, %dma_wait3A_36] : memref<100000x128xf32, #tpu.memory_space<hbm>> -> memref<80x128xf32, #tpu.memory_space<hbm>>
    tpu.wait_dma2 semaphore(%arg17 : memref<!tpu.dma_semaphore, #tpu.memory_space<semaphore_mem>>) src(%arg9 : memref<80x128xf32, #tpu.memory_space<vmem>>) dst(%dma_wait3A_37 : memref<80x128xf32, #tpu.memory_space<hbm>>)
    %add3A_38 = arith.constant 0 : i32
    %add3A_39 = arith.addi %add3A, %add3A_38 : i32
    %mul3A_40 = arith.constant 80 : i32
    %mul3A_41 = arith.muli %add3A_39, %mul3A_40 : i32
    %dma_wait3A_42 = arith.constant 0 : i32
    %dma_wait3A_43 = tpu.memref_slice %arg3[%mul3A_41, %dma_wait3A_42] : memref<100000x128xf32, #tpu.memory_space<hbm>> -> memref<80x128xf32, #tpu.memory_space<hbm>>
    %dma_wait3A_44 = arith.constant 0 : i32
    %dma_wait3A_45 = tpu.memref_slice %arg3[%mul3A_41, %dma_wait3A_44] : memref<100000x128xf32, #tpu.memory_space<hbm>> -> memref<80x128xf32, #tpu.memory_space<hbm>>
    tpu.wait_dma2 semaphore(%arg18 : memref<!tpu.dma_semaphore, #tpu.memory_space<semaphore_mem>>) src(%arg10 : memref<80x128xf32, #tpu.memory_space<vmem>>) dst(%dma_wait3A_45 : memref<80x128xf32, #tpu.memory_space<hbm>>)
    %add3A_46 = arith.constant 0 : i32
    %add3A_47 = arith.addi %add3A, %add3A_46 : i32
    %mul3A_48 = arith.constant 80 : i32
    %mul3A_49 = arith.muli %add3A_47, %mul3A_48 : i32
    %dma_wait3A_50 = arith.constant 0 : i32
    %dma_wait3A_51 = tpu.memref_slice %arg3[%mul3A_49, %dma_wait3A_50] : memref<100000x128xf32, #tpu.memory_space<hbm>> -> memref<80x128xf32, #tpu.memory_space<hbm>>
    %dma_wait3A_52 = arith.constant 0 : i32
    %dma_wait3A_53 = tpu.memref_slice %arg3[%mul3A_49, %dma_wait3A_52] : memref<100000x128xf32, #tpu.memory_space<hbm>> -> memref<80x128xf32, #tpu.memory_space<hbm>>
    tpu.wait_dma2 semaphore(%arg19 : memref<!tpu.dma_semaphore, #tpu.memory_space<semaphore_mem>>) src(%arg11 : memref<80x128xf32, #tpu.memory_space<vmem>>) dst(%dma_wait3A_53 : memref<80x128xf32, #tpu.memory_space<hbm>>)
    return
  }
}

module attributes {stable_mosaic.version = 14 : i64} {
  func.func @_tc_softmax_t_body(%arg0: i32, %arg1: memref<100x4096xf32, #tpu.memory_space<vmem>>, %arg2: memref<100x4096xf32, #tpu.memory_space<vmem>>) attributes {dimension_semantics = [#tpu.dimension_semantics<parallel>], iteration_bounds = array<i64: 25>, scalar_prefetch = 0 : i64, scratch_operands = 0 : i64, tpu.core_type = #tpu.core_type<tc>, window_params = [{transform_indices = @transform_0, window_bounds = array<i64: 100, 4096>}, {transform_indices = @transform_1, window_bounds = array<i64: 100, 4096>}]} {
    %get3A = arith.constant 0 : index
    %get3A_0 = arith.constant 0 : index
    %get3A_1 = vector.load %arg1[%get3A, %get3A_0] : memref<100x4096xf32, #tpu.memory_space<vmem>>, vector<100x4096xf32>
    %reduce_max3A = arith.constant dense<0xFF800000> : vector<4096xf32>
    %reduce_max3A_2 = vector.multi_reduction <maximumf>, %get3A_1, %reduce_max3A [0] : vector<100x4096xf32> to vector<4096xf32>
    %broadcast_in_dim3A = vector.shape_cast %reduce_max3A_2 : vector<4096xf32> to vector<1x4096xf32>
    %sub3A = vector.broadcast %broadcast_in_dim3A : vector<1x4096xf32> to vector<100x4096xf32>
    %sub3A_3 = arith.subf %get3A_1, %sub3A : vector<100x4096xf32>
    %exp3A = math.exp %sub3A_3 : vector<100x4096xf32>
    %reduce_sum3A = arith.constant dense<0.000000e+00> : vector<4096xf32>
    %reduce_sum3A_4 = vector.multi_reduction <add>, %exp3A, %reduce_sum3A [0] : vector<100x4096xf32> to vector<4096xf32>
    %broadcast_in_dim3A_5 = vector.shape_cast %reduce_sum3A_4 : vector<4096xf32> to vector<1x4096xf32>
    %div3A = vector.broadcast %broadcast_in_dim3A_5 : vector<1x4096xf32> to vector<100x4096xf32>
    %div3A_6 = arith.divf %exp3A, %div3A : vector<100x4096xf32>
    %swap3A = arith.constant 0 : index
    %swap3A_7 = arith.constant 0 : index
    %swap3A_8 = vector.load %arg2[%swap3A, %swap3A_7] : memref<100x4096xf32, #tpu.memory_space<vmem>>, vector<100x4096xf32>
    tpu.vector_store %arg2[%swap3A, %swap3A_7], %div3A_6 {strides = array<i32>} : memref<100x4096xf32, #tpu.memory_space<vmem>>, vector<100x4096xf32>,
    return
  }
  func.func @transform_0(%arg0: i32) -> (i32, i32) {
    %c0_i32 = arith.constant 0 : i32
    %c0_i32_0 = arith.constant 0 : i32
    return %c0_i32, %arg0 : i32, i32
  }
  func.func @transform_1(%arg0: i32) -> (i32, i32) {
    %c0_i32 = arith.constant 0 : i32
    %c0_i32_0 = arith.constant 0 : i32
    return %c0_i32, %arg0 : i32, i32
  }
}

</mosaic_0001>

<sc_bundles>
// kernel: kernel.4.cloned.1.call-start
scs
__scs_entry_jumppad:
0x0: {  	(pc) =	sbr.rel $0x88, $3  }
0x1: {  	(tag) =	ssettag $0x0;
	lr =	simm.s32 $0x1  }
0x2: {  	[smem:$0x3F9F] =	sst lr;
	_ =	strace $0xD0000000  }
0x3: {  	_ = 	snop  }
0x4: {  	_ = 	snop  }
0x5: {  	_ = 	snop  }
0x6: {  	_ = 	snop  }
0x7: {  	_ = 	snop  }
__scs_overlays_trampoline_lowered:
0x8: {  	[smem:$0x3FAE] =	sst s0  }
0x9: {  	[smem:$0x3FAF] =	sst s1  }
0xa: {  	[smem:$0x3FB0] =	sst s2  }
0xb: {  	[smem:$0x3FB1] =	sst s3  }
0xc: {  	[smem:$0x3FB2] =	sst s4  }
0xd: {  	[smem:$0x3FB3] =	sst s5  }
0xe: {  	[smem:$0x3FB4] =	sst s6  }
0xf: {  	[smem:$0x3FB5] =	sst s7  }
0x10: {  	[smem:$0x3FB6] =	sst s8  }
0x11: {  	[smem:$0x3FB7] =	sst s9;
	s0 =	simm.s32 @!p0 $0x0  }
0x12: {  	s1 =	sld [smem:$0x3F9D];
	s0 =	simm.s32 @p0 $0x1  }
0x13: {  	[smem:$0x3FB8] =	sst s0;
	s0 =	simm.s32 @!p1 $0x0  }
0x14: {  	s2 =	sld [smem:$0x3F9C];
	s0 =	simm.s32 @p1 $0x1  }
0x15: {  	[smem:$0x3FB9] =	sst s0;
	s0 =	simm.s32 @!p2 $0x0  }
0x16: {  	s3 =	sld [smem:$0x3FDB];
	s0 =	simm.s32 @p2 $0x1  }
0x17: {  	s4 =	simm.s32 $0x1BF5;
	[smem:$0x3FBB] =	sst s0  }
0x18: {  	s0 =	sld [smem:$0x3F9E];
	_ =	swait.ge [sflag:s4], $0x0  }
0x19: {  	s7 =	sld [smem:$0x3F9F]  }
0x1a: {  	s8 =	sadd.s32 $0xFFFFE003, lr  }
0x1b: {  	s9 =	sadd.s32 $0xFFFFFEF7, lr;
	s5 =	simm.s32 $0xFFFFFFFF;
	p2 =	slt.u32 s8, $0xFFFFF086  }
0x1c: {  	p1 =	slt.u32 s9, $0xF7A;
	s5 =	simm.s32 @!p2 $0x0  }
0x1d: {  	s5 =	simm.s32 @p1 $0x1;
	p0 =	seq.s32 s7, s2  }
0x1e: {  	s7 =	smul.u32 @!p0 $0xF7A, s2;
	p2 =	seq.s32 @!p0 s5, $0x0  }
0x1f: {  	s9 =	smul.u32 $0xF7A, s1;
	s8 =	simm.s32 @!p0 $0x1BF5;
	p2 =	por !p2, p0  }
0x20: {  	[sflag:s8] =	ssyncset.s32 @!p0 $0xFFFFF086;
	s6 =	sadd.s32 @!p0 s3, s7;
	s7 =	simm.s32 @!p0 $0x108  }
0x21: {  	s3 =	sadd.s32 s3, s9;
	s6 =	sadd.s32 @!p0 $0x88, s6;
	s7 =	simm.s32 @p2 $0x1082  }
0x22: {  	[simem:s7], [sflag:s8] =	dma.local @!p0 [hbm:s6], $0xF7A  }
0x23: {  	s9 =	sor.u32 $0xD0000000, s2;
	s6 =	simm.s32 $0x108;
	_ =	swait.ge @!p0 [sflag:s8], $0x0  }
0x24: {  	s3 =	sadd.s32 $0x88, s3;
	s6 =	simm.s32 @!p1 $0x1082;
	[sflag:s4] =	ssyncset.s32 $0xFFFFF086  }
0x25: {  	[simem:s6], [sflag:s4] =	dma.local [hbm:s3], $0xF7A  }
0x26: {  	[smem:$0x3F9F] =	sst s1;
	(tag) =	ssettag s2;
	_ =	strace s9  }
0x27: {  	s1 =	sld [smem:$0x3FAF]  }
0x28: {  	s2 =	sld [smem:$0x3FB0]  }
0x29: {  	s4 =	sld [smem:$0x3FB2]  }
0x2a: {  	p0 =	seq.s32 s5, $0x0;
	s5 =	sld [smem:$0x3FB3]  }
0x2b: {  	s6 =	sld [smem:$0x3FB4]  }
0x2c: {  	s7 =	sld [smem:$0x3FB5]  }
0x2d: {  	s3 =	simm.s32 $0x108;
	s8 =	sld [smem:$0x3FB6]  }
0x2e: {  	s3 =	simm.s32 @!p0 $0x1082;
	s9 =	sld [smem:$0x3FB7]  }
0x2f: {  	lr =	sadd.s32 s0, s3;
	s0 =	sld [smem:$0x3FAE]  }
0x30: {  	s3 =	sld [smem:$0x3FB1]  }
0x31: {  	[smem:$0x3FBA] =	sst s10  }
0x32: {  	s10 =	sld [smem:$0x3FB8];
	_ =	sdelay $0x3  }
0x33: {  	p0 =	seq.s32 s10, $0x1;
	s10 =	sld [smem:$0x3FBA];
	_ =	sdelay $0x3  }
0x34: {  	[smem:$0x3FBA] =	sst s10  }
0x35: {  	s10 =	sld [smem:$0x3FB9];
	_ =	sdelay $0x3  }
0x36: {  	p1 =	seq.s32 s10, $0x1;
	s10 =	sld [smem:$0x3FBA];
	_ =	sdelay $0x3  }
0x37: {  	[smem:$0x3FBA] =	sst s10  }
0x38: {  	s10 =	sld [smem:$0x3FBB]  }
0x39: {  	_ = 	snop;
	(pc) =	sbr.ind lr, $3  }
0x3a: {  	_ = 	snop  }
0x3b: {  	_ = 	snop  }
0x3c: {  	p2 =	seq.s32 s10, $0x1;
	s10 =	sld [smem:$0x3FBA]  }
0x3d: {  	_ =	shalt  }
0x3e: {  	_ =	shalt  }
0x3f: {  	_ =	shalt  }
0x40: {  	_ =	shalt  }
0x41: {  	_ =	shalt  }
0x42: {  	_ =	shalt  }
0x43: {  	_ =	shalt  }
0x44: {  	_ =	shalt  }
0x45: {  	_ =	shalt  }
0x46: {  	_ =	shalt  }
0x47: {  	_ =	shalt  }
0x48: {  	_ =	shalt  }
0x49: {  	_ =	shalt  }
0x4a: {  	_ =	shalt  }
0x4b: {  	_ =	shalt  }
0x4c: {  	_ =	shalt  }
0x4d: {  	_ =	shalt  }
0x4e: {  	_ =	shalt  }
0x4f: {  	_ =	shalt  }
0x50: {  	_ =	shalt  }
0x51: {  	_ =	shalt  }
0x52: {  	_ =	shalt  }
0x53: {  	_ =	shalt  }
0x54: {  	_ =	shalt  }
0x55: {  	_ =	shalt  }
0x56: {  	_ =	shalt  }
0x57: {  	_ =	shalt  }
0x58: {  	_ =	shalt  }
0x59: {  	_ =	shalt  }
0x5a: {  	_ =	shalt  }
0x5b: {  	_ =	shalt  }
0x5c: {  	_ =	shalt  }
0x5d: {  	_ =	shalt  }
0x5e: {  	_ =	shalt  }
0x5f: {  	_ =	shalt  }
0x60: {  	_ =	shalt  }
0x61: {  	_ =	shalt  }
0x62: {  	_ =	shalt  }
0x63: {  	_ =	shalt  }
0x64: {  	_ =	shalt  }
0x65: {  	_ =	shalt  }
0x66: {  	_ =	shalt  }
0x67: {  	_ =	shalt  }
0x68: {  	_ =	shalt  }
0x69: {  	_ =	shalt  }
0x6a: {  	_ =	shalt  }
0x6b: {  	_ =	shalt  }
0x6c: {  	_ =	shalt  }
0x6d: {  	_ =	shalt  }
0x6e: {  	_ =	shalt  }
0x6f: {  	_ =	shalt  }
0x70: {  	_ =	shalt  }
0x71: {  	_ =	shalt  }
0x72: {  	_ =	shalt  }
0x73: {  	_ =	shalt  }
0x74: {  	_ =	shalt  }
0x75: {  	_ =	shalt  }
0x76: {  	_ =	shalt  }
0x77: {  	_ =	shalt  }
0x78: {  	_ =	shalt  }
0x79: {  	_ =	shalt  }
0x7a: {  	_ =	shalt  }
0x7b: {  	_ =	shalt  }
0x7c: {  	_ =	shalt  }
0x7d: {  	_ =	shalt  }
0x7e: {  	_ =	shalt  }
0x7f: {  	_ =	shalt  }
0x80: {  	_ =	shalt  }
0x81: {  	_ =	shalt  }
0x82: {  	_ =	shalt  }
0x83: {  	_ =	shalt  }
0x84: {  	_ =	shalt  }
0x85: {  	_ =	shalt  }
0x86: {  	_ =	shalt  }
0x87: {  	_ =	shalt  }
.Lfunc_end0:
.L_simem_size_0:
called_computation_lowered:
.L_overlay_start_0:
0x88: {  	s2 =	sld [smem:$0x3FD9]  }
0x89: {  	s3 =	sld [smem:$0x3FFE];
	_ =	sdelay $0x1  }
0x8a: {  	s1 =	srdreg.scid  }
0x8b: {  	s0 =	sand.u32 $0x1, s1  }
0x8c: {  	s15 =	sshll.u32 s0, $0xA;
	s2 =	sadd.s32 s3, s2  }
0x8d: {  	s2 =	sadd.s32 s2, s15  }
0x8e: {  	[smem:$0x3FC6] =	sst s2  }
0x8f: {  	_ = 	snop  }
0x90: {  	s2 =	sld [smem:$0x3FD0];
	_ =	sdelay $0x2  }
0x91: {  	s4 =	simm.s32 $0xA;
	s5 =	simm.s32 $0x10;
	s16 =	sld [smem:$0x3FC9]  }
0x92: {  	[smem:s5], [sflag:s4] =	dma.local [hbm:s2], $0x1  }
0x93: {  	_ =	swait.eq [sflag:s4], $0x1  }
0x94: {  	[sflag:s4] =	ssyncset.done $0x0  }
0x95: {  	[sflag:s4] =	ssyncadd.s32 $0xFFFFFFFF  }
0x96: {  	s17 =	sld [smem:$0x10];
	(tm) =	ssettm $0x1  }
0x97: {  	s18 =	sld [smem:$0x3FFB];
	_ =	sdelay $0x3  }
0x98: {  	_ =	strace s18  }
0x99: {  	s4 =	sld [smem:$0x3FFC];
	_ =	sdelay $0x3  }
0x9a: {  	_ =	strace s4  }
0x9b: {  	s4 =	sld [smem:$0x3FFD];
	_ =	sdelay $0x3  }
0x9c: {  	_ =	strace s4  }
0x9d: {  	_ =	strace $0x8FFFFFFF  }
0x9e: {  	s19 =	sld [smem:$0x3FDB];
	_ =	sdelay $0x1  }
0x9f: {  	s20 =	simm.s32 $_scs_section_size  }
0xa0: {  	s6 =	simm.s32 $_size__tile_overlayer_lowered;
	s7 =	simm.s32 $_tile_overlayer_lowered  }
0xa1: {  	s23 =	simm.s32 $0x1BFF;
	s22 =	sshll.u32 s7, $0x1;
	s4 =	sadd.s32 s20, s19  }
0xa2: {  	s8 =	simm.s32 $0x0;
	s21 =	sshll.u32 s6, $0x1;
	s6 =	sadd.s32 s22, s4  }
0xa3: {  	[timem:s8], [sflag:s23] =	dma.local [hbm:s6], s21  }
0xa4: {  	_ =	swait.ge [sflag:s23], s21  }
0xa5: {  	s5 =	ssub.s32 $0x0, s21;
	[sflag:s23] =	ssyncset.done $0x0  }
0xa6: {  	[sflag:s23] =	ssyncadd.s32 s5;
	_ =	sdelay $0x1  }
0xa7: {  	s24 =	simm.s32 $0x1B8B  }
0xa8: {  	_ =	swait.ge [sflag:s24], $0x1  }
0xa9: {  	[sflag:s24] =	ssyncset.done $0x0  }
0xaa: {  	s25 =	simm.s32 $0x1B8E;
	[sflag:s24] =	ssyncadd.s32 $0xFFFFFFFF  }
0xab: {  	s26 =	simm.s32 $execute0_lowered;
	[smem:$0x3FD2] =	sst s25  }
0xac: {  	s5 =	sshll.u32 s26, $0x1;
	_ =	strace $0x80000046;
	[dreg:$0x1] =	wrdreg $0xFFFFFFFF  }
0xad: {  	s28 =	simm.s32 $_size_execute0_lowered;
	s4 =	sadd.s32 s4, s5;
	[dreg:$0x0] =	wrdreg $0x0  }
0xae: {  	s5 =	sshll.u32 s28, $0x1;
	[dreg:$0x2] =	wrdreg s4  }
0xaf: {  	[dreg:$0x3] =	wrdreg s5  }
0xb0: {  	[dreg:$0x4] =	wrdreg $0xC0  }
0xb1: {  	_ =	task [dreg:s8], $0x5FFFF  }
0xb2: {  	[dreg:$0x1] =	wrdreg $0xFFFFFFFF  }
0xb3: {  	[dreg:$0x0] =	wrdreg $0x60  }
0xb4: {  	[dreg:$0x2] =	wrdreg s16  }
0xb5: {  	[dreg:$0x3] =	wrdreg s17  }
0xb6: {  	[dreg:$0x4] =	wrdreg $0x9  }
0xb7: {  	_ =	task.clear_ibuf [dreg:s8], $0x5FFFF;
	_ =	strace $0x90000046  }
0xb8: {  	s29 =	simm.s32 $0x9;
	_ =	strace $0x80000048  }
0xb9: {  	_ =	swait.ge [sflag:s29], $0x1  }
0xba: {  	[sflag:s29] =	ssyncadd.s32 $0xFFFFFFFF  }
0xbb: {  	_ =	strace $0x90000048  }
0xbc: {  	_ =	sfence  }
0xbd: {  	s30 =	sld [smem:$0x0];
	_ =	sdelay $0x2  }
0xbe: {  	s31 =	sshll.u32 s1, $0xD;
	s1 =	sshrl.u32 s1, $0x2  }
0xbf: {  	s3 =	sand.u32 $0x4000, s31;
	s1 =	sadd.s32 s1, s30  }
0xc0: {  	s0 =	sor.u32 s3, s0;
	s1 =	sshll.u32 s1, $0x11  }
0xc1: {  	s0 =	sor.u32 s1, s0  }
0xc2: {  	s0 =	sadd.s32 $0x8F2B, s0  }
0xc3: {  	[sflag:s0] =	ssyncadd.remote.s32 $0x1  }
0xc4: {  	_ =	sfence.sel $0xFFFF  }
0xc5: {  	[dreg:$0x0] =	wrdreg $0xFFFFFFFF;
	(pc) =	sbr.abs _section_cstart, $3  }
0xc6: {  	[dreg:$0x1] =	wrdreg $0xFFFFFFFF  }
0xc7: {  	_ =	task.clear_ibuf [dreg:s8], $0x2FFFF;
	_ =	strace $0x9FFFFFFF  }
0xc8: {  	(tm) =	ssettm $0x7FFFFFFF  }
0xc9: {  	_ =	shalt  }
tec
execute0_lowered:
.L_overlay_start_1:
0x0: {  	(tag) =	ssettag $0x1  }
0x1: {  	s0 =	srdreg.scid;
	s2 =	rddreg [dreg:$0x0]  }
0x2: {  	s1 =	stileid.u32;
	s3 =	rddreg [dreg:$0x1]  }
0x3: {  	s5 =	simm.s32 $0x0;
	s17 =	simm.s32 $0x1;
	s18 =	simm.s32 $0xA000  }
0x4: {  	s19 =	simm.s32 $0x2;
	s20 =	simm.s32 $0xC800;
	s21 =	simm.s32 $0x3  }
0x5: {  	s22 =	simm.s32 $0xF000;
	s23 =	simm.s32 $0x4;
	s24 =	simm.s32 $0x11800  }
0x6: {  	s25 =	simm.s32 $0x5;
	s28 =	simm.s32 $0x7;
	s29 =	simm.s32 $0x8  }
0x7: {  	s30 =	simm.s32 $0x0;
	s0 =	sand.u32 $0x1, s0;
	s1 =	sshll.u32 s1, $0x1  }
0x8: {  	[smem:$0x7FF] =	sst s5;
	s13 =	sadd.s32 $0xA000, s3;
	s4 =	sor.u32 s0, s1  }
0x9: {  	s14 =	sadd.s32 $0x14000, s3;
	s0 =	ssub.s32 $0x2, s0;
	s1 =	smul.u32 $0x2800, s4  }
0xa: {  	_ =	strace $0x80000047;
	s6 =	sshrl.u32 s0, $0x1;
	s7 =	smul.u32 $0x500, s4  }
.Ltmp0:
0xb: {  	s9 =	sor.u32 $0x80, s4;
	s1 =	sshrl.u32 s1, $0x3;
	(pc) =	sbr.rel .LBB2_1-.Ltmp0, $4  }
0xc: {  	s10 =	sor.u32 $0xA0, s4;
	s26 =	sadd.s32 s2, s7;
	s1 =	sadd.s32 s2, s1  }
0xd: {  	s11 =	sor.u32 $0xC0, s4;
	[dreg:$0x3] =	wrdreg s26;
	s31 =	sadd.s32 $0xA000, s1  }
0xe: {  	s0 =	ssub.s32 s0, s6;
	s1 =	sadd.s32 $0x14000, s1;
	[dreg:$0x4] =	wrdreg s31  }
0xf: {  	s12 =	smax.u32 s0, $0x1;
	s26 =	simm.s32 $0x6;
	[dreg:$0x5] =	wrdreg s1  }
.LBB2_13:
0x10: {  	_ =	swait.ge [sflag:s25], $0x2800  }
0x11: {  	[sflag:s25] =	ssyncset.done $0x0  }
0x12: {  	[sflag:s25] =	ssyncadd.s32 $0xFFFFD800  }
0x13: {  	_ =	swait.ge [sflag:s26], $0x2800  }
0x14: {  	[sflag:s26] =	ssyncset.done $0x0  }
0x15: {  	s30 =	sadd.s32 $0x1, s30;
	[sflag:s26] =	ssyncadd.s32 $0xFFFFD800  }
0x16: {  	p0 =	sne.s32 s30, s12;
	_ =	swait.ge [sflag:s28], $0x2800  }
.Ltmp1:
0x17: {  	[sflag:s28] =	ssyncset.done $0x0;
	(pc) =	sbr.rel @!p0 .LBB2_14-.Ltmp1, $4  }
0x18: {  	[sflag:s28] =	ssyncadd.s32 $0xFFFFD800  }
0x19: {  	_ =	swait.ge [sflag:s29], $0x2800  }
0x1a: {  	[sflag:s29] =	ssyncset.done $0x0  }
0x1b: {  	[sflag:s29] =	ssyncadd.s32 $0xFFFFD800  }
.LBB2_1:
0x1c: {  	s0 =	rddreg [dreg:$0x3]  }
0x1d: {  	[tilespmem:s5], [sflag:$0x1] =	stream.linear.gather [hbm4b:s0+s5], $0x2800, $0x38;
	[tilespmem:$0x14000] =	vst v63  }
.Ltmp2:
0x1e: {  	_ = 	snop;
	(pc) =	sbr.rel .LBB2_2-.Ltmp2, $4  }
0x1f: {  	s8 =	rddreg [dreg:$0x4];
	s1 =	simm.s32 $0x2800  }
0x20: {  	[tilespmem:s1], [sflag:$0x2] =	stream.linear.gather [hbm4b:s8+s5], $0x2800, $0x38;
	[tilespmem:$0x14000] =	vst v63  }
0x21: {  	s15 =	rddreg [dreg:$0x5];
	s16 =	simm.s32 $0x5000;
	s31 =	simm.s32 $0x0  }
0x22: {  	[tilespmem:s16], [sflag:$0x3] =	stream.linear.gather [hbm4b:s15+s5], $0x2800, $0x38;
	[tilespmem:$0x14000] =	vst v63  }
.LBB2_12:
0x23: {  	s31 =	sadd.s32 $0x1, s31  }
0x24: {  	p0 =	sne.s32 s31, $0xA  }
.Ltmp3:
0x25: {  	_ = 	snop;
	(pc) =	sbr.rel @!p0 .LBB2_13-.Ltmp3, $1  }
0x26: {  	_ =	sdelay $0x3  }
.LBB2_2:
0x27: {  	s0 =	sshll.u32 s31, $0x7  }
0x28: {  	s15 =	sor.u32 s4, s0  }
0x29: {  	s1 =	sor.u32 $0x60, s15  }
0x2a: {  	p1 =	sgt.u32 s1, $0x4E1  }
0x2b: {  	s6 =	smul.u32 @!p1 $0x500, s1;
	_ =	sdelay $0x1  }
0x2c: {  	s7 =	simm.s32 @!p1 $0x0;
	s8 =	simm.s32 @!p1 $0x7800;
	s6 =	sadd.s32 @!p1 s2, s6  }
0x2d: {  	[tilespmem:s8], [sflag:$0x4] =	stream.linear.gather @!p1 [hbm4b:s6+s7], $0x2800, $0x38;
	[tilespmem:$0x14000] =	vst v63  }
0x2e: {  	_ =	swait.ge [sflag:s17], $0x2800  }
0x2f: {  	p0 =	seq.s32 s31, $0x0;
	[sflag:s17] =	ssyncset.done $0x0  }
0x30: {  	s6 =	simm.s32 @!p0 $0x5;
	[sflag:s17] =	ssyncadd.s32 $0xFFFFD800  }
0x31: {  	_ =	swait.ge @!p0 [sflag:s6], $0x2800  }
0x32: {  	[sflag:s6] =	ssyncset.done @!p0 $0x0  }
0x33: {  	[sflag:s6] =	ssyncadd.s32 @!p0 $0xFFFFD800;
	s6 =	simm.s32 $0xF0  }
0x34: {  	v0 =	vld [tilespmem:s6+$0x0]  }
0x35: {  	v1 =	vld [tilespmem:s6+$0xFFFFFF10]  }
0x36: {  	v2 =	vld [tilespmem:s6+$0xFFFFFF20]  }
0x37: {  	v3 =	vld [tilespmem:s6+$0xFFFFFF30]  }
0x38: {  	v4 =	vld [tilespmem:s6+$0xFFFFFF40]  }
0x39: {  	v5 =	vld [tilespmem:s6+$0xFFFFFF50]  }
0x3a: {  	v6 =	vld [tilespmem:s6+$0xFFFFFF60]  }
0x3b: {  	v7 =	vld [tilespmem:s6+$0xFFFFFF70]  }
0x3c: {  	v8 =	vld [tilespmem:s6+$0xFFFFFF80]  }
0x3d: {  	v9 =	vld [tilespmem:s6+$0xFFFFFF90]  }
0x3e: {  	v10 =	vld [tilespmem:s6+$0xFFFFFFA0]  }
0x3f: {  	v11 =	vld [tilespmem:s6+$0xFFFFFFB0]  }
0x40: {  	v12 =	vld [tilespmem:s6+$0xFFFFFFC0]  }
0x41: {  	v13 =	vld [tilespmem:s6+$0xFFFFFFD0]  }
0x42: {  	v14 =	vld [tilespmem:s6+$0xFFFFFFE0]  }
0x43: {  	v15 =	vld [tilespmem:s6+$0xFFFFFFF0];
	v0 =	vmax.f32 v0, $0.0e+00;
	v1 =	vmax.f32 v1, $0.0e+00  }
0x44: {  	v2 =	vmax.f32 v2, $0.0e+00;
	v3 =	vmax.f32 v3, $0.0e+00;
	v4 =	vmax.f32 v4, $0.0e+00  }
0x45: {  	v5 =	vmax.f32 v5, $0.0e+00;
	v6 =	vmax.f32 v6, $0.0e+00;
	v7 =	vmax.f32 v7, $0.0e+00  }
0x46: {  	v8 =	vmax.f32 v8, $0.0e+00;
	v9 =	vmax.f32 v9, $0.0e+00;
	v10 =	vmax.f32 v10, $0.0e+00  }
0x47: {  	v11 =	vmax.f32 v11, $0.0e+00;
	v12 =	vmax.f32 v12, $0.0e+00;
	v13 =	vmax.f32 v13, $0.0e+00  }
0x48: {  	v14 =	vmax.f32 v14, $0.0e+00;
	v15 =	vmax.f32 v15, $0.0e+00;
	v0 =	vmin.f32 v0, $1.000000000e+00  }
0x49: {  	v1 =	vmin.f32 v1, $1.000000000e+00;
	v2 =	vmin.f32 v2, $1.000000000e+00;
	v3 =	vmin.f32 v3, $1.000000000e+00  }
0x4a: {  	v4 =	vmin.f32 v4, $1.000000000e+00;
	v5 =	vmin.f32 v5, $1.000000000e+00;
	v6 =	vmin.f32 v6, $1.000000000e+00  }
0x4b: {  	v7 =	vmin.f32 v7, $1.000000000e+00;
	v8 =	vmin.f32 v8, $1.000000000e+00;
	v9 =	vmin.f32 v9, $1.000000000e+00  }
0x4c: {  	v10 =	vmin.f32 v10, $1.000000000e+00;
	v11 =	vmin.f32 v11, $1.000000000e+00;
	v0 =	vmul.f32 $2.550000000e+02, v0  }
0x4d: {  	v12 =	vmin.f32 v12, $1.000000000e+00;
	v1 =	vmul.f32 $2.550000000e+02, v1;
	v2 =	vmul.f32 $2.550000000e+02, v2  }
0x4e: {  	v13 =	vmin.f32 v13, $1.000000000e+00;
	v3 =	vmul.f32 $2.550000000e+02, v3;
	v4 =	vmul.f32 $2.550000000e+02, v4  }
0x4f: {  	v14 =	vmin.f32 v14, $1.000000000e+00;
	v5 =	vmul.f32 $2.550000000e+02, v5;
	v6 =	vmul.f32 $2.550000000e+02, v6  }
0x50: {  	v7 =	vmul.f32 $2.550000000e+02, v7;
	v0 =	vadd.f32 $8.388608000e+06, v0;
	v1 =	vadd.f32 $8.388608000e+06, v1  }
0x51: {  	v8 =	vmul.f32 $2.550000000e+02, v8;
	v2 =	vadd.f32 $8.388608000e+06, v2;
	v3 =	vadd.f32 $8.388608000e+06, v3  }
0x52: {  	v9 =	vmul.f32 $2.550000000e+02, v9;
	v4 =	vadd.f32 $8.388608000e+06, v4;
	v5 =	vadd.f32 $8.388608000e+06, v5  }
0x53: {  	v12 =	vmul.f32 $2.550000000e+02, v12;
	v6 =	vadd.f32 $8.388608000e+06, v6;
	v7 =	vadd.f32 $8.388608000e+06, v7  }
0x54: {  	v10 =	vmul.f32 $2.550000000e+02, v10;
	v8 =	vadd.f32 $8.388608000e+06, v8;
	v0 =	vadd.f32 $-8.388608000e+06, v0  }
0x55: {  	v11 =	vmul.f32 $2.550000000e+02, v11;
	v9 =	vadd.f32 $8.388608000e+06, v9;
	v12 =	vadd.f32 $8.388608000e+06, v12  }
0x56: {  	v1 =	vadd.f32 $-8.388608000e+06, v1;
	v2 =	vadd.f32 $-8.388608000e+06, v2;
	v0 =	vmul.f32 $3.921568860e-03, v0  }
0x57: {  	v13 =	vmul.f32 $2.550000000e+02, v13;
	v3 =	vadd.f32 $-8.388608000e+06, v3;
	v4 =	vadd.f32 $-8.388608000e+06, v4  }
0x58: {  	s16 =	simm.s32 $0x1F0;
	v14 =	vmul.f32 $2.550000000e+02, v14;
	v5 =	vadd.f32 $-8.388608000e+06, v5;
	v18 =	vadd.f32 $-8.388608000e+06, v8;
	[tilespmem:s6+$0xA000] =	vst v0  }
0x59: {  	v9 =	vadd.f32 $-8.388608000e+06, v9;
	v1 =	vmul.f32 $3.921568860e-03, v1;
	v0 =	vmin.f32 v15, $1.000000000e+00;
	v15 =	vld [tilespmem:s16+$0x0]  }
0x5a: {  	v12 =	vadd.f32 $-8.388608000e+06, v12;
	v2 =	vmul.f32 $3.921568860e-03, v2;
	v3 =	vmul.f32 $3.921568860e-03, v3;
	v16 =	vld [tilespmem:s16+$0xFFFFFF10]  }
0x5b: {  	v17 =	vld [tilespmem:s16+$0xFFFFFF20];
	[tilespmem:s6+$0x9F10] =	vst v1;
	v0 =	vmul.f32 $2.550000000e+02, v0;
	v1 =	vadd.f32 $8.388608000e+06, v10;
	v10 =	vadd.f32 $8.388608000e+06, v11  }
0x5c: {  	v11 =	vld [tilespmem:s16+$0xFFFFFF30];
	[tilespmem:s6+$0x9F20] =	vst v2;
	v2 =	vadd.f32 $8.388608000e+06, v13;
	v13 =	vadd.f32 $8.388608000e+06, v14  }
0x5d: {  	v4 =	vmul.f32 $3.921568860e-03, v4;
	v14 =	vld [tilespmem:s16+$0xFFFFFF40];
	v0 =	vadd.f32 $8.388608000e+06, v0;
	[tilespmem:s6+$0x9F30] =	vst v3;
	v3 =	vadd.f32 $-8.388608000e+06, v6  }
0x5e: {  	v5 =	vmul.f32 $3.921568860e-03, v5;
	v6 =	vadd.f32 $-8.388608000e+06, v7;
	v1 =	vadd.f32 $-8.388608000e+06, v1  }
0x5f: {  	v12 =	vmul.f32 $3.921568860e-03, v12;
	v7 =	vld [tilespmem:s16+$0xFFFFFF50];
	[tilespmem:s6+$0x9F40] =	vst v4;
	v4 =	vadd.f32 $-8.388608000e+06, v10;
	v19 =	vadd.f32 $-8.388608000e+06, v2  }
0x60: {  	v20 =	vadd.f32 $-8.388608000e+06, v13;
	v2 =	vmul.f32 $3.921568860e-03, v3;
	v21 =	vadd.f32 $-8.388608000e+06, v0  }
0x61: {  	v8 =	vld [tilespmem:s16+$0xFFFFFF60];
	[tilespmem:s6+$0x9F50] =	vst v5;
	v6 =	vmul.f32 $3.921568860e-03, v6;
	v3 =	vmax.f32 v15, $0.0e+00;
	v5 =	vmax.f32 v16, $0.0e+00  }
0x62: {  	v0 =	vld [tilespmem:s16+$0xFFFFFF70];
	v3 =	vmin.f32 v3, $1.000000000e+00;
	[tilespmem:s6+$0x9F60] =	vst v2;
	v2 =	vmin.f32 v5, $1.000000000e+00;
	v5 =	vmax.f32 v17, $0.0e+00  }
0x63: {  	v11 =	vmax.f32 v11, $0.0e+00;
	v3 =	vmul.f32 $2.550000000e+02, v3;
	v2 =	vmul.f32 $2.550000000e+02, v2  }
0x64: {  	v10 =	vld [tilespmem:s16+$0xFFFFFF80];
	v5 =	vmin.f32 v5, $1.000000000e+00;
	[tilespmem:s6+$0x9F70] =	vst v6;
	v6 =	vmin.f32 v11, $1.000000000e+00;
	v11 =	vmax.f32 v14, $0.0e+00  }
0x65: {  	v5 =	vmul.f32 $2.550000000e+02, v5;
	v11 =	vmin.f32 v11, $1.000000000e+00;
	v7 =	vmax.f32 v7, $0.0e+00  }
0x66: {  	v13 =	vld [tilespmem:s16+$0xFFFFFF90];
	v6 =	vmul.f32 $2.550000000e+02, v6;
	v3 =	vadd.f32 $8.388608000e+06, v3;
	v8 =	vmax.f32 v8, $0.0e+00  }
0x67: {  	v14 =	vld [tilespmem:s16+$0xFFFFFFA0];
	v7 =	vmin.f32 v7, $1.000000000e+00;
	v11 =	vmul.f32 $2.550000000e+02, v11;
	v8 =	vmin.f32 v8, $1.000000000e+00  }
0x68: {  	v15 =	vld [tilespmem:s16+$0xFFFFFFB0];
	v0 =	vmax.f32 v0, $0.0e+00;
	v7 =	vmul.f32 $2.550000000e+02, v7;
	v26 =	vadd.f32 $8.388608000e+06, v5  }
0x69: {  	v16 =	vld [tilespmem:s16+$0xFFFFFFC0];
	v27 =	vadd.f32 $8.388608000e+06, v6;
	v5 =	vmul.f32 $3.921568860e-03, v18;
	v3 =	vadd.f32 $-8.388608000e+06, v3  }
0x6a: {  	v17 =	vld [tilespmem:s16+$0xFFFFFFD0];
	v0 =	vmin.f32 v0, $1.000000000e+00;
	v24 =	vmul.f32 $2.550000000e+02, v8;
	v11 =	vadd.f32 $8.388608000e+06, v11  }
0x6b: {  	v22 =	vld [tilespmem:s16+$0xFFFFFFE0];
	v10 =	vmax.f32 v10, $0.0e+00;
	v0 =	vmul.f32 $2.550000000e+02, v0;
	v3 =	vmul.f32 $3.921568860e-03, v3  }
0x6c: {  	v23 =	vld [tilespmem:s16+$0xFFFFFFF0];
	v10 =	vmin.f32 v10, $1.000000000e+00;
	v13 =	vmax.f32 v13, $0.0e+00;
	v14 =	vmax.f32 v14, $0.0e+00  }
0x6d: {  	v11 =	vadd.f32 $-8.388608000e+06, v11;
	v13 =	vmin.f32 v13, $1.000000000e+00;
	v8 =	vmin.f32 v14, $1.000000000e+00  }
0x6e: {  	v14 =	vmax.f32 v15, $0.0e+00;
	v15 =	vmax.f32 v16, $0.0e+00;
	v16 =	vmul.f32 $2.550000000e+02, v10  }
0x6f: {  	v14 =	vmin.f32 v14, $1.000000000e+00;
	v10 =	vmin.f32 v15, $1.000000000e+00;
	v15 =	vmax.f32 v17, $0.0e+00  }
0x70: {  	v13 =	vmul.f32 $2.550000000e+02, v13;
	v17 =	vmax.f32 v22, $0.0e+00;
	v62 =	vmul.f32 $2.550000000e+02, v8  }
0x71: {  	[tilespmem:s16+$0xA000] =	vst v3;
	v15 =	vmin.f32 v15, $1.000000000e+00;
	v8 =	vmin.f32 v17, $1.000000000e+00;
	v17 =	vmax.f32 v23, $0.0e+00  }
0x72: {  	v14 =	vmul.f32 $2.550000000e+02, v14;
	v63 =	vmul.f32 $2.550000000e+02, v10;
	[tilespmem:s6+$0x9FC0] =	vst v12;
	v12 =	vadd.f32 $-8.388608000e+06, v27  }
0x73: {  	v10 =	vmin.f32 v17, $1.000000000e+00;
	v17 =	vadd.f32 $8.388608000e+06, v2;
	v15 =	vmul.f32 $2.550000000e+02, v15  }
0x74: {  	v25 =	vmul.f32 $2.550000000e+02, v8;
	v8 =	vadd.f32 $8.388608000e+06, v7;
	v7 =	vadd.f32 $8.388608000e+06, v0  }
0x75: {  	v0 =	vmul.f32 $3.921568860e-03, v9;
	v9 =	vadd.f32 $8.388608000e+06, v16;
	v2 =	vadd.f32 $8.388608000e+06, v13  }
0x76: {  	[tilespmem:s6+$0x9F80] =	vst v5;
	v13 =	vmul.f32 $3.921568860e-03, v1;
	v5 =	vadd.f32 $8.388608000e+06, v62;
	v28 =	vmul.f32 $2.550000000e+02, v10  }
0x77: {  	v10 =	vadd.f32 $8.388608000e+06, v24;
	v3 =	vadd.f32 $8.388608000e+06, v14;
	v14 =	vmul.f32 $3.921568860e-03, v4;
	[tilespmem:s6+$0x9F90] =	vst v0  }
0x78: {  	v16 =	vmul.f32 $3.921568860e-03, v19;
	v6 =	vadd.f32 $8.388608000e+06, v63;
	v1 =	vadd.f32 $8.388608000e+06, v15;
	[tilespmem:s6+$0x9FA0] =	vst v13  }
0x79: {  	s7 =	simm.s32 $0x2F0;
	v4 =	vadd.f32 $8.388608000e+06, v25;
	v15 =	vmul.f32 $3.921568860e-03, v20;
	[tilespmem:s6+$0x9FB0] =	vst v14;
	v14 =	vadd.f32 $-8.388608000e+06, v17  }
0x7a: {  	s8 =	simm.s32 $0xFC0;
	v13 =	vadd.f32 $-8.388608000e+06, v26;
	[tilespmem:s6+$0x9FD0] =	vst v16;
	v16 =	vmul.f32 $3.921568860e-03, v21;
	v0 =	vadd.f32 $8.388608000e+06, v28  }
.LBB2_3:
0x7b: {  	p2 =	sne.s32 s8, $0x9FC0;
	v17 =	vld [tilespmem:s7+$0x0];
	v14 =	vmul.f32 $3.921568860e-03, v14;
	v8 =	vadd.f32 $-8.388608000e+06, v8;
	v10 =	vadd.f32 $-8.388608000e+06, v10;
	[tilespmem:s6+$0x9FE0] =	vst v15  }
0x7c: {  	v13 =	vmul.f32 $3.921568860e-03, v13;
	v7 =	vadd.f32 $-8.388608000e+06, v7;
	v9 =	vadd.f32 $-8.388608000e+06, v9;
	v15 =	vld [tilespmem:s7+$0xFFFFFF10];
	[tilespmem:s6+$0x9FF0] =	vst v16;
	s6 =	smov.u32 s16;
	s16 =	smov.u32 s7  }
0x7d: {  	v2 =	vadd.f32 $-8.388608000e+06, v2;
	v5 =	vadd.f32 $-8.388608000e+06, v5;
	v12 =	vmul.f32 $3.921568860e-03, v12;
	v16 =	vld [tilespmem:s16+$0xFFFFFF20];
	[tilespmem:s6+$0x9F10] =	vst v14  }
0x7e: {  	v18 =	vadd.f32 $-8.388608000e+06, v6;
	v11 =	vmul.f32 $3.921568860e-03, v11;
	v14 =	vld [tilespmem:s16+$0xFFFFFF30];
	[tilespmem:s6+$0x9F20] =	vst v13;
	v13 =	vadd.f32 $-8.388608000e+06, v3  }
0x7f: {  	v19 =	vadd.f32 $-8.388608000e+06, v4;
	v6 =	vmul.f32 $3.921568860e-03, v8;
	v3 =	vld [tilespmem:s16+$0xFFFFFF40];
	[tilespmem:s6+$0x9F30] =	vst v12;
	v12 =	vadd.f32 $-8.388608000e+06, v1  }
0x80: {  	v8 =	vmul.f32 $3.921568860e-03, v10;
	v1 =	vld [tilespmem:s16+$0xFFFFFF50];
	v4 =	vmax.f32 v17, $0.0e+00;
	[tilespmem:s6+$0x9F40] =	vst v11;
	v17 =	vadd.f32 $-8.388608000e+06, v0  }
0x81: {  	v0 =	vmax.f32 v15, $0.0e+00;
	v10 =	vld [tilespmem:s16+$0xFFFFFF60];
	v4 =	vmin.f32 v4, $1.000000000e+00;
	[tilespmem:s6+$0x9F50] =	vst v6;
	v6 =	vmul.f32 $3.921568860e-03, v7  }
0x82: {  	v0 =	vmin.f32 v0, $1.000000000e+00;
	v7 =	vmax.f32 v16, $0.0e+00;
	v11 =	vld [tilespmem:s16+$0xFFFFFF70];
	v4 =	vmul.f32 $2.550000000e+02, v4;
	[tilespmem:s6+$0x9F60] =	vst v8  }
0x83: {  	v0 =	vmul.f32 $2.550000000e+02, v0;
	v7 =	vmin.f32 v7, $1.000000000e+00;
	v8 =	vmax.f32 v14, $0.0e+00;
	v14 =	vld [tilespmem:s16+$0xFFFFFF80];
	[tilespmem:s6+$0x9F70] =	vst v6  }
0x84: {  	v6 =	vmin.f32 v8, $1.000000000e+00;
	v3 =	vmax.f32 v3, $0.0e+00;
	v8 =	vld [tilespmem:s16+$0xFFFFFF90];
	v4 =	vadd.f32 $8.388608000e+06, v4  }
0x85: {  	v7 =	vmul.f32 $2.550000000e+02, v7;
	v3 =	vmin.f32 v3, $1.000000000e+00;
	v1 =	vmax.f32 v1, $0.0e+00;
	v15 =	vld [tilespmem:s16+$0xFFFFFFA0]  }
0x86: {  	v1 =	vmin.f32 v1, $1.000000000e+00;
	v10 =	vmax.f32 v10, $0.0e+00;
	v16 =	vld [tilespmem:s16+$0xFFFFFFB0];
	v4 =	vadd.f32 $-8.388608000e+06, v4  }
0x87: {  	v6 =	vmul.f32 $2.550000000e+02, v6;
	v10 =	vmin.f32 v10, $1.000000000e+00;
	v11 =	vmax.f32 v11, $0.0e+00;
	v20 =	vld [tilespmem:s16+$0xFFFFFFC0]  }
0x88: {  	v11 =	vmin.f32 v11, $1.000000000e+00;
	v14 =	vmax.f32 v14, $0.0e+00;
	v21 =	vld [tilespmem:s16+$0xFFFFFFD0];
	v4 =	vmul.f32 $3.921568860e-03, v4  }
0x89: {  	v3 =	vmul.f32 $2.550000000e+02, v3;
	v14 =	vmin.f32 v14, $1.000000000e+00;
	v8 =	vmax.f32 v8, $0.0e+00;
	v22 =	vld [tilespmem:s16+$0xFFFFFFE0]  }
0x8a: {  	v1 =	vmul.f32 $2.550000000e+02, v1;
	v8 =	vmin.f32 v8, $1.000000000e+00;
	v15 =	vmax.f32 v15, $0.0e+00;
	v23 =	vld [tilespmem:s16+$0xFFFFFFF0];
	[tilespmem:s16+$0xA000] =	vst v4  }
0x8b: {  	v4 =	vmul.f32 $2.550000000e+02, v10;
	v10 =	vmin.f32 v15, $1.000000000e+00;
	v15 =	vmax.f32 v16, $0.0e+00  }
0x8c: {  	v11 =	vmul.f32 $2.550000000e+02, v11;
	v15 =	vmin.f32 v15, $1.000000000e+00;
	v16 =	vmax.f32 v20, $0.0e+00  }
0x8d: {  	v14 =	vmul.f32 $2.550000000e+02, v14;
	v16 =	vmin.f32 v16, $1.000000000e+00;
	v20 =	vmax.f32 v21, $0.0e+00  }
0x8e: {  	v21 =	vmul.f32 $2.550000000e+02, v8;
	v8 =	vmin.f32 v20, $1.000000000e+00;
	v20 =	vmax.f32 v22, $0.0e+00  }
0x8f: {  	v22 =	vmul.f32 $2.550000000e+02, v10;
	v10 =	vmin.f32 v20, $1.000000000e+00;
	v20 =	vmax.f32 v23, $0.0e+00  }
0x90: {  	v15 =	vmul.f32 $2.550000000e+02, v15;
	v16 =	vmul.f32 $2.550000000e+02, v16;
	v20 =	vmin.f32 v20, $1.000000000e+00  }
0x91: {  	v23 =	vadd.f32 $8.388608000e+06, v0;
	v0 =	vmul.f32 $2.550000000e+02, v8;
	v24 =	vmul.f32 $2.550000000e+02, v10  }
0x92: {  	v25 =	vadd.f32 $8.388608000e+06, v7;
	v26 =	vadd.f32 $8.388608000e+06, v6;
	v20 =	vmul.f32 $2.550000000e+02, v20  }
0x93: {  	v27 =	vadd.f32 $8.388608000e+06, v3;
	v8 =	vadd.f32 $8.388608000e+06, v1;
	v1 =	vmul.f32 $3.921568860e-03, v9  }
0x94: {  	v7 =	vadd.f32 $8.388608000e+06, v11;
	v10 =	vadd.f32 $8.388608000e+06, v4;
	v4 =	vmul.f32 $3.921568860e-03, v2  }
0x95: {  	v11 =	vmul.f32 $3.921568860e-03, v5;
	v9 =	vadd.f32 $8.388608000e+06, v14;
	v2 =	vadd.f32 $8.388608000e+06, v21;
	[tilespmem:s6+$0x9F80] =	vst v1  }
.Ltmp4:
0x96: {  	v13 =	vmul.f32 $3.921568860e-03, v13;
	v3 =	vadd.f32 $8.388608000e+06, v15;
	v5 =	vadd.f32 $8.388608000e+06, v22;
	[tilespmem:s6+$0x9F90] =	vst v4;
	(pc) =	sbr.rel @p2 .LBB2_3-.Ltmp4, $4  }
0x97: {  	v6 =	vadd.f32 $8.388608000e+06, v16;
	v1 =	vadd.f32 $8.388608000e+06, v0;
	[tilespmem:s6+$0x9FA0] =	vst v11;
	v11 =	vmul.f32 $3.921568860e-03, v18  }
0x98: {  	v16 =	vmul.f32 $3.921568860e-03, v12;
	v0 =	vadd.f32 $8.388608000e+06, v20;
	v4 =	vadd.f32 $8.388608000e+06, v24;
	[tilespmem:s6+$0x9FB0] =	vst v13  }
0x99: {  	v15 =	vmul.f32 $3.921568860e-03, v19;
	v14 =	vadd.f32 $-8.388608000e+06, v23;
	v13 =	vadd.f32 $-8.388608000e+06, v25;
	[tilespmem:s6+$0x9FC0] =	vst v11  }
0x9a: {  	s7 =	sshra.s32 s8, $0x2;
	s8 =	sadd.s32 $0x400, s8;
	v12 =	vadd.f32 $-8.388608000e+06, v26;
	v11 =	vadd.f32 $-8.388608000e+06, v27;
	[tilespmem:s6+$0x9FD0] =	vst v16;
	v16 =	vmul.f32 $3.921568860e-03, v17  }
0x9b: {  	v17 =	vld [tilespmem:s7+$0x0];
	[tilespmem:s6+$0x9FE0] =	vst v15;
	v14 =	vmul.f32 $3.921568860e-03, v14;
	v8 =	vadd.f32 $-8.388608000e+06, v8  }
0x9c: {  	v13 =	vmul.f32 $3.921568860e-03, v13;
	v10 =	vadd.f32 $-8.388608000e+06, v10;
	v7 =	vadd.f32 $-8.388608000e+06, v7;
	v15 =	vld [tilespmem:s7+$0xFFFFFF10];
	[tilespmem:s6+$0x9FF0] =	vst v16  }
0x9d: {  	v9 =	vadd.f32 $-8.388608000e+06, v9;
	v2 =	vadd.f32 $-8.388608000e+06, v2;
	v12 =	vmul.f32 $3.921568860e-03, v12;
	v16 =	vld [tilespmem:s7+$0xFFFFFF20];
	[tilespmem:s16+$0x9F10] =	vst v14  }
0x9e: {  	v5 =	vadd.f32 $-8.388608000e+06, v5;
	v3 =	vadd.f32 $-8.388608000e+06, v3;
	v11 =	vmul.f32 $3.921568860e-03, v11;
	v14 =	vld [tilespmem:s7+$0xFFFFFF30];
	[tilespmem:s16+$0x9F20] =	vst v13  }
0x9f: {  	v6 =	vadd.f32 $-8.388608000e+06, v6;
	v1 =	vadd.f32 $-8.388608000e+06, v1;
	v8 =	vmul.f32 $3.921568860e-03, v8;
	v13 =	vld [tilespmem:s7+$0xFFFFFF40];
	[tilespmem:s16+$0x9F30] =	vst v12  }
0xa0: {  	v4 =	vadd.f32 $-8.388608000e+06, v4;
	v10 =	vmul.f32 $3.921568860e-03, v10;
	v7 =	vmul.f32 $3.921568860e-03, v7;
	v12 =	vld [tilespmem:s7+$0xFFFFFF50];
	[tilespmem:s16+$0x9F40] =	vst v11  }
0xa1: {  	v0 =	vadd.f32 $-8.388608000e+06, v0;
	v9 =	vmul.f32 $3.921568860e-03, v9;
	v2 =	vmul.f32 $3.921568860e-03, v2;
	v11 =	vld [tilespmem:s7+$0xFFFFFF60];
	[tilespmem:s16+$0x9F50] =	vst v8  }
0xa2: {  	v5 =	vmul.f32 $3.921568860e-03, v5;
	v8 =	vmax.f32 v17, $0.0e+00;
	v15 =	vmax.f32 v15, $0.0e+00;
	v17 =	vld [tilespmem:s7+$0xFFFFFF70];
	[tilespmem:s16+$0x9F60] =	vst v10  }
0xa3: {  	v1 =	vmul.f32 $3.921568860e-03, v1;
	v10 =	vmin.f32 v15, $1.000000000e+00;
	v15 =	vmax.f32 v16, $0.0e+00;
	v16 =	vld [tilespmem:s7+$0xFFFFFF80];
	[tilespmem:s16+$0x9F70] =	vst v7  }
0xa4: {  	v4 =	vmul.f32 $3.921568860e-03, v4;
	v8 =	vmin.f32 v8, $1.000000000e+00;
	v7 =	vmin.f32 v15, $1.000000000e+00;
	v15 =	vld [tilespmem:s7+$0xFFFFFF90]  }
0xa5: {  	v0 =	vmul.f32 $3.921568860e-03, v0;
	v8 =	vmul.f32 $2.550000000e+02, v8;
	v14 =	vmax.f32 v14, $0.0e+00;
	v18 =	vld [tilespmem:s7+$0xFFFFFFA0]  }
0xa6: {  	v10 =	vmul.f32 $2.550000000e+02, v10;
	v14 =	vmin.f32 v14, $1.000000000e+00;
	v13 =	vmax.f32 v13, $0.0e+00;
	v19 =	vld [tilespmem:s7+$0xFFFFFFB0]  }
0xa7: {  	v7 =	vmul.f32 $2.550000000e+02, v7;
	v20 =	vld [tilespmem:s7+$0xFFFFFFC0];
	v8 =	vadd.f32 $8.388608000e+06, v8;
	v12 =	vmax.f32 v12, $0.0e+00  }
0xa8: {  	v21 =	vld [tilespmem:s7+$0xFFFFFFD0];
	v13 =	vmin.f32 v13, $1.000000000e+00;
	v14 =	vmul.f32 $2.550000000e+02, v14;
	v12 =	vmin.f32 v12, $1.000000000e+00  }
0xa9: {  	v22 =	vld [tilespmem:s7+$0xFFFFFFE0];
	v11 =	vmax.f32 v11, $0.0e+00;
	v13 =	vmul.f32 $2.550000000e+02, v13;
	v8 =	vadd.f32 $-8.388608000e+06, v8  }
0xaa: {  	v23 =	vld [tilespmem:s7+$0xFFFFFFF0];
	v17 =	vmax.f32 v17, $0.0e+00;
	v11 =	vmin.f32 v11, $1.000000000e+00;
	v12 =	vmul.f32 $2.550000000e+02, v12  }
0xab: {  	v17 =	vmin.f32 v17, $1.000000000e+00;
	v16 =	vmax.f32 v16, $0.0e+00;
	v11 =	vmul.f32 $2.550000000e+02, v11  }
0xac: {  	v8 =	vmul.f32 $3.921568860e-03, v8;
	v15 =	vmax.f32 v15, $0.0e+00;
	v16 =	vmin.f32 v16, $1.000000000e+00  }
0xad: {  	v18 =	vmax.f32 v18, $0.0e+00;
	v19 =	vmax.f32 v19, $0.0e+00;
	v17 =	vmul.f32 $2.550000000e+02, v17  }
0xae: {  	v20 =	vmax.f32 v20, $0.0e+00;
	v21 =	vmax.f32 v21, $0.0e+00;
	v22 =	vmax.f32 v22, $0.0e+00  }
0xaf: {  	v57 =	vmax.f32 v23, $0.0e+00;
	v15 =	vmin.f32 v15, $1.000000000e+00;
	v18 =	vmin.f32 v18, $1.000000000e+00  }
0xb0: {  	v19 =	vmin.f32 v19, $1.000000000e+00;
	v16 =	vmul.f32 $2.550000000e+02, v16;
	v20 =	vmin.f32 v20, $1.000000000e+00;
	[tilespmem:s7+$0xA000] =	vst v8  }
0xb1: {  	v21 =	vmin.f32 v21, $1.000000000e+00;
	v15 =	vmul.f32 $2.550000000e+02, v15;
	v18 =	vmul.f32 $2.550000000e+02, v18;
	[tilespmem:s16+$0x9F80] =	vst v9  }
0xb2: {  	v8 =	vmin.f32 v22, $1.000000000e+00;
	v19 =	vmul.f32 $2.550000000e+02, v19;
	v20 =	vmul.f32 $2.550000000e+02, v20;
	[tilespmem:s16+$0x9F90] =	vst v2  }
0xb3: {  	v21 =	vmul.f32 $2.550000000e+02, v21;
	v2 =	vmul.f32 $3.921568860e-03, v3;
	v3 =	vadd.f32 $8.388608000e+06, v10;
	[tilespmem:s16+$0x9FA0] =	vst v5  }
0xb4: {  	v5 =	vmul.f32 $3.921568860e-03, v6;
	v6 =	vadd.f32 $8.388608000e+06, v7;
	v7 =	vadd.f32 $8.388608000e+06, v14;
	[tilespmem:s16+$0x9FD0] =	vst v1  }
0xb5: {  	v9 =	vmin.f32 v57, $1.000000000e+00;
	v1 =	vadd.f32 $8.388608000e+06, v12;
	[tilespmem:s16+$0x9FE0] =	vst v4;
	v3 =	vadd.f32 $-8.388608000e+06, v3  }
0xb6: {  	v8 =	vmul.f32 $2.550000000e+02, v8;
	v4 =	vadd.f32 $8.388608000e+06, v11;
	[tilespmem:s16+$0x9FF0] =	vst v0;
	v6 =	vadd.f32 $-8.388608000e+06, v6  }
0xb7: {  	[tilespmem:s16+$0x9FC0] =	vst v5;
	v5 =	vadd.f32 $8.388608000e+06, v13;
	v1 =	vadd.f32 $-8.388608000e+06, v1;
	v3 =	vmul.f32 $3.921568860e-03, v3  }
0xb8: {  	[tilespmem:s16+$0x9FB0] =	vst v2;
	v7 =	vadd.f32 $-8.388608000e+06, v7;
	v4 =	vadd.f32 $-8.388608000e+06, v4;
	v6 =	vmul.f32 $3.921568860e-03, v6  }
0xb9: {  	v0 =	vadd.f32 $8.388608000e+06, v17;
	v5 =	vadd.f32 $-8.388608000e+06, v5;
	v1 =	vmul.f32 $3.921568860e-03, v1;
	[tilespmem:s7+$0x9F10] =	vst v3  }
0xba: {  	v4 =	vmul.f32 $3.921568860e-03, v4;
	v3 =	vmul.f32 $3.921568860e-03, v7;
	v7 =	vadd.f32 $8.388608000e+06, v16;
	[tilespmem:s7+$0x9F20] =	vst v6  }
0xbb: {  	v0 =	vadd.f32 $-8.388608000e+06, v0;
	v5 =	vmul.f32 $3.921568860e-03, v5;
	v6 =	vadd.f32 $8.388608000e+06, v15;
	[tilespmem:s7+$0x9F50] =	vst v1  }
0xbc: {  	v2 =	vmul.f32 $2.550000000e+02, v9;
	v1 =	vadd.f32 $8.388608000e+06, v20;
	[tilespmem:s7+$0x9F60] =	vst v4;
	v7 =	vadd.f32 $-8.388608000e+06, v7  }
0xbd: {  	v0 =	vmul.f32 $3.921568860e-03, v0;
	[tilespmem:s7+$0x9F40] =	vst v5;
	v5 =	vadd.f32 $8.388608000e+06, v19;
	v6 =	vadd.f32 $-8.388608000e+06, v6  }
0xbe: {  	[tilespmem:s7+$0x9F30] =	vst v3;
	v3 =	vadd.f32 $8.388608000e+06, v18;
	v1 =	vadd.f32 $-8.388608000e+06, v1;
	v4 =	vmul.f32 $3.921568860e-03, v7  }
0xbf: {  	[tilespmem:s7+$0x9F70] =	vst v0;
	v7 =	vadd.f32 $8.388608000e+06, v21;
	v5 =	vadd.f32 $-8.388608000e+06, v5;
	v0 =	vmul.f32 $3.921568860e-03, v6  }
0xc0: {  	v3 =	vadd.f32 $-8.388608000e+06, v3;
	v6 =	vadd.f32 $8.388608000e+06, v8;
	v1 =	vmul.f32 $3.921568860e-03, v1;
	[tilespmem:s7+$0x9F80] =	vst v4  }
0xc1: {  	v2 =	vadd.f32 $8.388608000e+06, v2;
	v4 =	vadd.f32 $-8.388608000e+06, v7;
	[tilespmem:s7+$0x9F90] =	vst v0;
	v0 =	vmul.f32 $3.921568860e-03, v5  }
0xc2: {  	v3 =	vmul.f32 $3.921568860e-03, v3;
	v5 =	vadd.f32 $-8.388608000e+06, v6;
	[tilespmem:s7+$0x9FC0] =	vst v1  }
0xc3: {  	v2 =	vadd.f32 $-8.388608000e+06, v2;
	[tilespmem:s7+$0x9FB0] =	vst v0;
	v0 =	vmul.f32 $3.921568860e-03, v4  }
0xc4: {  	[tilespmem:s7+$0x9FA0] =	vst v3;
	v1 =	vmul.f32 $3.921568860e-03, v5  }
0xc5: {  	s15 =	smul.u32 $0x500, s15;
	s6 =	sadd.s32 s9, s0;
	[tilespmem:s7+$0x9FD0] =	vst v0;
	v0 =	vmul.f32 $3.921568860e-03, v2  }
0xc6: {  	p2 =	sgt.u32 s6, $0x4E1;
	[tilespmem:s7+$0x9FE0] =	vst v1  }
0xc7: {  	s6 =	smul.u32 @!p2 $0x500, s6;
	s16 =	sadd.s32 s3, s15;
	[tilespmem:s7+$0x9FF0] =	vst v0  }
0xc8: {  	[hbm4b:s16+s5] =	stream.linear.scatter [tilespmem:s18], [sflag:$0x5], $0x2800, $0x38;
	[tilespmem:$0x14000] =	vst v63  }
0xc9: {  	s6 =	sadd.s32 @!p2 s2, s6;
	s7 =	simm.s32 @!p2 $0x0  }
0xca: {  	[tilespmem:s7], [sflag:$0x1] =	stream.linear.gather @!p2 [hbm4b:s6+s7], $0x2800, $0x38;
	[tilespmem:$0x14000] =	vst v63  }
0xcb: {  	_ =	swait.ge [sflag:s19], $0x2800  }
0xcc: {  	[sflag:s19] =	ssyncset.done $0x0  }
0xcd: {  	s6 =	simm.s32 @!p0 $0x6;
	[sflag:s19] =	ssyncadd.s32 $0xFFFFD800  }
0xce: {  	_ =	swait.ge @!p0 [sflag:s6], $0x2800  }
0xcf: {  	[sflag:s6] =	ssyncset.done @!p0 $0x0  }
0xd0: {  	[sflag:s6] =	ssyncadd.s32 @!p0 $0xFFFFD800;
	s6 =	simm.s32 $0xF0  }
0xd1: {  	v0 =	vld [tilespmem:s6+$0x2800]  }
0xd2: {  	v1 =	vld [tilespmem:s6+$0x2710]  }
0xd3: {  	v2 =	vld [tilespmem:s6+$0x2720]  }
0xd4: {  	v3 =	vld [tilespmem:s6+$0x2730]  }
0xd5: {  	v4 =	vld [tilespmem:s6+$0x2740]  }
0xd6: {  	v5 =	vld [tilespmem:s6+$0x2750]  }
0xd7: {  	v6 =	vld [tilespmem:s6+$0x2760]  }
0xd8: {  	v7 =	vld [tilespmem:s6+$0x2770]  }
0xd9: {  	v8 =	vld [tilespmem:s6+$0x2780]  }
0xda: {  	v9 =	vld [tilespmem:s6+$0x2790]  }
0xdb: {  	v10 =	vld [tilespmem:s6+$0x27A0]  }
0xdc: {  	v11 =	vld [tilespmem:s6+$0x27B0]  }
0xdd: {  	v12 =	vld [tilespmem:s6+$0x27C0]  }
0xde: {  	v13 =	vld [tilespmem:s6+$0x27D0]  }
0xdf: {  	v14 =	vld [tilespmem:s6+$0x27E0]  }
0xe0: {  	v15 =	vld [tilespmem:s6+$0x27F0];
	v0 =	vmax.f32 v0, $0.0e+00;
	v1 =	vmax.f32 v1, $0.0e+00  }
0xe1: {  	v2 =	vmax.f32 v2, $0.0e+00;
	v3 =	vmax.f32 v3, $0.0e+00;
	v4 =	vmax.f32 v4, $0.0e+00  }
0xe2: {  	v5 =	vmax.f32 v5, $0.0e+00;
	v6 =	vmax.f32 v6, $0.0e+00;
	v7 =	vmax.f32 v7, $0.0e+00  }
0xe3: {  	v8 =	vmax.f32 v8, $0.0e+00;
	v9 =	vmax.f32 v9, $0.0e+00;
	v10 =	vmax.f32 v10, $0.0e+00  }
0xe4: {  	v11 =	vmax.f32 v11, $0.0e+00;
	v12 =	vmax.f32 v12, $0.0e+00;
	v13 =	vmax.f32 v13, $0.0e+00  }
0xe5: {  	v14 =	vmax.f32 v14, $0.0e+00;
	v15 =	vmax.f32 v15, $0.0e+00;
	v0 =	vmin.f32 v0, $1.000000000e+00  }
0xe6: {  	v1 =	vmin.f32 v1, $1.000000000e+00;
	v2 =	vmin.f32 v2, $1.000000000e+00;
	v3 =	vmin.f32 v3, $1.000000000e+00  }
0xe7: {  	v4 =	vmin.f32 v4, $1.000000000e+00;
	v5 =	vmin.f32 v5, $1.000000000e+00;
	v6 =	vmin.f32 v6, $1.000000000e+00  }
0xe8: {  	v7 =	vmin.f32 v7, $1.000000000e+00;
	v8 =	vmin.f32 v8, $1.000000000e+00;
	v9 =	vmin.f32 v9, $1.000000000e+00  }
0xe9: {  	v10 =	vmin.f32 v10, $1.000000000e+00;
	v11 =	vmin.f32 v11, $1.000000000e+00;
	v0 =	vmul.f32 $2.550000000e+02, v0  }
0xea: {  	v12 =	vmin.f32 v12, $1.000000000e+00;
	v1 =	vmul.f32 $2.550000000e+02, v1;
	v2 =	vmul.f32 $2.550000000e+02, v2  }
0xeb: {  	v13 =	vmin.f32 v13, $1.000000000e+00;
	v3 =	vmul.f32 $2.550000000e+02, v3;
	v4 =	vmul.f32 $2.550000000e+02, v4  }
0xec: {  	v14 =	vmin.f32 v14, $1.000000000e+00;
	v5 =	vmul.f32 $2.550000000e+02, v5;
	v6 =	vmul.f32 $2.550000000e+02, v6  }
0xed: {  	v7 =	vmul.f32 $2.550000000e+02, v7;
	v0 =	vadd.f32 $8.388608000e+06, v0;
	v1 =	vadd.f32 $8.388608000e+06, v1  }
0xee: {  	v8 =	vmul.f32 $2.550000000e+02, v8;
	v2 =	vadd.f32 $8.388608000e+06, v2;
	v3 =	vadd.f32 $8.388608000e+06, v3  }
0xef: {  	v9 =	vmul.f32 $2.550000000e+02, v9;
	v4 =	vadd.f32 $8.388608000e+06, v4;
	v5 =	vadd.f32 $8.388608000e+06, v5  }
0xf0: {  	v12 =	vmul.f32 $2.550000000e+02, v12;
	v6 =	vadd.f32 $8.388608000e+06, v6;
	v7 =	vadd.f32 $8.388608000e+06, v7  }
0xf1: {  	v10 =	vmul.f32 $2.550000000e+02, v10;
	v8 =	vadd.f32 $8.388608000e+06, v8;
	v0 =	vadd.f32 $-8.388608000e+06, v0  }
0xf2: {  	v11 =	vmul.f32 $2.550000000e+02, v11;
	v9 =	vadd.f32 $8.388608000e+06, v9;
	v12 =	vadd.f32 $8.388608000e+06, v12  }
0xf3: {  	v1 =	vadd.f32 $-8.388608000e+06, v1;
	v2 =	vadd.f32 $-8.388608000e+06, v2;
	v0 =	vmul.f32 $3.921568860e-03, v0  }
0xf4: {  	v13 =	vmul.f32 $2.550000000e+02, v13;
	v3 =	vadd.f32 $-8.388608000e+06, v3;
	v4 =	vadd.f32 $-8.388608000e+06, v4  }
0xf5: {  	s16 =	simm.s32 $0x1F0;
	v14 =	vmul.f32 $2.550000000e+02, v14;
	v5 =	vadd.f32 $-8.388608000e+06, v5;
	v18 =	vadd.f32 $-8.388608000e+06, v8;
	[tilespmem:s6+$0xC800] =	vst v0  }
0xf6: {  	v9 =	vadd.f32 $-8.388608000e+06, v9;
	v1 =	vmul.f32 $3.921568860e-03, v1;
	v0 =	vmin.f32 v15, $1.000000000e+00;
	v15 =	vld [tilespmem:s16+$0x2800]  }
0xf7: {  	v12 =	vadd.f32 $-8.388608000e+06, v12;
	v2 =	vmul.f32 $3.921568860e-03, v2;
	v3 =	vmul.f32 $3.921568860e-03, v3;
	v16 =	vld [tilespmem:s16+$0x2710]  }
0xf8: {  	v17 =	vld [tilespmem:s16+$0x2720];
	[tilespmem:s6+$0xC710] =	vst v1;
	v0 =	vmul.f32 $2.550000000e+02, v0;
	v1 =	vadd.f32 $8.388608000e+06, v10;
	v10 =	vadd.f32 $8.388608000e+06, v11  }
0xf9: {  	v11 =	vld [tilespmem:s16+$0x2730];
	[tilespmem:s6+$0xC720] =	vst v2;
	v2 =	vadd.f32 $8.388608000e+06, v13;
	v13 =	vadd.f32 $8.388608000e+06, v14  }
0xfa: {  	v4 =	vmul.f32 $3.921568860e-03, v4;
	v14 =	vld [tilespmem:s16+$0x2740];
	v0 =	vadd.f32 $8.388608000e+06, v0;
	[tilespmem:s6+$0xC730] =	vst v3;
	v3 =	vadd.f32 $-8.388608000e+06, v6  }
0xfb: {  	v5 =	vmul.f32 $3.921568860e-03, v5;
	v6 =	vadd.f32 $-8.388608000e+06, v7;
	v1 =	vadd.f32 $-8.388608000e+06, v1  }
0xfc: {  	v12 =	vmul.f32 $3.921568860e-03, v12;
	v7 =	vld [tilespmem:s16+$0x2750];
	[tilespmem:s6+$0xC740] =	vst v4;
	v4 =	vadd.f32 $-8.388608000e+06, v10;
	v19 =	vadd.f32 $-8.388608000e+06, v2  }
0xfd: {  	v58 =	vadd.f32 $-8.388608000e+06, v13;
	v2 =	vmul.f32 $3.921568860e-03, v3;
	v59 =	vadd.f32 $-8.388608000e+06, v0  }
0xfe: {  	v8 =	vld [tilespmem:s16+$0x2760];
	[tilespmem:s6+$0xC750] =	vst v5;
	v6 =	vmul.f32 $3.921568860e-03, v6;
	v3 =	vmax.f32 v15, $0.0e+00;
	v5 =	vmax.f32 v16, $0.0e+00  }
0xff: {  	v0 =	vld [tilespmem:s16+$0x2770];
	v3 =	vmin.f32 v3, $1.000000000e+00;
	[tilespmem:s6+$0xC760] =	vst v2;
	v2 =	vmin.f32 v5, $1.000000000e+00;
	v5 =	vmax.f32 v17, $0.0e+00  }
0x100: {  	v11 =	vmax.f32 v11, $0.0e+00;
	v3 =	vmul.f32 $2.550000000e+02, v3;
	v2 =	vmul.f32 $2.550000000e+02, v2  }
0x101: {  	v10 =	vld [tilespmem:s16+$0x2780];
	v5 =	vmin.f32 v5, $1.000000000e+00;
	[tilespmem:s6+$0xC770] =	vst v6;
	v6 =	vmin.f32 v11, $1.000000000e+00;
	v11 =	vmax.f32 v14, $0.0e+00  }
0x102: {  	v5 =	vmul.f32 $2.550000000e+02, v5;
	v11 =	vmin.f32 v11, $1.000000000e+00;
	v7 =	vmax.f32 v7, $0.0e+00  }
0x103: {  	v13 =	vld [tilespmem:s16+$0x2790];
	v6 =	vmul.f32 $2.550000000e+02, v6;
	v3 =	vadd.f32 $8.388608000e+06, v3;
	v8 =	vmax.f32 v8, $0.0e+00  }
0x104: {  	v14 =	vld [tilespmem:s16+$0x27A0];
	v7 =	vmin.f32 v7, $1.000000000e+00;
	v11 =	vmul.f32 $2.550000000e+02, v11;
	v8 =	vmin.f32 v8, $1.000000000e+00  }
0x105: {  	v15 =	vld [tilespmem:s16+$0x27B0];
	v0 =	vmax.f32 v0, $0.0e+00;
	v7 =	vmul.f32 $2.550000000e+02, v7;
	v26 =	vadd.f32 $8.388608000e+06, v5  }
0x106: {  	v16 =	vld [tilespmem:s16+$0x27C0];
	v27 =	vadd.f32 $8.388608000e+06, v6;
	v5 =	vmul.f32 $3.921568860e-03, v18;
	v3 =	vadd.f32 $-8.388608000e+06, v3  }
0x107: {  	v17 =	vld [tilespmem:s16+$0x27D0];
	v0 =	vmin.f32 v0, $1.000000000e+00;
	v24 =	vmul.f32 $2.550000000e+02, v8;
	v11 =	vadd.f32 $8.388608000e+06, v11  }
0x108: {  	v60 =	vld [tilespmem:s16+$0x27E0];
	v10 =	vmax.f32 v10, $0.0e+00;
	v0 =	vmul.f32 $2.550000000e+02, v0;
	v3 =	vmul.f32 $3.921568860e-03, v3  }
0x109: {  	v61 =	vld [tilespmem:s16+$0x27F0];
	v10 =	vmin.f32 v10, $1.000000000e+00;
	v13 =	vmax.f32 v13, $0.0e+00;
	v14 =	vmax.f32 v14, $0.0e+00  }
0x10a: {  	v11 =	vadd.f32 $-8.388608000e+06, v11;
	v13 =	vmin.f32 v13, $1.000000000e+00;
	v8 =	vmin.f32 v14, $1.000000000e+00  }
0x10b: {  	v14 =	vmax.f32 v15, $0.0e+00;
	v15 =	vmax.f32 v16, $0.0e+00;
	v16 =	vmul.f32 $2.550000000e+02, v10  }
0x10c: {  	v14 =	vmin.f32 v14, $1.000000000e+00;
	v10 =	vmin.f32 v15, $1.000000000e+00;
	v15 =	vmax.f32 v17, $0.0e+00  }
0x10d: {  	v13 =	vmul.f32 $2.550000000e+02, v13;
	v17 =	vmax.f32 v60, $0.0e+00;
	v62 =	vmul.f32 $2.550000000e+02, v8  }
0x10e: {  	[tilespmem:s16+$0xC800] =	vst v3;
	v15 =	vmin.f32 v15, $1.000000000e+00;
	v8 =	vmin.f32 v17, $1.000000000e+00;
	v17 =	vmax.f32 v61, $0.0e+00  }
0x10f: {  	v14 =	vmul.f32 $2.550000000e+02, v14;
	v63 =	vmul.f32 $2.550000000e+02, v10;
	[tilespmem:s6+$0xC7C0] =	vst v12;
	v12 =	vadd.f32 $-8.388608000e+06, v27  }
0x110: {  	v10 =	vmin.f32 v17, $1.000000000e+00;
	v17 =	vadd.f32 $8.388608000e+06, v2;
	v15 =	vmul.f32 $2.550000000e+02, v15  }
0x111: {  	v25 =	vmul.f32 $2.550000000e+02, v8;
	v8 =	vadd.f32 $8.388608000e+06, v7;
	v7 =	vadd.f32 $8.388608000e+06, v0  }
0x112: {  	v0 =	vmul.f32 $3.921568860e-03, v9;
	v9 =	vadd.f32 $8.388608000e+06, v16;
	v2 =	vadd.f32 $8.388608000e+06, v13  }
0x113: {  	[tilespmem:s6+$0xC780] =	vst v5;
	v13 =	vmul.f32 $3.921568860e-03, v1;
	v5 =	vadd.f32 $8.388608000e+06, v62;
	v28 =	vmul.f32 $2.550000000e+02, v10  }
0x114: {  	v10 =	vadd.f32 $8.388608000e+06, v24;
	v3 =	vadd.f32 $8.388608000e+06, v14;
	v14 =	vmul.f32 $3.921568860e-03, v4;
	[tilespmem:s6+$0xC790] =	vst v0  }
0x115: {  	v16 =	vmul.f32 $3.921568860e-03, v19;
	v6 =	vadd.f32 $8.388608000e+06, v63;
	v1 =	vadd.f32 $8.388608000e+06, v15;
	[tilespmem:s6+$0xC7A0] =	vst v13  }
0x116: {  	s8 =	simm.s32 $0xFC0;
	v4 =	vadd.f32 $8.388608000e+06, v25;
	v15 =	vmul.f32 $3.921568860e-03, v58;
	[tilespmem:s6+$0xC7B0] =	vst v14;
	v14 =	vadd.f32 $-8.388608000e+06, v17  }
0x117: {  	s7 =	simm.s32 $0x2F0;
	v13 =	vadd.f32 $-8.388608000e+06, v26;
	[tilespmem:s6+$0xC7D0] =	vst v16;
	v16 =	vmul.f32 $3.921568860e-03, v59;
	v0 =	vadd.f32 $8.388608000e+06, v28  }
.LBB2_5:
0x118: {  	p2 =	sne.s32 s8, $0x9FC0;
	v17 =	vld [tilespmem:s7+$0x2800];
	v14 =	vmul.f32 $3.921568860e-03, v14;
	v8 =	vadd.f32 $-8.388608000e+06, v8;
	v10 =	vadd.f32 $-8.388608000e+06, v10;
	[tilespmem:s6+$0xC7E0] =	vst v15  }
0x119: {  	v13 =	vmul.f32 $3.921568860e-03, v13;
	v7 =	vadd.f32 $-8.388608000e+06, v7;
	v9 =	vadd.f32 $-8.388608000e+06, v9;
	v15 =	vld [tilespmem:s7+$0x2710];
	[tilespmem:s6+$0xC7F0] =	vst v16;
	s6 =	smov.u32 s16;
	s16 =	smov.u32 s7  }
0x11a: {  	v2 =	vadd.f32 $-8.388608000e+06, v2;
	v5 =	vadd.f32 $-8.388608000e+06, v5;
	v12 =	vmul.f32 $3.921568860e-03, v12;
	v16 =	vld [tilespmem:s16+$0x2720];
	[tilespmem:s6+$0xC710] =	vst v14  }
0x11b: {  	v18 =	vadd.f32 $-8.388608000e+06, v6;
	v11 =	vmul.f32 $3.921568860e-03, v11;
	v14 =	vld [tilespmem:s16+$0x2730];
	[tilespmem:s6+$0xC720] =	vst v13;
	v13 =	vadd.f32 $-8.388608000e+06, v3  }
0x11c: {  	v19 =	vadd.f32 $-8.388608000e+06, v4;
	v6 =	vmul.f32 $3.921568860e-03, v8;
	v3 =	vld [tilespmem:s16+$0x2740];
	[tilespmem:s6+$0xC730] =	vst v12;
	v12 =	vadd.f32 $-8.388608000e+06, v1  }
0x11d: {  	v8 =	vmul.f32 $3.921568860e-03, v10;
	v1 =	vld [tilespmem:s16+$0x2750];
	v4 =	vmax.f32 v17, $0.0e+00;
	[tilespmem:s6+$0xC740] =	vst v11;
	v17 =	vadd.f32 $-8.388608000e+06, v0  }
0x11e: {  	v0 =	vmax.f32 v15, $0.0e+00;
	v10 =	vld [tilespmem:s16+$0x2760];
	v4 =	vmin.f32 v4, $1.000000000e+00;
	[tilespmem:s6+$0xC750] =	vst v6;
	v6 =	vmul.f32 $3.921568860e-03, v7  }
0x11f: {  	v0 =	vmin.f32 v0, $1.000000000e+00;
	v7 =	vmax.f32 v16, $0.0e+00;
	v11 =	vld [tilespmem:s16+$0x2770];
	v4 =	vmul.f32 $2.550000000e+02, v4;
	[tilespmem:s6+$0xC760] =	vst v8  }
0x120: {  	v0 =	vmul.f32 $2.550000000e+02, v0;
	v7 =	vmin.f32 v7, $1.000000000e+00;
	v8 =	vmax.f32 v14, $0.0e+00;
	v14 =	vld [tilespmem:s16+$0x2780];
	[tilespmem:s6+$0xC770] =	vst v6  }
0x121: {  	v6 =	vmin.f32 v8, $1.000000000e+00;
	v3 =	vmax.f32 v3, $0.0e+00;
	v8 =	vld [tilespmem:s16+$0x2790];
	v4 =	vadd.f32 $8.388608000e+06, v4  }
0x122: {  	v7 =	vmul.f32 $2.550000000e+02, v7;
	v3 =	vmin.f32 v3, $1.000000000e+00;
	v1 =	vmax.f32 v1, $0.0e+00;
	v15 =	vld [tilespmem:s16+$0x27A0]  }
0x123: {  	v1 =	vmin.f32 v1, $1.000000000e+00;
	v10 =	vmax.f32 v10, $0.0e+00;
	v16 =	vld [tilespmem:s16+$0x27B0];
	v4 =	vadd.f32 $-8.388608000e+06, v4  }
0x124: {  	v6 =	vmul.f32 $2.550000000e+02, v6;
	v10 =	vmin.f32 v10, $1.000000000e+00;
	v11 =	vmax.f32 v11, $0.0e+00;
	v20 =	vld [tilespmem:s16+$0x27C0]  }
0x125: {  	v11 =	vmin.f32 v11, $1.000000000e+00;
	v14 =	vmax.f32 v14, $0.0e+00;
	v21 =	vld [tilespmem:s16+$0x27D0];
	v4 =	vmul.f32 $3.921568860e-03, v4  }
0x126: {  	v3 =	vmul.f32 $2.550000000e+02, v3;
	v14 =	vmin.f32 v14, $1.000000000e+00;
	v8 =	vmax.f32 v8, $0.0e+00;
	v22 =	vld [tilespmem:s16+$0x27E0]  }
0x127: {  	v1 =	vmul.f32 $2.550000000e+02, v1;
	v8 =	vmin.f32 v8, $1.000000000e+00;
	v15 =	vmax.f32 v15, $0.0e+00;
	v23 =	vld [tilespmem:s16+$0x27F0];
	[tilespmem:s16+$0xC800] =	vst v4  }
0x128: {  	v4 =	vmul.f32 $2.550000000e+02, v10;
	v10 =	vmin.f32 v15, $1.000000000e+00;
	v15 =	vmax.f32 v16, $0.0e+00  }
0x129: {  	v11 =	vmul.f32 $2.550000000e+02, v11;
	v15 =	vmin.f32 v15, $1.000000000e+00;
	v16 =	vmax.f32 v20, $0.0e+00  }
0x12a: {  	v14 =	vmul.f32 $2.550000000e+02, v14;
	v16 =	vmin.f32 v16, $1.000000000e+00;
	v20 =	vmax.f32 v21, $0.0e+00  }
0x12b: {  	v21 =	vmul.f32 $2.550000000e+02, v8;
	v8 =	vmin.f32 v20, $1.000000000e+00;
	v20 =	vmax.f32 v22, $0.0e+00  }
0x12c: {  	v22 =	vmul.f32 $2.550000000e+02, v10;
	v10 =	vmin.f32 v20, $1.000000000e+00;
	v20 =	vmax.f32 v23, $0.0e+00  }
0x12d: {  	v15 =	vmul.f32 $2.550000000e+02, v15;
	v16 =	vmul.f32 $2.550000000e+02, v16;
	v20 =	vmin.f32 v20, $1.000000000e+00  }
0x12e: {  	v23 =	vadd.f32 $8.388608000e+06, v0;
	v0 =	vmul.f32 $2.550000000e+02, v8;
	v24 =	vmul.f32 $2.550000000e+02, v10  }
0x12f: {  	v25 =	vadd.f32 $8.388608000e+06, v7;
	v26 =	vadd.f32 $8.388608000e+06, v6;
	v20 =	vmul.f32 $2.550000000e+02, v20  }
0x130: {  	v27 =	vadd.f32 $8.388608000e+06, v3;
	v8 =	vadd.f32 $8.388608000e+06, v1;
	v1 =	vmul.f32 $3.921568860e-03, v9  }
0x131: {  	v7 =	vadd.f32 $8.388608000e+06, v11;
	v10 =	vadd.f32 $8.388608000e+06, v4;
	v4 =	vmul.f32 $3.921568860e-03, v2  }
0x132: {  	v11 =	vmul.f32 $3.921568860e-03, v5;
	v9 =	vadd.f32 $8.388608000e+06, v14;
	v2 =	vadd.f32 $8.388608000e+06, v21;
	[tilespmem:s6+$0xC780] =	vst v1  }
.Ltmp5:
0x133: {  	v13 =	vmul.f32 $3.921568860e-03, v13;
	v3 =	vadd.f32 $8.388608000e+06, v15;
	v5 =	vadd.f32 $8.388608000e+06, v22;
	[tilespmem:s6+$0xC790] =	vst v4;
	(pc) =	sbr.rel @p2 .LBB2_5-.Ltmp5, $4  }
0x134: {  	v6 =	vadd.f32 $8.388608000e+06, v16;
	v1 =	vadd.f32 $8.388608000e+06, v0;
	[tilespmem:s6+$0xC7A0] =	vst v11;
	v11 =	vmul.f32 $3.921568860e-03, v18  }
0x135: {  	v16 =	vmul.f32 $3.921568860e-03, v12;
	v0 =	vadd.f32 $8.388608000e+06, v20;
	v4 =	vadd.f32 $8.388608000e+06, v24;
	[tilespmem:s6+$0xC7B0] =	vst v13  }
0x136: {  	v15 =	vmul.f32 $3.921568860e-03, v19;
	v14 =	vadd.f32 $-8.388608000e+06, v23;
	v13 =	vadd.f32 $-8.388608000e+06, v25;
	[tilespmem:s6+$0xC7C0] =	vst v11  }
0x137: {  	s7 =	sshra.s32 s8, $0x2;
	s8 =	sadd.s32 $0x400, s8;
	v12 =	vadd.f32 $-8.388608000e+06, v26;
	v11 =	vadd.f32 $-8.388608000e+06, v27;
	[tilespmem:s6+$0xC7D0] =	vst v16;
	v16 =	vmul.f32 $3.921568860e-03, v17  }
0x138: {  	v17 =	vld [tilespmem:s7+$0x2800];
	[tilespmem:s6+$0xC7E0] =	vst v15;
	v14 =	vmul.f32 $3.921568860e-03, v14;
	v8 =	vadd.f32 $-8.388608000e+06, v8  }
0x139: {  	v13 =	vmul.f32 $3.921568860e-03, v13;
	v10 =	vadd.f32 $-8.388608000e+06, v10;
	v7 =	vadd.f32 $-8.388608000e+06, v7;
	v15 =	vld [tilespmem:s7+$0x2710];
	[tilespmem:s6+$0xC7F0] =	vst v16  }
0x13a: {  	v9 =	vadd.f32 $-8.388608000e+06, v9;
	v2 =	vadd.f32 $-8.388608000e+06, v2;
	v12 =	vmul.f32 $3.921568860e-03, v12;
	v16 =	vld [tilespmem:s7+$0x2720];
	[tilespmem:s16+$0xC710] =	vst v14  }
0x13b: {  	v5 =	vadd.f32 $-8.388608000e+06, v5;
	v3 =	vadd.f32 $-8.388608000e+06, v3;
	v11 =	vmul.f32 $3.921568860e-03, v11;
	v14 =	vld [tilespmem:s7+$0x2730];
	[tilespmem:s16+$0xC720] =	vst v13  }
0x13c: {  	v6 =	vadd.f32 $-8.388608000e+06, v6;
	v1 =	vadd.f32 $-8.388608000e+06, v1;
	v8 =	vmul.f32 $3.921568860e-03, v8;
	v13 =	vld [tilespmem:s7+$0x2740];
	[tilespmem:s16+$0xC730] =	vst v12  }
0x13d: {  	v4 =	vadd.f32 $-8.388608000e+06, v4;
	v10 =	vmul.f32 $3.921568860e-03, v10;
	v7 =	vmul.f32 $3.921568860e-03, v7;
	v12 =	vld [tilespmem:s7+$0x2750];
	[tilespmem:s16+$0xC740] =	vst v11  }
0x13e: {  	v0 =	vadd.f32 $-8.388608000e+06, v0;
	v9 =	vmul.f32 $3.921568860e-03, v9;
	v2 =	vmul.f32 $3.921568860e-03, v2;
	v11 =	vld [tilespmem:s7+$0x2760];
	[tilespmem:s16+$0xC750] =	vst v8  }
0x13f: {  	v5 =	vmul.f32 $3.921568860e-03, v5;
	v8 =	vmax.f32 v17, $0.0e+00;
	v15 =	vmax.f32 v15, $0.0e+00;
	v17 =	vld [tilespmem:s7+$0x2770];
	[tilespmem:s16+$0xC760] =	vst v10  }
0x140: {  	v1 =	vmul.f32 $3.921568860e-03, v1;
	v10 =	vmin.f32 v15, $1.000000000e+00;
	v15 =	vmax.f32 v16, $0.0e+00;
	v16 =	vld [tilespmem:s7+$0x2780];
	[tilespmem:s16+$0xC770] =	vst v7  }
0x141: {  	v4 =	vmul.f32 $3.921568860e-03, v4;
	v8 =	vmin.f32 v8, $1.000000000e+00;
	v7 =	vmin.f32 v15, $1.000000000e+00;
	v15 =	vld [tilespmem:s7+$0x2790]  }
0x142: {  	v0 =	vmul.f32 $3.921568860e-03, v0;
	v8 =	vmul.f32 $2.550000000e+02, v8;
	v14 =	vmax.f32 v14, $0.0e+00;
	v18 =	vld [tilespmem:s7+$0x27A0]  }
0x143: {  	v10 =	vmul.f32 $2.550000000e+02, v10;
	v14 =	vmin.f32 v14, $1.000000000e+00;
	v13 =	vmax.f32 v13, $0.0e+00;
	v19 =	vld [tilespmem:s7+$0x27B0]  }
0x144: {  	v7 =	vmul.f32 $2.550000000e+02, v7;
	v20 =	vld [tilespmem:s7+$0x27C0];
	v8 =	vadd.f32 $8.388608000e+06, v8;
	v12 =	vmax.f32 v12, $0.0e+00  }
0x145: {  	v21 =	vld [tilespmem:s7+$0x27D0];
	v13 =	vmin.f32 v13, $1.000000000e+00;
	v14 =	vmul.f32 $2.550000000e+02, v14;
	v12 =	vmin.f32 v12, $1.000000000e+00  }
0x146: {  	v22 =	vld [tilespmem:s7+$0x27E0];
	v11 =	vmax.f32 v11, $0.0e+00;
	v13 =	vmul.f32 $2.550000000e+02, v13;
	v8 =	vadd.f32 $-8.388608000e+06, v8  }
0x147: {  	v23 =	vld [tilespmem:s7+$0x27F0];
	v17 =	vmax.f32 v17, $0.0e+00;
	v11 =	vmin.f32 v11, $1.000000000e+00;
	v12 =	vmul.f32 $2.550000000e+02, v12  }
0x148: {  	v17 =	vmin.f32 v17, $1.000000000e+00;
	v16 =	vmax.f32 v16, $0.0e+00;
	v11 =	vmul.f32 $2.550000000e+02, v11  }
0x149: {  	v8 =	vmul.f32 $3.921568860e-03, v8;
	v15 =	vmax.f32 v15, $0.0e+00;
	v16 =	vmin.f32 v16, $1.000000000e+00  }
0x14a: {  	v18 =	vmax.f32 v18, $0.0e+00;
	v19 =	vmax.f32 v19, $0.0e+00;
	v17 =	vmul.f32 $2.550000000e+02, v17  }
0x14b: {  	v20 =	vmax.f32 v20, $0.0e+00;
	v21 =	vmax.f32 v21, $0.0e+00;
	v22 =	vmax.f32 v22, $0.0e+00  }
0x14c: {  	v57 =	vmax.f32 v23, $0.0e+00;
	v15 =	vmin.f32 v15, $1.000000000e+00;
	v18 =	vmin.f32 v18, $1.000000000e+00  }
0x14d: {  	v19 =	vmin.f32 v19, $1.000000000e+00;
	v16 =	vmul.f32 $2.550000000e+02, v16;
	v20 =	vmin.f32 v20, $1.000000000e+00;
	[tilespmem:s7+$0xC800] =	vst v8  }
0x14e: {  	v21 =	vmin.f32 v21, $1.000000000e+00;
	v15 =	vmul.f32 $2.550000000e+02, v15;
	v18 =	vmul.f32 $2.550000000e+02, v18;
	[tilespmem:s16+$0xC780] =	vst v9  }
0x14f: {  	v8 =	vmin.f32 v22, $1.000000000e+00;
	v19 =	vmul.f32 $2.550000000e+02, v19;
	v20 =	vmul.f32 $2.550000000e+02, v20;
	[tilespmem:s16+$0xC790] =	vst v2  }
0x150: {  	v21 =	vmul.f32 $2.550000000e+02, v21;
	v2 =	vmul.f32 $3.921568860e-03, v3;
	v3 =	vadd.f32 $8.388608000e+06, v10;
	[tilespmem:s16+$0xC7A0] =	vst v5  }
0x151: {  	v5 =	vmul.f32 $3.921568860e-03, v6;
	v6 =	vadd.f32 $8.388608000e+06, v7;
	v7 =	vadd.f32 $8.388608000e+06, v14;
	[tilespmem:s16+$0xC7D0] =	vst v1  }
0x152: {  	v9 =	vmin.f32 v57, $1.000000000e+00;
	v1 =	vadd.f32 $8.388608000e+06, v12;
	[tilespmem:s16+$0xC7E0] =	vst v4;
	v3 =	vadd.f32 $-8.388608000e+06, v3  }
0x153: {  	v8 =	vmul.f32 $2.550000000e+02, v8;
	v4 =	vadd.f32 $8.388608000e+06, v11;
	[tilespmem:s16+$0xC7F0] =	vst v0;
	v6 =	vadd.f32 $-8.388608000e+06, v6  }
0x154: {  	[tilespmem:s16+$0xC7C0] =	vst v5;
	v5 =	vadd.f32 $8.388608000e+06, v13;
	v1 =	vadd.f32 $-8.388608000e+06, v1;
	v3 =	vmul.f32 $3.921568860e-03, v3  }
0x155: {  	[tilespmem:s16+$0xC7B0] =	vst v2;
	v7 =	vadd.f32 $-8.388608000e+06, v7;
	v4 =	vadd.f32 $-8.388608000e+06, v4;
	v6 =	vmul.f32 $3.921568860e-03, v6  }
0x156: {  	v0 =	vadd.f32 $8.388608000e+06, v17;
	v5 =	vadd.f32 $-8.388608000e+06, v5;
	v1 =	vmul.f32 $3.921568860e-03, v1;
	[tilespmem:s7+$0xC710] =	vst v3  }
0x157: {  	v4 =	vmul.f32 $3.921568860e-03, v4;
	v3 =	vmul.f32 $3.921568860e-03, v7;
	v7 =	vadd.f32 $8.388608000e+06, v16;
	[tilespmem:s7+$0xC720] =	vst v6  }
0x158: {  	v0 =	vadd.f32 $-8.388608000e+06, v0;
	v5 =	vmul.f32 $3.921568860e-03, v5;
	v6 =	vadd.f32 $8.388608000e+06, v15;
	[tilespmem:s7+$0xC750] =	vst v1  }
0x159: {  	v2 =	vmul.f32 $2.550000000e+02, v9;
	v1 =	vadd.f32 $8.388608000e+06, v20;
	[tilespmem:s7+$0xC760] =	vst v4;
	v7 =	vadd.f32 $-8.388608000e+06, v7  }
0x15a: {  	v0 =	vmul.f32 $3.921568860e-03, v0;
	[tilespmem:s7+$0xC740] =	vst v5;
	v5 =	vadd.f32 $8.388608000e+06, v19;
	v6 =	vadd.f32 $-8.388608000e+06, v6  }
0x15b: {  	[tilespmem:s7+$0xC730] =	vst v3;
	v3 =	vadd.f32 $8.388608000e+06, v18;
	v1 =	vadd.f32 $-8.388608000e+06, v1;
	v4 =	vmul.f32 $3.921568860e-03, v7  }
0x15c: {  	[tilespmem:s7+$0xC770] =	vst v0;
	v7 =	vadd.f32 $8.388608000e+06, v21;
	v5 =	vadd.f32 $-8.388608000e+06, v5;
	v0 =	vmul.f32 $3.921568860e-03, v6  }
0x15d: {  	v3 =	vadd.f32 $-8.388608000e+06, v3;
	v6 =	vadd.f32 $8.388608000e+06, v8;
	v1 =	vmul.f32 $3.921568860e-03, v1;
	[tilespmem:s7+$0xC780] =	vst v4  }
0x15e: {  	v2 =	vadd.f32 $8.388608000e+06, v2;
	v4 =	vadd.f32 $-8.388608000e+06, v7;
	[tilespmem:s7+$0xC790] =	vst v0;
	v0 =	vmul.f32 $3.921568860e-03, v5  }
0x15f: {  	v3 =	vmul.f32 $3.921568860e-03, v3;
	v5 =	vadd.f32 $-8.388608000e+06, v6;
	[tilespmem:s7+$0xC7C0] =	vst v1  }
0x160: {  	v2 =	vadd.f32 $-8.388608000e+06, v2;
	[tilespmem:s7+$0xC7B0] =	vst v0;
	v0 =	vmul.f32 $3.921568860e-03, v4  }
0x161: {  	[tilespmem:s7+$0xC7A0] =	vst v3;
	v1 =	vmul.f32 $3.921568860e-03, v5  }
0x162: {  	s6 =	sadd.s32 s10, s0;
	[tilespmem:s7+$0xC7D0] =	vst v0;
	v0 =	vmul.f32 $3.921568860e-03, v2  }
0x163: {  	p2 =	sgt.u32 s6, $0x4E1;
	[tilespmem:s7+$0xC7E0] =	vst v1  }
0x164: {  	s6 =	smul.u32 @!p2 $0x500, s6;
	s16 =	sadd.s32 s13, s15;
	[tilespmem:s7+$0xC7F0] =	vst v0  }
0x165: {  	[hbm4b:s16+s5] =	stream.linear.scatter [tilespmem:s20], [sflag:$0x6], $0x2800, $0x38;
	[tilespmem:$0x14000] =	vst v63  }
0x166: {  	s8 =	simm.s32 @!p2 $0x2800;
	s6 =	sadd.s32 @!p2 s2, s6;
	s7 =	simm.s32 @!p2 $0x0  }
0x167: {  	[tilespmem:s8], [sflag:$0x2] =	stream.linear.gather @!p2 [hbm4b:s6+s7], $0x2800, $0x38;
	[tilespmem:$0x14000] =	vst v63  }
0x168: {  	_ =	swait.ge [sflag:s21], $0x2800  }
0x169: {  	[sflag:s21] =	ssyncset.done $0x0  }
0x16a: {  	s6 =	simm.s32 @!p0 $0x7;
	[sflag:s21] =	ssyncadd.s32 $0xFFFFD800  }
0x16b: {  	_ =	swait.ge @!p0 [sflag:s6], $0x2800  }
0x16c: {  	[sflag:s6] =	ssyncset.done @!p0 $0x0  }
0x16d: {  	[sflag:s6] =	ssyncadd.s32 @!p0 $0xFFFFD800;
	s6 =	simm.s32 $0xF0  }
0x16e: {  	v0 =	vld [tilespmem:s6+$0x5000]  }
0x16f: {  	v1 =	vld [tilespmem:s6+$0x4F10]  }
0x170: {  	v2 =	vld [tilespmem:s6+$0x4F20]  }
0x171: {  	v3 =	vld [tilespmem:s6+$0x4F30]  }
0x172: {  	v4 =	vld [tilespmem:s6+$0x4F40]  }
0x173: {  	v5 =	vld [tilespmem:s6+$0x4F50]  }
0x174: {  	v6 =	vld [tilespmem:s6+$0x4F60]  }
0x175: {  	v7 =	vld [tilespmem:s6+$0x4F70]  }
0x176: {  	v8 =	vld [tilespmem:s6+$0x4F80]  }
0x177: {  	v9 =	vld [tilespmem:s6+$0x4F90]  }
0x178: {  	v10 =	vld [tilespmem:s6+$0x4FA0]  }
0x179: {  	v11 =	vld [tilespmem:s6+$0x4FB0]  }
0x17a: {  	v12 =	vld [tilespmem:s6+$0x4FC0]  }
0x17b: {  	v13 =	vld [tilespmem:s6+$0x4FD0]  }
0x17c: {  	v14 =	vld [tilespmem:s6+$0x4FE0]  }
0x17d: {  	v15 =	vld [tilespmem:s6+$0x4FF0];
	v0 =	vmax.f32 v0, $0.0e+00;
	v1 =	vmax.f32 v1, $0.0e+00  }
0x17e: {  	v2 =	vmax.f32 v2, $0.0e+00;
	v3 =	vmax.f32 v3, $0.0e+00;
	v4 =	vmax.f32 v4, $0.0e+00  }
0x17f: {  	v5 =	vmax.f32 v5, $0.0e+00;
	v6 =	vmax.f32 v6, $0.0e+00;
	v7 =	vmax.f32 v7, $0.0e+00  }
0x180: {  	v8 =	vmax.f32 v8, $0.0e+00;
	v9 =	vmax.f32 v9, $0.0e+00;
	v10 =	vmax.f32 v10, $0.0e+00  }
0x181: {  	v11 =	vmax.f32 v11, $0.0e+00;
	v12 =	vmax.f32 v12, $0.0e+00;
	v13 =	vmax.f32 v13, $0.0e+00  }
0x182: {  	v14 =	vmax.f32 v14, $0.0e+00;
	v15 =	vmax.f32 v15, $0.0e+00;
	v0 =	vmin.f32 v0, $1.000000000e+00  }
0x183: {  	v1 =	vmin.f32 v1, $1.000000000e+00;
	v2 =	vmin.f32 v2, $1.000000000e+00;
	v3 =	vmin.f32 v3, $1.000000000e+00  }
0x184: {  	v4 =	vmin.f32 v4, $1.000000000e+00;
	v5 =	vmin.f32 v5, $1.000000000e+00;
	v6 =	vmin.f32 v6, $1.000000000e+00  }
0x185: {  	v7 =	vmin.f32 v7, $1.000000000e+00;
	v8 =	vmin.f32 v8, $1.000000000e+00;
	v9 =	vmin.f32 v9, $1.000000000e+00  }
0x186: {  	v10 =	vmin.f32 v10, $1.000000000e+00;
	v11 =	vmin.f32 v11, $1.000000000e+00;
	v0 =	vmul.f32 $2.550000000e+02, v0  }
0x187: {  	v12 =	vmin.f32 v12, $1.000000000e+00;
	v1 =	vmul.f32 $2.550000000e+02, v1;
	v2 =	vmul.f32 $2.550000000e+02, v2  }
0x188: {  	v13 =	vmin.f32 v13, $1.000000000e+00;
	v3 =	vmul.f32 $2.550000000e+02, v3;
	v4 =	vmul.f32 $2.550000000e+02, v4  }
0x189: {  	v14 =	vmin.f32 v14, $1.000000000e+00;
	v5 =	vmul.f32 $2.550000000e+02, v5;
	v6 =	vmul.f32 $2.550000000e+02, v6  }
0x18a: {  	v7 =	vmul.f32 $2.550000000e+02, v7;
	v0 =	vadd.f32 $8.388608000e+06, v0;
	v1 =	vadd.f32 $8.388608000e+06, v1  }
0x18b: {  	v8 =	vmul.f32 $2.550000000e+02, v8;
	v2 =	vadd.f32 $8.388608000e+06, v2;
	v3 =	vadd.f32 $8.388608000e+06, v3  }
0x18c: {  	v9 =	vmul.f32 $2.550000000e+02, v9;
	v4 =	vadd.f32 $8.388608000e+06, v4;
	v5 =	vadd.f32 $8.388608000e+06, v5  }
0x18d: {  	v12 =	vmul.f32 $2.550000000e+02, v12;
	v6 =	vadd.f32 $8.388608000e+06, v6;
	v7 =	vadd.f32 $8.388608000e+06, v7  }
0x18e: {  	v10 =	vmul.f32 $2.550000000e+02, v10;
	v8 =	vadd.f32 $8.388608000e+06, v8;
	v0 =	vadd.f32 $-8.388608000e+06, v0  }
0x18f: {  	v11 =	vmul.f32 $2.550000000e+02, v11;
	v9 =	vadd.f32 $8.388608000e+06, v9;
	v12 =	vadd.f32 $8.388608000e+06, v12  }
0x190: {  	v1 =	vadd.f32 $-8.388608000e+06, v1;
	v2 =	vadd.f32 $-8.388608000e+06, v2;
	v0 =	vmul.f32 $3.921568860e-03, v0  }
0x191: {  	v13 =	vmul.f32 $2.550000000e+02, v13;
	v3 =	vadd.f32 $-8.388608000e+06, v3;
	v4 =	vadd.f32 $-8.388608000e+06, v4  }
0x192: {  	s16 =	simm.s32 $0x1F0;
	v14 =	vmul.f32 $2.550000000e+02, v14;
	v5 =	vadd.f32 $-8.388608000e+06, v5;
	v18 =	vadd.f32 $-8.388608000e+06, v8;
	[tilespmem:s6+$0xF000] =	vst v0  }
0x193: {  	v9 =	vadd.f32 $-8.388608000e+06, v9;
	v1 =	vmul.f32 $3.921568860e-03, v1;
	v0 =	vmin.f32 v15, $1.000000000e+00;
	v15 =	vld [tilespmem:s16+$0x5000]  }
0x194: {  	v12 =	vadd.f32 $-8.388608000e+06, v12;
	v2 =	vmul.f32 $3.921568860e-03, v2;
	v3 =	vmul.f32 $3.921568860e-03, v3;
	v16 =	vld [tilespmem:s16+$0x4F10]  }
0x195: {  	v17 =	vld [tilespmem:s16+$0x4F20];
	[tilespmem:s6+$0xEF10] =	vst v1;
	v0 =	vmul.f32 $2.550000000e+02, v0;
	v1 =	vadd.f32 $8.388608000e+06, v10;
	v10 =	vadd.f32 $8.388608000e+06, v11  }
0x196: {  	v11 =	vld [tilespmem:s16+$0x4F30];
	[tilespmem:s6+$0xEF20] =	vst v2;
	v2 =	vadd.f32 $8.388608000e+06, v13;
	v13 =	vadd.f32 $8.388608000e+06, v14  }
0x197: {  	v4 =	vmul.f32 $3.921568860e-03, v4;
	v14 =	vld [tilespmem:s16+$0x4F40];
	v0 =	vadd.f32 $8.388608000e+06, v0;
	[tilespmem:s6+$0xEF30] =	vst v3;
	v3 =	vadd.f32 $-8.388608000e+06, v6  }
0x198: {  	v5 =	vmul.f32 $3.921568860e-03, v5;
	v6 =	vadd.f32 $-8.388608000e+06, v7;
	v1 =	vadd.f32 $-8.388608000e+06, v1  }
0x199: {  	v12 =	vmul.f32 $3.921568860e-03, v12;
	v7 =	vld [tilespmem:s16+$0x4F50];
	[tilespmem:s6+$0xEF40] =	vst v4;
	v4 =	vadd.f32 $-8.388608000e+06, v10;
	v19 =	vadd.f32 $-8.388608000e+06, v2  }
0x19a: {  	v58 =	vadd.f32 $-8.388608000e+06, v13;
	v2 =	vmul.f32 $3.921568860e-03, v3;
	v59 =	vadd.f32 $-8.388608000e+06, v0  }
0x19b: {  	v8 =	vld [tilespmem:s16+$0x4F60];
	[tilespmem:s6+$0xEF50] =	vst v5;
	v6 =	vmul.f32 $3.921568860e-03, v6;
	v3 =	vmax.f32 v15, $0.0e+00;
	v5 =	vmax.f32 v16, $0.0e+00  }
0x19c: {  	v0 =	vld [tilespmem:s16+$0x4F70];
	v3 =	vmin.f32 v3, $1.000000000e+00;
	[tilespmem:s6+$0xEF60] =	vst v2;
	v2 =	vmin.f32 v5, $1.000000000e+00;
	v5 =	vmax.f32 v17, $0.0e+00  }
0x19d: {  	v11 =	vmax.f32 v11, $0.0e+00;
	v3 =	vmul.f32 $2.550000000e+02, v3;
	v2 =	vmul.f32 $2.550000000e+02, v2  }
0x19e: {  	v10 =	vld [tilespmem:s16+$0x4F80];
	v5 =	vmin.f32 v5, $1.000000000e+00;
	[tilespmem:s6+$0xEF70] =	vst v6;
	v6 =	vmin.f32 v11, $1.000000000e+00;
	v11 =	vmax.f32 v14, $0.0e+00  }
0x19f: {  	v5 =	vmul.f32 $2.550000000e+02, v5;
	v11 =	vmin.f32 v11, $1.000000000e+00;
	v7 =	vmax.f32 v7, $0.0e+00  }
0x1a0: {  	v13 =	vld [tilespmem:s16+$0x4F90];
	v6 =	vmul.f32 $2.550000000e+02, v6;
	v3 =	vadd.f32 $8.388608000e+06, v3;
	v8 =	vmax.f32 v8, $0.0e+00  }
0x1a1: {  	v14 =	vld [tilespmem:s16+$0x4FA0];
	v7 =	vmin.f32 v7, $1.000000000e+00;
	v11 =	vmul.f32 $2.550000000e+02, v11;
	v8 =	vmin.f32 v8, $1.000000000e+00  }
0x1a2: {  	v15 =	vld [tilespmem:s16+$0x4FB0];
	v0 =	vmax.f32 v0, $0.0e+00;
	v7 =	vmul.f32 $2.550000000e+02, v7;
	v26 =	vadd.f32 $8.388608000e+06, v5  }
0x1a3: {  	v16 =	vld [tilespmem:s16+$0x4FC0];
	v27 =	vadd.f32 $8.388608000e+06, v6;
	v5 =	vmul.f32 $3.921568860e-03, v18;
	v3 =	vadd.f32 $-8.388608000e+06, v3  }
0x1a4: {  	v17 =	vld [tilespmem:s16+$0x4FD0];
	v0 =	vmin.f32 v0, $1.000000000e+00;
	v24 =	vmul.f32 $2.550000000e+02, v8;
	v11 =	vadd.f32 $8.388608000e+06, v11  }
0x1a5: {  	v60 =	vld [tilespmem:s16+$0x4FE0];
	v10 =	vmax.f32 v10, $0.0e+00;
	v0 =	vmul.f32 $2.550000000e+02, v0;
	v3 =	vmul.f32 $3.921568860e-03, v3  }
0x1a6: {  	v61 =	vld [tilespmem:s16+$0x4FF0];
	v10 =	vmin.f32 v10, $1.000000000e+00;
	v13 =	vmax.f32 v13, $0.0e+00;
	v14 =	vmax.f32 v14, $0.0e+00  }
0x1a7: {  	v11 =	vadd.f32 $-8.388608000e+06, v11;
	v13 =	vmin.f32 v13, $1.000000000e+00;
	v8 =	vmin.f32 v14, $1.000000000e+00  }
0x1a8: {  	v14 =	vmax.f32 v15, $0.0e+00;
	v15 =	vmax.f32 v16, $0.0e+00;
	v16 =	vmul.f32 $2.550000000e+02, v10  }
0x1a9: {  	v14 =	vmin.f32 v14, $1.000000000e+00;
	v10 =	vmin.f32 v15, $1.000000000e+00;
	v15 =	vmax.f32 v17, $0.0e+00  }
0x1aa: {  	v13 =	vmul.f32 $2.550000000e+02, v13;
	v17 =	vmax.f32 v60, $0.0e+00;
	v62 =	vmul.f32 $2.550000000e+02, v8  }
0x1ab: {  	[tilespmem:s16+$0xF000] =	vst v3;
	v15 =	vmin.f32 v15, $1.000000000e+00;
	v8 =	vmin.f32 v17, $1.000000000e+00;
	v17 =	vmax.f32 v61, $0.0e+00  }
0x1ac: {  	v14 =	vmul.f32 $2.550000000e+02, v14;
	v63 =	vmul.f32 $2.550000000e+02, v10;
	[tilespmem:s6+$0xEFC0] =	vst v12;
	v12 =	vadd.f32 $-8.388608000e+06, v27  }
0x1ad: {  	v10 =	vmin.f32 v17, $1.000000000e+00;
	v17 =	vadd.f32 $8.388608000e+06, v2;
	v15 =	vmul.f32 $2.550000000e+02, v15  }
0x1ae: {  	v25 =	vmul.f32 $2.550000000e+02, v8;
	v8 =	vadd.f32 $8.388608000e+06, v7;
	v7 =	vadd.f32 $8.388608000e+06, v0  }
0x1af: {  	v0 =	vmul.f32 $3.921568860e-03, v9;
	v9 =	vadd.f32 $8.388608000e+06, v16;
	v2 =	vadd.f32 $8.388608000e+06, v13  }
0x1b0: {  	[tilespmem:s6+$0xEF80] =	vst v5;
	v13 =	vmul.f32 $3.921568860e-03, v1;
	v5 =	vadd.f32 $8.388608000e+06, v62;
	v28 =	vmul.f32 $2.550000000e+02, v10  }
0x1b1: {  	v10 =	vadd.f32 $8.388608000e+06, v24;
	v3 =	vadd.f32 $8.388608000e+06, v14;
	v14 =	vmul.f32 $3.921568860e-03, v4;
	[tilespmem:s6+$0xEF90] =	vst v0  }
0x1b2: {  	v16 =	vmul.f32 $3.921568860e-03, v19;
	v6 =	vadd.f32 $8.388608000e+06, v63;
	v1 =	vadd.f32 $8.388608000e+06, v15;
	[tilespmem:s6+$0xEFA0] =	vst v13  }
0x1b3: {  	s7 =	simm.s32 $0x2F0;
	v4 =	vadd.f32 $8.388608000e+06, v25;
	v15 =	vmul.f32 $3.921568860e-03, v58;
	[tilespmem:s6+$0xEFB0] =	vst v14;
	v14 =	vadd.f32 $-8.388608000e+06, v17  }
0x1b4: {  	s8 =	simm.s32 $0xFC0;
	v13 =	vadd.f32 $-8.388608000e+06, v26;
	[tilespmem:s6+$0xEFD0] =	vst v16;
	v16 =	vmul.f32 $3.921568860e-03, v59;
	v0 =	vadd.f32 $8.388608000e+06, v28  }
.LBB2_7:
0x1b5: {  	p2 =	sne.s32 s8, $0x9FC0;
	v17 =	vld [tilespmem:s7+$0x5000];
	v14 =	vmul.f32 $3.921568860e-03, v14;
	v8 =	vadd.f32 $-8.388608000e+06, v8;
	v10 =	vadd.f32 $-8.388608000e+06, v10;
	[tilespmem:s6+$0xEFE0] =	vst v15  }
0x1b6: {  	v13 =	vmul.f32 $3.921568860e-03, v13;
	v7 =	vadd.f32 $-8.388608000e+06, v7;
	v9 =	vadd.f32 $-8.388608000e+06, v9;
	v15 =	vld [tilespmem:s7+$0x4F10];
	[tilespmem:s6+$0xEFF0] =	vst v16;
	s6 =	smov.u32 s16;
	s16 =	smov.u32 s7  }
0x1b7: {  	v2 =	vadd.f32 $-8.388608000e+06, v2;
	v5 =	vadd.f32 $-8.388608000e+06, v5;
	v12 =	vmul.f32 $3.921568860e-03, v12;
	v16 =	vld [tilespmem:s16+$0x4F20];
	[tilespmem:s6+$0xEF10] =	vst v14  }
0x1b8: {  	v18 =	vadd.f32 $-8.388608000e+06, v6;
	v11 =	vmul.f32 $3.921568860e-03, v11;
	v14 =	vld [tilespmem:s16+$0x4F30];
	[tilespmem:s6+$0xEF20] =	vst v13;
	v13 =	vadd.f32 $-8.388608000e+06, v3  }
0x1b9: {  	v19 =	vadd.f32 $-8.388608000e+06, v4;
	v6 =	vmul.f32 $3.921568860e-03, v8;
	v3 =	vld [tilespmem:s16+$0x4F40];
	[tilespmem:s6+$0xEF30] =	vst v12;
	v12 =	vadd.f32 $-8.388608000e+06, v1  }
0x1ba: {  	v8 =	vmul.f32 $3.921568860e-03, v10;
	v1 =	vld [tilespmem:s16+$0x4F50];
	v4 =	vmax.f32 v17, $0.0e+00;
	[tilespmem:s6+$0xEF40] =	vst v11;
	v17 =	vadd.f32 $-8.388608000e+06, v0  }
0x1bb: {  	v0 =	vmax.f32 v15, $0.0e+00;
	v10 =	vld [tilespmem:s16+$0x4F60];
	v4 =	vmin.f32 v4, $1.000000000e+00;
	[tilespmem:s6+$0xEF50] =	vst v6;
	v6 =	vmul.f32 $3.921568860e-03, v7  }
0x1bc: {  	v0 =	vmin.f32 v0, $1.000000000e+00;
	v7 =	vmax.f32 v16, $0.0e+00;
	v11 =	vld [tilespmem:s16+$0x4F70];
	v4 =	vmul.f32 $2.550000000e+02, v4;
	[tilespmem:s6+$0xEF60] =	vst v8  }
0x1bd: {  	v0 =	vmul.f32 $2.550000000e+02, v0;
	v7 =	vmin.f32 v7, $1.000000000e+00;
	v8 =	vmax.f32 v14, $0.0e+00;
	v14 =	vld [tilespmem:s16+$0x4F80];
	[tilespmem:s6+$0xEF70] =	vst v6  }
0x1be: {  	v6 =	vmin.f32 v8, $1.000000000e+00;
	v3 =	vmax.f32 v3, $0.0e+00;
	v8 =	vld [tilespmem:s16+$0x4F90];
	v4 =	vadd.f32 $8.388608000e+06, v4  }
0x1bf: {  	v7 =	vmul.f32 $2.550000000e+02, v7;
	v3 =	vmin.f32 v3, $1.000000000e+00;
	v1 =	vmax.f32 v1, $0.0e+00;
	v15 =	vld [tilespmem:s16+$0x4FA0]  }
0x1c0: {  	v1 =	vmin.f32 v1, $1.000000000e+00;
	v10 =	vmax.f32 v10, $0.0e+00;
	v16 =	vld [tilespmem:s16+$0x4FB0];
	v4 =	vadd.f32 $-8.388608000e+06, v4  }
0x1c1: {  	v6 =	vmul.f32 $2.550000000e+02, v6;
	v10 =	vmin.f32 v10, $1.000000000e+00;
	v11 =	vmax.f32 v11, $0.0e+00;
	v20 =	vld [tilespmem:s16+$0x4FC0]  }
0x1c2: {  	v11 =	vmin.f32 v11, $1.000000000e+00;
	v14 =	vmax.f32 v14, $0.0e+00;
	v21 =	vld [tilespmem:s16+$0x4FD0];
	v4 =	vmul.f32 $3.921568860e-03, v4  }
0x1c3: {  	v3 =	vmul.f32 $2.550000000e+02, v3;
	v14 =	vmin.f32 v14, $1.000000000e+00;
	v8 =	vmax.f32 v8, $0.0e+00;
	v22 =	vld [tilespmem:s16+$0x4FE0]  }
0x1c4: {  	v1 =	vmul.f32 $2.550000000e+02, v1;
	v8 =	vmin.f32 v8, $1.000000000e+00;
	v15 =	vmax.f32 v15, $0.0e+00;
	v23 =	vld [tilespmem:s16+$0x4FF0];
	[tilespmem:s16+$0xF000] =	vst v4  }
0x1c5: {  	v4 =	vmul.f32 $2.550000000e+02, v10;
	v10 =	vmin.f32 v15, $1.000000000e+00;
	v15 =	vmax.f32 v16, $0.0e+00  }
0x1c6: {  	v11 =	vmul.f32 $2.550000000e+02, v11;
	v15 =	vmin.f32 v15, $1.000000000e+00;
	v16 =	vmax.f32 v20, $0.0e+00  }
0x1c7: {  	v14 =	vmul.f32 $2.550000000e+02, v14;
	v16 =	vmin.f32 v16, $1.000000000e+00;
	v20 =	vmax.f32 v21, $0.0e+00  }
0x1c8: {  	v21 =	vmul.f32 $2.550000000e+02, v8;
	v8 =	vmin.f32 v20, $1.000000000e+00;
	v20 =	vmax.f32 v22, $0.0e+00  }
0x1c9: {  	v22 =	vmul.f32 $2.550000000e+02, v10;
	v10 =	vmin.f32 v20, $1.000000000e+00;
	v20 =	vmax.f32 v23, $0.0e+00  }
0x1ca: {  	v15 =	vmul.f32 $2.550000000e+02, v15;
	v16 =	vmul.f32 $2.550000000e+02, v16;
	v20 =	vmin.f32 v20, $1.000000000e+00  }
0x1cb: {  	v23 =	vadd.f32 $8.388608000e+06, v0;
	v0 =	vmul.f32 $2.550000000e+02, v8;
	v24 =	vmul.f32 $2.550000000e+02, v10  }
0x1cc: {  	v25 =	vadd.f32 $8.388608000e+06, v7;
	v26 =	vadd.f32 $8.388608000e+06, v6;
	v20 =	vmul.f32 $2.550000000e+02, v20  }
0x1cd: {  	v27 =	vadd.f32 $8.388608000e+06, v3;
	v8 =	vadd.f32 $8.388608000e+06, v1;
	v1 =	vmul.f32 $3.921568860e-03, v9  }
0x1ce: {  	v7 =	vadd.f32 $8.388608000e+06, v11;
	v10 =	vadd.f32 $8.388608000e+06, v4;
	v4 =	vmul.f32 $3.921568860e-03, v2  }
0x1cf: {  	v11 =	vmul.f32 $3.921568860e-03, v5;
	v9 =	vadd.f32 $8.388608000e+06, v14;
	v2 =	vadd.f32 $8.388608000e+06, v21;
	[tilespmem:s6+$0xEF80] =	vst v1  }
.Ltmp6:
0x1d0: {  	v13 =	vmul.f32 $3.921568860e-03, v13;
	v3 =	vadd.f32 $8.388608000e+06, v15;
	v5 =	vadd.f32 $8.388608000e+06, v22;
	[tilespmem:s6+$0xEF90] =	vst v4;
	(pc) =	sbr.rel @p2 .LBB2_7-.Ltmp6, $4  }
0x1d1: {  	v6 =	vadd.f32 $8.388608000e+06, v16;
	v1 =	vadd.f32 $8.388608000e+06, v0;
	[tilespmem:s6+$0xEFA0] =	vst v11;
	v11 =	vmul.f32 $3.921568860e-03, v18  }
0x1d2: {  	v16 =	vmul.f32 $3.921568860e-03, v12;
	v0 =	vadd.f32 $8.388608000e+06, v20;
	v4 =	vadd.f32 $8.388608000e+06, v24;
	[tilespmem:s6+$0xEFB0] =	vst v13  }
0x1d3: {  	v15 =	vmul.f32 $3.921568860e-03, v19;
	v14 =	vadd.f32 $-8.388608000e+06, v23;
	v13 =	vadd.f32 $-8.388608000e+06, v25;
	[tilespmem:s6+$0xEFC0] =	vst v11  }
0x1d4: {  	s7 =	sshra.s32 s8, $0x2;
	s8 =	sadd.s32 $0x400, s8;
	v12 =	vadd.f32 $-8.388608000e+06, v26;
	v11 =	vadd.f32 $-8.388608000e+06, v27;
	[tilespmem:s6+$0xEFD0] =	vst v16;
	v16 =	vmul.f32 $3.921568860e-03, v17  }
0x1d5: {  	v8 =	vadd.f32 $-8.388608000e+06, v8;
	v10 =	vadd.f32 $-8.388608000e+06, v10  }
0x1d6: {  	v14 =	vmul.f32 $3.921568860e-03, v14;
	v7 =	vadd.f32 $-8.388608000e+06, v7;
	v9 =	vadd.f32 $-8.388608000e+06, v9  }
0x1d7: {  	v17 =	vld [tilespmem:s7+$0x5000];
	[tilespmem:s6+$0xEFE0] =	vst v15;
	v13 =	vmul.f32 $3.921568860e-03, v13;
	v2 =	vadd.f32 $-8.388608000e+06, v2;
	v5 =	vadd.f32 $-8.388608000e+06, v5  }
0x1d8: {  	v3 =	vadd.f32 $-8.388608000e+06, v3;
	v15 =	vld [tilespmem:s7+$0x4F10];
	[tilespmem:s6+$0xEFF0] =	vst v16;
	v12 =	vmul.f32 $3.921568860e-03, v12;
	v11 =	vmul.f32 $3.921568860e-03, v11  }
0x1d9: {  	v6 =	vadd.f32 $-8.388608000e+06, v6;
	v16 =	vld [tilespmem:s7+$0x4F20];
	[tilespmem:s16+$0xEF10] =	vst v14;
	v8 =	vmul.f32 $3.921568860e-03, v8;
	v10 =	vmul.f32 $3.921568860e-03, v10  }
0x1da: {  	v1 =	vadd.f32 $-8.388608000e+06, v1;
	v7 =	vmul.f32 $3.921568860e-03, v7;
	v9 =	vmul.f32 $3.921568860e-03, v9;
	v14 =	vld [tilespmem:s7+$0x4F30];
	[tilespmem:s16+$0xEF20] =	vst v13  }
0x1db: {  	v4 =	vadd.f32 $-8.388608000e+06, v4;
	v2 =	vmul.f32 $3.921568860e-03, v2;
	v5 =	vmul.f32 $3.921568860e-03, v5;
	v13 =	vld [tilespmem:s7+$0x4F40];
	[tilespmem:s16+$0xEF30] =	vst v12  }
0x1dc: {  	v0 =	vadd.f32 $-8.388608000e+06, v0;
	v38 =	vmul.f32 $3.921568860e-03, v3;
	v40 =	vmul.f32 $3.921568860e-03, v6;
	v12 =	vld [tilespmem:s7+$0x4F50];
	[tilespmem:s16+$0xEF40] =	vst v11  }
0x1dd: {  	v1 =	vmul.f32 $3.921568860e-03, v1;
	v4 =	vmul.f32 $3.921568860e-03, v4;
	v28 =	vmax.f32 v17, $0.0e+00;
	v11 =	vld [tilespmem:s7+$0x4F60];
	[tilespmem:s16+$0xEF50] =	vst v8  }
0x1de: {  	v0 =	vmul.f32 $3.921568860e-03, v0;
	v15 =	vmax.f32 v15, $0.0e+00;
	v8 =	vmin.f32 v28, $1.000000000e+00;
	v29 =	vld [tilespmem:s7+$0x4F70];
	[tilespmem:s16+$0xEF60] =	vst v10  }
0x1df: {  	v30 =	vmin.f32 v15, $1.000000000e+00;
	v31 =	vmax.f32 v16, $0.0e+00;
	v8 =	vmul.f32 $2.550000000e+02, v8;
	v32 =	vld [tilespmem:s7+$0x4F80];
	[tilespmem:s16+$0xEF70] =	vst v7  }
0x1e0: {  	v10 =	vmul.f32 $2.550000000e+02, v30;
	v14 =	vmax.f32 v14, $0.0e+00;
	v33 =	vmin.f32 v31, $1.000000000e+00;
	v34 =	vld [tilespmem:s7+$0x4F90]  }
0x1e1: {  	v14 =	vmin.f32 v14, $1.000000000e+00;
	v13 =	vmax.f32 v13, $0.0e+00;
	v8 =	vadd.f32 $8.388608000e+06, v8;
	v18 =	vld [tilespmem:s7+$0x4FA0]  }
0x1e2: {  	v7 =	vmul.f32 $2.550000000e+02, v33;
	v19 =	vld [tilespmem:s7+$0x4FB0];
	v12 =	vmax.f32 v12, $0.0e+00;
	v13 =	vmin.f32 v13, $1.000000000e+00  }
0x1e3: {  	v20 =	vld [tilespmem:s7+$0x4FC0];
	v14 =	vmul.f32 $2.550000000e+02, v14;
	v39 =	vadd.f32 $8.388608000e+06, v10;
	v12 =	vmin.f32 v12, $1.000000000e+00  }
0x1e4: {  	v21 =	vld [tilespmem:s7+$0x4FD0];
	v11 =	vmax.f32 v11, $0.0e+00;
	v8 =	vadd.f32 $-8.388608000e+06, v8;
	v13 =	vmul.f32 $2.550000000e+02, v13  }
0x1e5: {  	v22 =	vld [tilespmem:s7+$0x4FE0];
	v41 =	vadd.f32 $8.388608000e+06, v7;
	v17 =	vmax.f32 v29, $0.0e+00;
	v11 =	vmin.f32 v11, $1.000000000e+00  }
0x1e6: {  	v23 =	vld [tilespmem:s7+$0x4FF0];
	v12 =	vmul.f32 $2.550000000e+02, v12;
	v42 =	vadd.f32 $8.388608000e+06, v14;
	v3 =	vadd.f32 $-8.388608000e+06, v39  }
0x1e7: {  	v17 =	vmin.f32 v17, $1.000000000e+00;
	v16 =	vmax.f32 v32, $0.0e+00;
	v8 =	vmul.f32 $3.921568860e-03, v8  }
0x1e8: {  	v11 =	vmul.f32 $2.550000000e+02, v11;
	v44 =	vadd.f32 $8.388608000e+06, v13;
	v6 =	vadd.f32 $-8.388608000e+06, v41  }
0x1e9: {  	v15 =	vmax.f32 v34, $0.0e+00;
	v16 =	vmin.f32 v16, $1.000000000e+00;
	v18 =	vmax.f32 v18, $0.0e+00  }
0x1ea: {  	v19 =	vmax.f32 v19, $0.0e+00;
	v17 =	vmul.f32 $2.550000000e+02, v17;
	v20 =	vmax.f32 v20, $0.0e+00;
	[tilespmem:s7+$0xF000] =	vst v8  }
0x1eb: {  	v21 =	vmax.f32 v21, $0.0e+00;
	v22 =	vmax.f32 v22, $0.0e+00;
	v36 =	vmax.f32 v23, $0.0e+00;
	[tilespmem:s16+$0xEF80] =	vst v9  }
0x1ec: {  	v45 =	vadd.f32 $8.388608000e+06, v12;
	v7 =	vadd.f32 $-8.388608000e+06, v42;
	v3 =	vmul.f32 $3.921568860e-03, v3;
	[tilespmem:s16+$0xEF90] =	vst v2  }
0x1ed: {  	v15 =	vmin.f32 v15, $1.000000000e+00;
	v18 =	vmin.f32 v18, $1.000000000e+00;
	v19 =	vmin.f32 v19, $1.000000000e+00;
	[tilespmem:s16+$0xEFA0] =	vst v5  }
0x1ee: {  	v16 =	vmul.f32 $2.550000000e+02, v16;
	v20 =	vmin.f32 v20, $1.000000000e+00;
	v21 =	vmin.f32 v21, $1.000000000e+00;
	[tilespmem:s16+$0xEFB0] =	vst v38  }
0x1ef: {  	v35 =	vmin.f32 v22, $1.000000000e+00;
	v6 =	vmul.f32 $3.921568860e-03, v6;
	v15 =	vmul.f32 $2.550000000e+02, v15;
	[tilespmem:s16+$0xEFC0] =	vst v40  }
0x1f0: {  	v37 =	vmin.f32 v36, $1.000000000e+00;
	v18 =	vmul.f32 $2.550000000e+02, v18;
	v19 =	vmul.f32 $2.550000000e+02, v19;
	[tilespmem:s16+$0xEFD0] =	vst v1  }
0x1f1: {  	v46 =	vadd.f32 $8.388608000e+06, v11;
	v20 =	vmul.f32 $2.550000000e+02, v20;
	v21 =	vmul.f32 $2.550000000e+02, v21;
	[tilespmem:s16+$0xEFE0] =	vst v4  }
0x1f2: {  	v8 =	vmul.f32 $2.550000000e+02, v35;
	v43 =	vmul.f32 $2.550000000e+02, v37;
	v5 =	vadd.f32 $-8.388608000e+06, v44;
	[tilespmem:s16+$0xEFF0] =	vst v0  }
0x1f3: {  	v47 =	vadd.f32 $8.388608000e+06, v17;
	v1 =	vadd.f32 $-8.388608000e+06, v45;
	v48 =	vmul.f32 $3.921568860e-03, v7;
	[tilespmem:s7+$0xEF10] =	vst v3  }
0x1f4: {  	v49 =	vadd.f32 $8.388608000e+06, v16;
	v4 =	vadd.f32 $-8.388608000e+06, v46;
	[tilespmem:s7+$0xEF20] =	vst v6;
	v5 =	vmul.f32 $3.921568860e-03, v5  }
0x1f5: {  	v50 =	vadd.f32 $8.388608000e+06, v15;
	v0 =	vadd.f32 $-8.388608000e+06, v47;
	[tilespmem:s7+$0xEF30] =	vst v48;
	v1 =	vmul.f32 $3.921568860e-03, v1  }
0x1f6: {  	v51 =	vadd.f32 $8.388608000e+06, v18;
	v7 =	vadd.f32 $-8.388608000e+06, v49;
	v4 =	vmul.f32 $3.921568860e-03, v4;
	[tilespmem:s7+$0xEF40] =	vst v5  }
0x1f7: {  	v52 =	vadd.f32 $8.388608000e+06, v19;
	v6 =	vadd.f32 $-8.388608000e+06, v50;
	[tilespmem:s7+$0xEF50] =	vst v1;
	v0 =	vmul.f32 $3.921568860e-03, v0  }
0x1f8: {  	v53 =	vadd.f32 $8.388608000e+06, v20;
	v3 =	vadd.f32 $-8.388608000e+06, v51;
	[tilespmem:s7+$0xEF60] =	vst v4;
	v54 =	vmul.f32 $3.921568860e-03, v7  }
0x1f9: {  	v55 =	vadd.f32 $8.388608000e+06, v21;
	v5 =	vadd.f32 $-8.388608000e+06, v52;
	[tilespmem:s7+$0xEF70] =	vst v0;
	v56 =	vmul.f32 $3.921568860e-03, v6  }
0x1fa: {  	v57 =	vadd.f32 $8.388608000e+06, v8;
	v1 =	vadd.f32 $-8.388608000e+06, v53;
	v3 =	vmul.f32 $3.921568860e-03, v3;
	[tilespmem:s7+$0xEF80] =	vst v54  }
0x1fb: {  	v2 =	vadd.f32 $8.388608000e+06, v43;
	v58 =	vadd.f32 $-8.388608000e+06, v55;
	v59 =	vmul.f32 $3.921568860e-03, v5;
	[tilespmem:s7+$0xEF90] =	vst v56  }
0x1fc: {  	v60 =	vadd.f32 $-8.388608000e+06, v57;
	v1 =	vmul.f32 $3.921568860e-03, v1;
	[tilespmem:s7+$0xEFA0] =	vst v3  }
0x1fd: {  	v2 =	vadd.f32 $-8.388608000e+06, v2;
	v61 =	vmul.f32 $3.921568860e-03, v58;
	[tilespmem:s7+$0xEFB0] =	vst v59  }
.Ltmp7:
0x1fe: {  	v62 =	vmul.f32 $3.921568860e-03, v60;
	[tilespmem:s7+$0xEFC0] =	vst v1;
	(pc) =	sbr.rel @p1 .LBB2_12-.Ltmp7, $4  }
0x1ff: {  	v63 =	vmul.f32 $3.921568860e-03, v2;
	[tilespmem:s7+$0xEFD0] =	vst v61  }
0x200: {  	[tilespmem:s7+$0xEFE0] =	vst v62  }
0x201: {  	s16 =	sadd.s32 s14, s15;
	[tilespmem:s7+$0xEFF0] =	vst v63  }
0x202: {  	[hbm4b:s16+s5] =	stream.linear.scatter [tilespmem:s22], [sflag:$0x7], $0x2800, $0x38;
	[tilespmem:$0x14000] =	vst v63  }
0x203: {  	s0 =	sadd.s32 s11, s0  }
0x204: {  	p1 =	sgt.u32 s0, $0x4E1  }
0x205: {  	s0 =	smul.u32 @!p1 $0x500, s0;
	_ =	sdelay $0x1  }
0x206: {  	s6 =	simm.s32 @!p1 $0x0;
	s7 =	simm.s32 @!p1 $0x5000;
	s0 =	sadd.s32 @!p1 s2, s0  }
0x207: {  	[tilespmem:s7], [sflag:$0x3] =	stream.linear.gather @!p1 [hbm4b:s0+s6], $0x2800, $0x38;
	[tilespmem:$0x14000] =	vst v63  }
0x208: {  	_ =	swait.ge [sflag:s23], $0x2800  }
0x209: {  	[sflag:s23] =	ssyncset.done $0x0  }
0x20a: {  	s0 =	simm.s32 @!p0 $0x8;
	[sflag:s23] =	ssyncadd.s32 $0xFFFFD800  }
0x20b: {  	_ =	swait.ge @!p0 [sflag:s0], $0x2800  }
0x20c: {  	[sflag:s0] =	ssyncset.done @!p0 $0x0  }
0x20d: {  	s6 =	simm.s32 $0xF0;
	[sflag:s0] =	ssyncadd.s32 @!p0 $0xFFFFD800  }
0x20e: {  	v0 =	vld [tilespmem:s6+$0x7800]  }
0x20f: {  	v1 =	vld [tilespmem:s6+$0x7710]  }
0x210: {  	v2 =	vld [tilespmem:s6+$0x7720]  }
0x211: {  	v3 =	vld [tilespmem:s6+$0x7730]  }
0x212: {  	v4 =	vld [tilespmem:s6+$0x7740]  }
0x213: {  	v5 =	vld [tilespmem:s6+$0x7750]  }
0x214: {  	v6 =	vld [tilespmem:s6+$0x7760]  }
0x215: {  	v7 =	vld [tilespmem:s6+$0x7770]  }
0x216: {  	v8 =	vld [tilespmem:s6+$0x7780]  }
0x217: {  	v9 =	vld [tilespmem:s6+$0x7790]  }
0x218: {  	v10 =	vld [tilespmem:s6+$0x77A0]  }
0x219: {  	v11 =	vld [tilespmem:s6+$0x77B0]  }
0x21a: {  	v12 =	vld [tilespmem:s6+$0x77C0]  }
0x21b: {  	v13 =	vld [tilespmem:s6+$0x77D0]  }
0x21c: {  	v14 =	vld [tilespmem:s6+$0x77E0]  }
0x21d: {  	v15 =	vld [tilespmem:s6+$0x77F0];
	v0 =	vmax.f32 v0, $0.0e+00;
	v1 =	vmax.f32 v1, $0.0e+00  }
0x21e: {  	v2 =	vmax.f32 v2, $0.0e+00;
	v3 =	vmax.f32 v3, $0.0e+00;
	v4 =	vmax.f32 v4, $0.0e+00  }
0x21f: {  	v5 =	vmax.f32 v5, $0.0e+00;
	v6 =	vmax.f32 v6, $0.0e+00;
	v7 =	vmax.f32 v7, $0.0e+00  }
0x220: {  	v8 =	vmax.f32 v8, $0.0e+00;
	v9 =	vmax.f32 v9, $0.0e+00;
	v10 =	vmax.f32 v10, $0.0e+00  }
0x221: {  	v11 =	vmax.f32 v11, $0.0e+00;
	v12 =	vmax.f32 v12, $0.0e+00;
	v13 =	vmax.f32 v13, $0.0e+00  }
0x222: {  	v14 =	vmax.f32 v14, $0.0e+00;
	v15 =	vmax.f32 v15, $0.0e+00;
	v0 =	vmin.f32 v0, $1.000000000e+00  }
0x223: {  	v1 =	vmin.f32 v1, $1.000000000e+00;
	v2 =	vmin.f32 v2, $1.000000000e+00;
	v3 =	vmin.f32 v3, $1.000000000e+00  }
0x224: {  	v4 =	vmin.f32 v4, $1.000000000e+00;
	v5 =	vmin.f32 v5, $1.000000000e+00;
	v6 =	vmin.f32 v6, $1.000000000e+00  }
0x225: {  	v7 =	vmin.f32 v7, $1.000000000e+00;
	v8 =	vmin.f32 v8, $1.000000000e+00;
	v9 =	vmin.f32 v9, $1.000000000e+00  }
0x226: {  	v10 =	vmin.f32 v10, $1.000000000e+00;
	v11 =	vmin.f32 v11, $1.000000000e+00;
	v0 =	vmul.f32 $2.550000000e+02, v0  }
0x227: {  	v12 =	vmin.f32 v12, $1.000000000e+00;
	v1 =	vmul.f32 $2.550000000e+02, v1;
	v2 =	vmul.f32 $2.550000000e+02, v2  }
0x228: {  	v13 =	vmin.f32 v13, $1.000000000e+00;
	v3 =	vmul.f32 $2.550000000e+02, v3;
	v4 =	vmul.f32 $2.550000000e+02, v4  }
0x229: {  	v14 =	vmin.f32 v14, $1.000000000e+00;
	v5 =	vmul.f32 $2.550000000e+02, v5;
	v6 =	vmul.f32 $2.550000000e+02, v6  }
0x22a: {  	v7 =	vmul.f32 $2.550000000e+02, v7;
	v0 =	vadd.f32 $8.388608000e+06, v0;
	v1 =	vadd.f32 $8.388608000e+06, v1  }
0x22b: {  	v8 =	vmul.f32 $2.550000000e+02, v8;
	v2 =	vadd.f32 $8.388608000e+06, v2;
	v3 =	vadd.f32 $8.388608000e+06, v3  }
0x22c: {  	v9 =	vmul.f32 $2.550000000e+02, v9;
	v4 =	vadd.f32 $8.388608000e+06, v4;
	v5 =	vadd.f32 $8.388608000e+06, v5  }
0x22d: {  	v12 =	vmul.f32 $2.550000000e+02, v12;
	v6 =	vadd.f32 $8.388608000e+06, v6;
	v7 =	vadd.f32 $8.388608000e+06, v7  }
0x22e: {  	v10 =	vmul.f32 $2.550000000e+02, v10;
	v8 =	vadd.f32 $8.388608000e+06, v8;
	v0 =	vadd.f32 $-8.388608000e+06, v0  }
0x22f: {  	v11 =	vmul.f32 $2.550000000e+02, v11;
	v9 =	vadd.f32 $8.388608000e+06, v9;
	v12 =	vadd.f32 $8.388608000e+06, v12  }
0x230: {  	v1 =	vadd.f32 $-8.388608000e+06, v1;
	v2 =	vadd.f32 $-8.388608000e+06, v2;
	v0 =	vmul.f32 $3.921568860e-03, v0  }
0x231: {  	v13 =	vmul.f32 $2.550000000e+02, v13;
	v3 =	vadd.f32 $-8.388608000e+06, v3;
	v4 =	vadd.f32 $-8.388608000e+06, v4  }
0x232: {  	s0 =	simm.s32 $0x1F0;
	v14 =	vmul.f32 $2.550000000e+02, v14;
	v5 =	vadd.f32 $-8.388608000e+06, v5;
	v18 =	vadd.f32 $-8.388608000e+06, v8;
	[tilespmem:s6+$0x11800] =	vst v0  }
0x233: {  	v9 =	vadd.f32 $-8.388608000e+06, v9;
	v1 =	vmul.f32 $3.921568860e-03, v1;
	v0 =	vmin.f32 v15, $1.000000000e+00;
	v15 =	vld [tilespmem:s0+$0x7800]  }
0x234: {  	v12 =	vadd.f32 $-8.388608000e+06, v12;
	v2 =	vmul.f32 $3.921568860e-03, v2;
	v3 =	vmul.f32 $3.921568860e-03, v3;
	v16 =	vld [tilespmem:s0+$0x7710]  }
0x235: {  	v17 =	vld [tilespmem:s0+$0x7720];
	[tilespmem:s6+$0x11710] =	vst v1;
	v0 =	vmul.f32 $2.550000000e+02, v0;
	v1 =	vadd.f32 $8.388608000e+06, v10;
	v10 =	vadd.f32 $8.388608000e+06, v11  }
0x236: {  	v11 =	vld [tilespmem:s0+$0x7730];
	[tilespmem:s6+$0x11720] =	vst v2;
	v2 =	vadd.f32 $8.388608000e+06, v13;
	v13 =	vadd.f32 $8.388608000e+06, v14  }
0x237: {  	v4 =	vmul.f32 $3.921568860e-03, v4;
	v14 =	vld [tilespmem:s0+$0x7740];
	v0 =	vadd.f32 $8.388608000e+06, v0;
	[tilespmem:s6+$0x11730] =	vst v3;
	v3 =	vadd.f32 $-8.388608000e+06, v6  }
0x238: {  	v5 =	vmul.f32 $3.921568860e-03, v5;
	v6 =	vadd.f32 $-8.388608000e+06, v7;
	v1 =	vadd.f32 $-8.388608000e+06, v1  }
0x239: {  	v12 =	vmul.f32 $3.921568860e-03, v12;
	v7 =	vld [tilespmem:s0+$0x7750];
	[tilespmem:s6+$0x11740] =	vst v4;
	v4 =	vadd.f32 $-8.388608000e+06, v10;
	v19 =	vadd.f32 $-8.388608000e+06, v2  }
0x23a: {  	v20 =	vadd.f32 $-8.388608000e+06, v13;
	v2 =	vmul.f32 $3.921568860e-03, v3;
	v21 =	vadd.f32 $-8.388608000e+06, v0  }
0x23b: {  	v8 =	vld [tilespmem:s0+$0x7760];
	[tilespmem:s6+$0x11750] =	vst v5;
	v6 =	vmul.f32 $3.921568860e-03, v6;
	v3 =	vmax.f32 v15, $0.0e+00;
	v5 =	vmax.f32 v16, $0.0e+00  }
0x23c: {  	v0 =	vld [tilespmem:s0+$0x7770];
	v3 =	vmin.f32 v3, $1.000000000e+00;
	[tilespmem:s6+$0x11760] =	vst v2;
	v2 =	vmin.f32 v5, $1.000000000e+00;
	v5 =	vmax.f32 v17, $0.0e+00  }
0x23d: {  	v11 =	vmax.f32 v11, $0.0e+00;
	v3 =	vmul.f32 $2.550000000e+02, v3;
	v2 =	vmul.f32 $2.550000000e+02, v2  }
0x23e: {  	v10 =	vld [tilespmem:s0+$0x7780];
	v5 =	vmin.f32 v5, $1.000000000e+00;
	[tilespmem:s6+$0x11770] =	vst v6;
	v6 =	vmin.f32 v11, $1.000000000e+00;
	v11 =	vmax.f32 v14, $0.0e+00  }
0x23f: {  	v5 =	vmul.f32 $2.550000000e+02, v5;
	v11 =	vmin.f32 v11, $1.000000000e+00;
	v7 =	vmax.f32 v7, $0.0e+00  }
0x240: {  	v13 =	vld [tilespmem:s0+$0x7790];
	v6 =	vmul.f32 $2.550000000e+02, v6;
	v3 =	vadd.f32 $8.388608000e+06, v3;
	v8 =	vmax.f32 v8, $0.0e+00  }
0x241: {  	v14 =	vld [tilespmem:s0+$0x77A0];
	v7 =	vmin.f32 v7, $1.000000000e+00;
	v11 =	vmul.f32 $2.550000000e+02, v11;
	v8 =	vmin.f32 v8, $1.000000000e+00  }
0x242: {  	v15 =	vld [tilespmem:s0+$0x77B0];
	v0 =	vmax.f32 v0, $0.0e+00;
	v7 =	vmul.f32 $2.550000000e+02, v7;
	v26 =	vadd.f32 $8.388608000e+06, v5  }
0x243: {  	v16 =	vld [tilespmem:s0+$0x77C0];
	v27 =	vadd.f32 $8.388608000e+06, v6;
	v5 =	vmul.f32 $3.921568860e-03, v18;
	v3 =	vadd.f32 $-8.388608000e+06, v3  }
0x244: {  	v17 =	vld [tilespmem:s0+$0x77D0];
	v0 =	vmin.f32 v0, $1.000000000e+00;
	v24 =	vmul.f32 $2.550000000e+02, v8;
	v11 =	vadd.f32 $8.388608000e+06, v11  }
0x245: {  	v22 =	vld [tilespmem:s0+$0x77E0];
	v10 =	vmax.f32 v10, $0.0e+00;
	v0 =	vmul.f32 $2.550000000e+02, v0;
	v3 =	vmul.f32 $3.921568860e-03, v3  }
0x246: {  	v23 =	vld [tilespmem:s0+$0x77F0];
	v10 =	vmin.f32 v10, $1.000000000e+00;
	v13 =	vmax.f32 v13, $0.0e+00;
	v14 =	vmax.f32 v14, $0.0e+00  }
0x247: {  	v11 =	vadd.f32 $-8.388608000e+06, v11;
	v13 =	vmin.f32 v13, $1.000000000e+00;
	v8 =	vmin.f32 v14, $1.000000000e+00  }
0x248: {  	v14 =	vmax.f32 v15, $0.0e+00;
	v15 =	vmax.f32 v16, $0.0e+00;
	v16 =	vmul.f32 $2.550000000e+02, v10  }
0x249: {  	v14 =	vmin.f32 v14, $1.000000000e+00;
	v10 =	vmin.f32 v15, $1.000000000e+00;
	v15 =	vmax.f32 v17, $0.0e+00  }
0x24a: {  	v13 =	vmul.f32 $2.550000000e+02, v13;
	v17 =	vmax.f32 v22, $0.0e+00;
	v62 =	vmul.f32 $2.550000000e+02, v8  }
0x24b: {  	[tilespmem:s0+$0x11800] =	vst v3;
	v15 =	vmin.f32 v15, $1.000000000e+00;
	v8 =	vmin.f32 v17, $1.000000000e+00;
	v17 =	vmax.f32 v23, $0.0e+00  }
0x24c: {  	v14 =	vmul.f32 $2.550000000e+02, v14;
	v63 =	vmul.f32 $2.550000000e+02, v10;
	[tilespmem:s6+$0x117C0] =	vst v12;
	v12 =	vadd.f32 $-8.388608000e+06, v27  }
0x24d: {  	v10 =	vmin.f32 v17, $1.000000000e+00;
	v17 =	vadd.f32 $8.388608000e+06, v2;
	v15 =	vmul.f32 $2.550000000e+02, v15  }
0x24e: {  	v25 =	vmul.f32 $2.550000000e+02, v8;
	v8 =	vadd.f32 $8.388608000e+06, v7;
	v7 =	vadd.f32 $8.388608000e+06, v0  }
0x24f: {  	v0 =	vmul.f32 $3.921568860e-03, v9;
	v9 =	vadd.f32 $8.388608000e+06, v16;
	v2 =	vadd.f32 $8.388608000e+06, v13  }
0x250: {  	[tilespmem:s6+$0x11780] =	vst v5;
	v13 =	vmul.f32 $3.921568860e-03, v1;
	v5 =	vadd.f32 $8.388608000e+06, v62;
	v28 =	vmul.f32 $2.550000000e+02, v10  }
0x251: {  	v10 =	vadd.f32 $8.388608000e+06, v24;
	v3 =	vadd.f32 $8.388608000e+06, v14;
	v14 =	vmul.f32 $3.921568860e-03, v4;
	[tilespmem:s6+$0x11790] =	vst v0  }
0x252: {  	v16 =	vmul.f32 $3.921568860e-03, v19;
	v6 =	vadd.f32 $8.388608000e+06, v63;
	v1 =	vadd.f32 $8.388608000e+06, v15;
	[tilespmem:s6+$0x117A0] =	vst v13  }
0x253: {  	s8 =	simm.s32 $0xFC0;
	v4 =	vadd.f32 $8.388608000e+06, v25;
	v15 =	vmul.f32 $3.921568860e-03, v20;
	[tilespmem:s6+$0x117B0] =	vst v14;
	v14 =	vadd.f32 $-8.388608000e+06, v17  }
0x254: {  	s7 =	simm.s32 $0x2F0;
	v13 =	vadd.f32 $-8.388608000e+06, v26;
	[tilespmem:s6+$0x117D0] =	vst v16;
	v16 =	vmul.f32 $3.921568860e-03, v21;
	v0 =	vadd.f32 $8.388608000e+06, v28  }
.LBB2_10:
0x255: {  	p0 =	sne.s32 s8, $0x9FC0;
	v17 =	vld [tilespmem:s7+$0x7800];
	v14 =	vmul.f32 $3.921568860e-03, v14;
	v8 =	vadd.f32 $-8.388608000e+06, v8;
	v10 =	vadd.f32 $-8.388608000e+06, v10;
	[tilespmem:s6+$0x117E0] =	vst v15  }
0x256: {  	v13 =	vmul.f32 $3.921568860e-03, v13;
	v7 =	vadd.f32 $-8.388608000e+06, v7;
	v9 =	vadd.f32 $-8.388608000e+06, v9;
	v15 =	vld [tilespmem:s7+$0x7710];
	[tilespmem:s6+$0x117F0] =	vst v16;
	s6 =	smov.u32 s0;
	s0 =	smov.u32 s7  }
0x257: {  	v2 =	vadd.f32 $-8.388608000e+06, v2;
	v5 =	vadd.f32 $-8.388608000e+06, v5;
	v12 =	vmul.f32 $3.921568860e-03, v12;
	v16 =	vld [tilespmem:s0+$0x7720];
	[tilespmem:s6+$0x11710] =	vst v14  }
0x258: {  	v18 =	vadd.f32 $-8.388608000e+06, v6;
	v11 =	vmul.f32 $3.921568860e-03, v11;
	v14 =	vld [tilespmem:s0+$0x7730];
	[tilespmem:s6+$0x11720] =	vst v13;
	v13 =	vadd.f32 $-8.388608000e+06, v3  }
0x259: {  	v19 =	vadd.f32 $-8.388608000e+06, v4;
	v6 =	vmul.f32 $3.921568860e-03, v8;
	v3 =	vld [tilespmem:s0+$0x7740];
	[tilespmem:s6+$0x11730] =	vst v12;
	v12 =	vadd.f32 $-8.388608000e+06, v1  }
0x25a: {  	v8 =	vmul.f32 $3.921568860e-03, v10;
	v1 =	vld [tilespmem:s0+$0x7750];
	v4 =	vmax.f32 v17, $0.0e+00;
	[tilespmem:s6+$0x11740] =	vst v11;
	v17 =	vadd.f32 $-8.388608000e+06, v0  }
0x25b: {  	v0 =	vmax.f32 v15, $0.0e+00;
	v10 =	vld [tilespmem:s0+$0x7760];
	v4 =	vmin.f32 v4, $1.000000000e+00;
	[tilespmem:s6+$0x11750] =	vst v6;
	v6 =	vmul.f32 $3.921568860e-03, v7  }
0x25c: {  	v0 =	vmin.f32 v0, $1.000000000e+00;
	v7 =	vmax.f32 v16, $0.0e+00;
	v11 =	vld [tilespmem:s0+$0x7770];
	v4 =	vmul.f32 $2.550000000e+02, v4;
	[tilespmem:s6+$0x11760] =	vst v8  }
0x25d: {  	v0 =	vmul.f32 $2.550000000e+02, v0;
	v7 =	vmin.f32 v7, $1.000000000e+00;
	v8 =	vmax.f32 v14, $0.0e+00;
	v14 =	vld [tilespmem:s0+$0x7780];
	[tilespmem:s6+$0x11770] =	vst v6  }
0x25e: {  	v6 =	vmin.f32 v8, $1.000000000e+00;
	v3 =	vmax.f32 v3, $0.0e+00;
	v8 =	vld [tilespmem:s0+$0x7790];
	v4 =	vadd.f32 $8.388608000e+06, v4  }
0x25f: {  	v7 =	vmul.f32 $2.550000000e+02, v7;
	v3 =	vmin.f32 v3, $1.000000000e+00;
	v1 =	vmax.f32 v1, $0.0e+00;
	v15 =	vld [tilespmem:s0+$0x77A0]  }
0x260: {  	v1 =	vmin.f32 v1, $1.000000000e+00;
	v10 =	vmax.f32 v10, $0.0e+00;
	v16 =	vld [tilespmem:s0+$0x77B0];
	v4 =	vadd.f32 $-8.388608000e+06, v4  }
0x261: {  	v6 =	vmul.f32 $2.550000000e+02, v6;
	v10 =	vmin.f32 v10, $1.000000000e+00;
	v11 =	vmax.f32 v11, $0.0e+00;
	v20 =	vld [tilespmem:s0+$0x77C0]  }
0x262: {  	v11 =	vmin.f32 v11, $1.000000000e+00;
	v14 =	vmax.f32 v14, $0.0e+00;
	v21 =	vld [tilespmem:s0+$0x77D0];
	v4 =	vmul.f32 $3.921568860e-03, v4  }
0x263: {  	v3 =	vmul.f32 $2.550000000e+02, v3;
	v14 =	vmin.f32 v14, $1.000000000e+00;
	v8 =	vmax.f32 v8, $0.0e+00;
	v22 =	vld [tilespmem:s0+$0x77E0]  }
0x264: {  	v1 =	vmul.f32 $2.550000000e+02, v1;
	v8 =	vmin.f32 v8, $1.000000000e+00;
	v15 =	vmax.f32 v15, $0.0e+00;
	v23 =	vld [tilespmem:s0+$0x77F0];
	[tilespmem:s0+$0x11800] =	vst v4  }
0x265: {  	v4 =	vmul.f32 $2.550000000e+02, v10;
	v10 =	vmin.f32 v15, $1.000000000e+00;
	v15 =	vmax.f32 v16, $0.0e+00  }
0x266: {  	v11 =	vmul.f32 $2.550000000e+02, v11;
	v15 =	vmin.f32 v15, $1.000000000e+00;
	v16 =	vmax.f32 v20, $0.0e+00  }
0x267: {  	v14 =	vmul.f32 $2.550000000e+02, v14;
	v16 =	vmin.f32 v16, $1.000000000e+00;
	v20 =	vmax.f32 v21, $0.0e+00  }
0x268: {  	v21 =	vmul.f32 $2.550000000e+02, v8;
	v8 =	vmin.f32 v20, $1.000000000e+00;
	v20 =	vmax.f32 v22, $0.0e+00  }
0x269: {  	v22 =	vmul.f32 $2.550000000e+02, v10;
	v10 =	vmin.f32 v20, $1.000000000e+00;
	v20 =	vmax.f32 v23, $0.0e+00  }
0x26a: {  	v15 =	vmul.f32 $2.550000000e+02, v15;
	v16 =	vmul.f32 $2.550000000e+02, v16;
	v20 =	vmin.f32 v20, $1.000000000e+00  }
0x26b: {  	v23 =	vadd.f32 $8.388608000e+06, v0;
	v0 =	vmul.f32 $2.550000000e+02, v8;
	v24 =	vmul.f32 $2.550000000e+02, v10  }
0x26c: {  	v25 =	vadd.f32 $8.388608000e+06, v7;
	v26 =	vadd.f32 $8.388608000e+06, v6;
	v20 =	vmul.f32 $2.550000000e+02, v20  }
0x26d: {  	v27 =	vadd.f32 $8.388608000e+06, v3;
	v8 =	vadd.f32 $8.388608000e+06, v1;
	v1 =	vmul.f32 $3.921568860e-03, v9  }
0x26e: {  	v7 =	vadd.f32 $8.388608000e+06, v11;
	v10 =	vadd.f32 $8.388608000e+06, v4;
	v4 =	vmul.f32 $3.921568860e-03, v2  }
0x26f: {  	v11 =	vmul.f32 $3.921568860e-03, v5;
	v9 =	vadd.f32 $8.388608000e+06, v14;
	v2 =	vadd.f32 $8.388608000e+06, v21;
	[tilespmem:s6+$0x11780] =	vst v1  }
.Ltmp8:
0x270: {  	v13 =	vmul.f32 $3.921568860e-03, v13;
	v3 =	vadd.f32 $8.388608000e+06, v15;
	v5 =	vadd.f32 $8.388608000e+06, v22;
	[tilespmem:s6+$0x11790] =	vst v4;
	(pc) =	sbr.rel @p0 .LBB2_10-.Ltmp8, $4  }
0x271: {  	v6 =	vadd.f32 $8.388608000e+06, v16;
	v1 =	vadd.f32 $8.388608000e+06, v0;
	[tilespmem:s6+$0x117A0] =	vst v11;
	v11 =	vmul.f32 $3.921568860e-03, v18  }
0x272: {  	v16 =	vmul.f32 $3.921568860e-03, v12;
	v0 =	vadd.f32 $8.388608000e+06, v20;
	v4 =	vadd.f32 $8.388608000e+06, v24;
	[tilespmem:s6+$0x117B0] =	vst v13  }
0x273: {  	v15 =	vmul.f32 $3.921568860e-03, v19;
	v14 =	vadd.f32 $-8.388608000e+06, v23;
	v13 =	vadd.f32 $-8.388608000e+06, v25;
	[tilespmem:s6+$0x117C0] =	vst v11  }
0x274: {  	s7 =	sshra.s32 s8, $0x2;
	s8 =	sadd.s32 $0x400, s8;
	v12 =	vadd.f32 $-8.388608000e+06, v26;
	v11 =	vadd.f32 $-8.388608000e+06, v27;
	[tilespmem:s6+$0x117D0] =	vst v16;
	v16 =	vmul.f32 $3.921568860e-03, v17  }
0x275: {  	v8 =	vadd.f32 $-8.388608000e+06, v8;
	v10 =	vadd.f32 $-8.388608000e+06, v10  }
0x276: {  	v14 =	vmul.f32 $3.921568860e-03, v14;
	v7 =	vadd.f32 $-8.388608000e+06, v7;
	v9 =	vadd.f32 $-8.388608000e+06, v9  }
0x277: {  	v17 =	vld [tilespmem:s7+$0x7800];
	[tilespmem:s6+$0x117E0] =	vst v15;
	v13 =	vmul.f32 $3.921568860e-03, v13;
	v2 =	vadd.f32 $-8.388608000e+06, v2;
	v5 =	vadd.f32 $-8.388608000e+06, v5  }
0x278: {  	v3 =	vadd.f32 $-8.388608000e+06, v3;
	v15 =	vld [tilespmem:s7+$0x7710];
	[tilespmem:s6+$0x117F0] =	vst v16;
	v12 =	vmul.f32 $3.921568860e-03, v12;
	v11 =	vmul.f32 $3.921568860e-03, v11  }
0x279: {  	v6 =	vadd.f32 $-8.388608000e+06, v6;
	v16 =	vld [tilespmem:s7+$0x7720];
	[tilespmem:s0+$0x11710] =	vst v14;
	v8 =	vmul.f32 $3.921568860e-03, v8;
	v10 =	vmul.f32 $3.921568860e-03, v10  }
0x27a: {  	v1 =	vadd.f32 $-8.388608000e+06, v1;
	v7 =	vmul.f32 $3.921568860e-03, v7;
	v9 =	vmul.f32 $3.921568860e-03, v9;
	v14 =	vld [tilespmem:s7+$0x7730];
	[tilespmem:s0+$0x11720] =	vst v13  }
0x27b: {  	v4 =	vadd.f32 $-8.388608000e+06, v4;
	v2 =	vmul.f32 $3.921568860e-03, v2;
	v5 =	vmul.f32 $3.921568860e-03, v5;
	v13 =	vld [tilespmem:s7+$0x7740];
	[tilespmem:s0+$0x11730] =	vst v12  }
0x27c: {  	v0 =	vadd.f32 $-8.388608000e+06, v0;
	v38 =	vmul.f32 $3.921568860e-03, v3;
	v40 =	vmul.f32 $3.921568860e-03, v6;
	v12 =	vld [tilespmem:s7+$0x7750];
	[tilespmem:s0+$0x11740] =	vst v11  }
0x27d: {  	v1 =	vmul.f32 $3.921568860e-03, v1;
	v4 =	vmul.f32 $3.921568860e-03, v4;
	v28 =	vmax.f32 v17, $0.0e+00;
	v11 =	vld [tilespmem:s7+$0x7760];
	[tilespmem:s0+$0x11750] =	vst v8  }
0x27e: {  	v0 =	vmul.f32 $3.921568860e-03, v0;
	v15 =	vmax.f32 v15, $0.0e+00;
	v8 =	vmin.f32 v28, $1.000000000e+00;
	v29 =	vld [tilespmem:s7+$0x7770];
	[tilespmem:s0+$0x11760] =	vst v10  }
0x27f: {  	v30 =	vmin.f32 v15, $1.000000000e+00;
	v31 =	vmax.f32 v16, $0.0e+00;
	v8 =	vmul.f32 $2.550000000e+02, v8;
	v32 =	vld [tilespmem:s7+$0x7780];
	[tilespmem:s0+$0x11770] =	vst v7  }
0x280: {  	v10 =	vmul.f32 $2.550000000e+02, v30;
	v14 =	vmax.f32 v14, $0.0e+00;
	v33 =	vmin.f32 v31, $1.000000000e+00;
	v34 =	vld [tilespmem:s7+$0x7790]  }
0x281: {  	v14 =	vmin.f32 v14, $1.000000000e+00;
	v13 =	vmax.f32 v13, $0.0e+00;
	v8 =	vadd.f32 $8.388608000e+06, v8;
	v18 =	vld [tilespmem:s7+$0x77A0]  }
0x282: {  	v7 =	vmul.f32 $2.550000000e+02, v33;
	v19 =	vld [tilespmem:s7+$0x77B0];
	v12 =	vmax.f32 v12, $0.0e+00;
	v13 =	vmin.f32 v13, $1.000000000e+00  }
0x283: {  	v20 =	vld [tilespmem:s7+$0x77C0];
	v14 =	vmul.f32 $2.550000000e+02, v14;
	v39 =	vadd.f32 $8.388608000e+06, v10;
	v12 =	vmin.f32 v12, $1.000000000e+00  }
0x284: {  	v21 =	vld [tilespmem:s7+$0x77D0];
	v11 =	vmax.f32 v11, $0.0e+00;
	v8 =	vadd.f32 $-8.388608000e+06, v8;
	v13 =	vmul.f32 $2.550000000e+02, v13  }
0x285: {  	v22 =	vld [tilespmem:s7+$0x77E0];
	v41 =	vadd.f32 $8.388608000e+06, v7;
	v17 =	vmax.f32 v29, $0.0e+00;
	v11 =	vmin.f32 v11, $1.000000000e+00  }
0x286: {  	v23 =	vld [tilespmem:s7+$0x77F0];
	v12 =	vmul.f32 $2.550000000e+02, v12;
	v42 =	vadd.f32 $8.388608000e+06, v14;
	v3 =	vadd.f32 $-8.388608000e+06, v39  }
0x287: {  	v17 =	vmin.f32 v17, $1.000000000e+00;
	v16 =	vmax.f32 v32, $0.0e+00;
	v8 =	vmul.f32 $3.921568860e-03, v8  }
0x288: {  	v11 =	vmul.f32 $2.550000000e+02, v11;
	v44 =	vadd.f32 $8.388608000e+06, v13;
	v6 =	vadd.f32 $-8.388608000e+06, v41  }
0x289: {  	v15 =	vmax.f32 v34, $0.0e+00;
	v16 =	vmin.f32 v16, $1.000000000e+00;
	v18 =	vmax.f32 v18, $0.0e+00  }
0x28a: {  	v19 =	vmax.f32 v19, $0.0e+00;
	v17 =	vmul.f32 $2.550000000e+02, v17;
	v20 =	vmax.f32 v20, $0.0e+00;
	[tilespmem:s7+$0x11800] =	vst v8  }
0x28b: {  	v21 =	vmax.f32 v21, $0.0e+00;
	v22 =	vmax.f32 v22, $0.0e+00;
	v36 =	vmax.f32 v23, $0.0e+00;
	[tilespmem:s0+$0x11780] =	vst v9  }
0x28c: {  	v45 =	vadd.f32 $8.388608000e+06, v12;
	v7 =	vadd.f32 $-8.388608000e+06, v42;
	v3 =	vmul.f32 $3.921568860e-03, v3;
	[tilespmem:s0+$0x11790] =	vst v2  }
0x28d: {  	v15 =	vmin.f32 v15, $1.000000000e+00;
	v18 =	vmin.f32 v18, $1.000000000e+00;
	v19 =	vmin.f32 v19, $1.000000000e+00;
	[tilespmem:s0+$0x117A0] =	vst v5  }
0x28e: {  	v16 =	vmul.f32 $2.550000000e+02, v16;
	v20 =	vmin.f32 v20, $1.000000000e+00;
	v21 =	vmin.f32 v21, $1.000000000e+00;
	[tilespmem:s0+$0x117B0] =	vst v38  }
0x28f: {  	v35 =	vmin.f32 v22, $1.000000000e+00;
	v6 =	vmul.f32 $3.921568860e-03, v6;
	v15 =	vmul.f32 $2.550000000e+02, v15;
	[tilespmem:s0+$0x117C0] =	vst v40  }
0x290: {  	v37 =	vmin.f32 v36, $1.000000000e+00;
	v18 =	vmul.f32 $2.550000000e+02, v18;
	v19 =	vmul.f32 $2.550000000e+02, v19;
	[tilespmem:s0+$0x117D0] =	vst v1  }
0x291: {  	v46 =	vadd.f32 $8.388608000e+06, v11;
	v20 =	vmul.f32 $2.550000000e+02, v20;
	v21 =	vmul.f32 $2.550000000e+02, v21;
	[tilespmem:s0+$0x117E0] =	vst v4  }
0x292: {  	v8 =	vmul.f32 $2.550000000e+02, v35;
	v43 =	vmul.f32 $2.550000000e+02, v37;
	v5 =	vadd.f32 $-8.388608000e+06, v44;
	[tilespmem:s0+$0x117F0] =	vst v0  }
0x293: {  	v47 =	vadd.f32 $8.388608000e+06, v17;
	v1 =	vadd.f32 $-8.388608000e+06, v45;
	v48 =	vmul.f32 $3.921568860e-03, v7;
	[tilespmem:s7+$0x11710] =	vst v3  }
0x294: {  	v49 =	vadd.f32 $8.388608000e+06, v16;
	v4 =	vadd.f32 $-8.388608000e+06, v46;
	[tilespmem:s7+$0x11720] =	vst v6;
	v5 =	vmul.f32 $3.921568860e-03, v5  }
0x295: {  	v50 =	vadd.f32 $8.388608000e+06, v15;
	v0 =	vadd.f32 $-8.388608000e+06, v47;
	[tilespmem:s7+$0x11730] =	vst v48;
	v1 =	vmul.f32 $3.921568860e-03, v1  }
0x296: {  	v51 =	vadd.f32 $8.388608000e+06, v18;
	v7 =	vadd.f32 $-8.388608000e+06, v49;
	v4 =	vmul.f32 $3.921568860e-03, v4;
	[tilespmem:s7+$0x11740] =	vst v5  }
0x297: {  	v52 =	vadd.f32 $8.388608000e+06, v19;
	v6 =	vadd.f32 $-8.388608000e+06, v50;
	[tilespmem:s7+$0x11750] =	vst v1;
	v0 =	vmul.f32 $3.921568860e-03, v0  }
0x298: {  	v53 =	vadd.f32 $8.388608000e+06, v20;
	v3 =	vadd.f32 $-8.388608000e+06, v51;
	[tilespmem:s7+$0x11760] =	vst v4;
	v54 =	vmul.f32 $3.921568860e-03, v7  }
0x299: {  	v55 =	vadd.f32 $8.388608000e+06, v21;
	v5 =	vadd.f32 $-8.388608000e+06, v52;
	[tilespmem:s7+$0x11770] =	vst v0;
	v56 =	vmul.f32 $3.921568860e-03, v6  }
0x29a: {  	v57 =	vadd.f32 $8.388608000e+06, v8;
	v1 =	vadd.f32 $-8.388608000e+06, v53;
	v3 =	vmul.f32 $3.921568860e-03, v3;
	[tilespmem:s7+$0x11780] =	vst v54  }
0x29b: {  	v2 =	vadd.f32 $8.388608000e+06, v43;
	v58 =	vadd.f32 $-8.388608000e+06, v55;
	v59 =	vmul.f32 $3.921568860e-03, v5;
	[tilespmem:s7+$0x11790] =	vst v56  }
0x29c: {  	v60 =	vadd.f32 $-8.388608000e+06, v57;
	v1 =	vmul.f32 $3.921568860e-03, v1;
	[tilespmem:s7+$0x117A0] =	vst v3  }
0x29d: {  	v2 =	vadd.f32 $-8.388608000e+06, v2;
	v61 =	vmul.f32 $3.921568860e-03, v58;
	[tilespmem:s7+$0x117B0] =	vst v59  }
.Ltmp9:
0x29e: {  	v62 =	vmul.f32 $3.921568860e-03, v60;
	[tilespmem:s7+$0x117C0] =	vst v1;
	(pc) =	sbr.rel .LBB2_12-.Ltmp9, $4  }
0x29f: {  	s16 =	smul.u32 $0x500, s1;
	v63 =	vmul.f32 $3.921568860e-03, v2;
	[tilespmem:s7+$0x117D0] =	vst v61  }
0x2a0: {  	[tilespmem:s7+$0x117E0] =	vst v62  }
0x2a1: {  	s0 =	sadd.s32 s3, s16;
	[tilespmem:s7+$0x117F0] =	vst v63  }
0x2a2: {  	[hbm4b:s0+s5] =	stream.linear.scatter [tilespmem:s24], [sflag:$0x8], $0x2800, $0x38;
	[tilespmem:$0x14000] =	vst v63  }
.LBB2_14:
0x2a3: {  	_ =	sfence.sel $0x180000  }
0x2a4: {  	[bflag:$0x0] =	sbarrier.arrive $0xFFFF  }
0x2a5: {  	_ =	strace $0x90000047  }
0x2a6: {  	s0 =	stileid.u32;
	[bflag:$0x2] =	sbarrier.arrive $0xFFFF  }
0x2a7: {  	p0 =	sne.s32 s0, $0x0;
	s0 =	rddreg [dreg:$0x2]  }
0x2a8: {  	s0 =	sadd.s32 @!p0 $0x100000, s0  }
0x2a9: {  	[sflag:s0] =	ssyncadd.tile.s32 @!p0 $0x1;
	_ =	shalt  }
.Lfunc_end2:
_tile_overlayer_lowered:
.L_overlay_start_2:
0x2aa: {  	(tag) =	ssettag $0x2  }
0x2ab: {  	s0 =	rddreg [dreg:$0x0];
	s2 =	stileid.u32  }
0x2ac: {  	s1 =	rddreg [dreg:$0x1];
	p0 =	sne.s32 s2, $0x0  }
0x2ad: {  	s3 =	rddreg [dreg:$0x2];
	[bflag:$0x3] =	sbarrier.arrive $0xFFFF;
	s2 =	simm.s32 @!p0 $0x1C09  }
0x2ae: {  	[timem:s3], [sflag:s2] =	dma.local @!p0 [hbm:s0], s1  }
0x2af: {  	s0 =	simm.s32 @!p0 $0x9  }
0x2b0: {  	_ =	swait.ge @!p0 [sflag:s0], s1  }
0x2b1: {  	s1 =	ssub.s32 @!p0 $0x0, s1;
	[sflag:s0] =	ssyncset.done @!p0 $0x0  }
0x2b2: {  	[sflag:s0] =	ssyncadd.s32 @!p0 s1  }
0x2b3: {  	[bflag:$0x3] =	sbarrier.arrive $0xFFFF  }
0x2b4: {  	_ =	shalt  }

</sc_bundles>
